<compile_context>
chip_gen: v7x
topology: tpu7x:2x2x1
jax: 0.10.2.dev20260603
libtpu: 0.0.44.dev20260713+nightly
codegen_flags: <defaults>
</compile_context>

<pallas_src>
import functools

import jax
import jax.numpy as jnp
from jax import lax
from jax.experimental import pallas as pl
from jax.experimental.pallas import tpu as pltpu
from jax.experimental.pallas import tpu_sc as plsc

N = 10000
E = 320000
C = 128
SW = 16
BN = 1000
NB = N // BN
NWORK = 32
EPW = E // NWORK
CHUNK = 80
NCHUNK = EPW // CHUNK
GROUPS = CHUNK // 16
ROWS_PER_TILE = N // 16


def _prep_body(x_ref, w_ref, a2_ref, h_ref, side_ref, amax_ref):
    i = pl.program_id(0)
    h = lax.dot_general(x_ref[...], w_ref[...], (((1,), (0,)), ((), ())),
                        preferred_element_type=jnp.float32,
                        precision=lax.Precision.DEFAULT)
    al = lax.dot_general(h, a2_ref[...], (((1,), (0,)), ((), ())),
                         preferred_element_type=jnp.float32,
                         precision=lax.Precision.HIGHEST)
    h_ref[...] = h
    side_ref[...] = jnp.concatenate(
        [al, jnp.zeros((BN, SW - 2), jnp.float32)], axis=1)
    bm = jnp.full((1, 128), jnp.max(al[:, 0]), jnp.float32)

    @pl.when(i == 0)
    def _():
        amax_ref[...] = bm

    @pl.when(i > 0)
    def _():
        amax_ref[...] = jnp.maximum(amax_ref[...], bm)


def _fin_body(p0_ref, p1_ref, d0_ref, d1_ref, b_ref, o_ref):
    num = p0_ref[0] + p1_ref[0]
    den = d0_ref[0, :, 0:1] + d1_ref[0, :, 0:1] + 1e-9
    o = num / den + b_ref[...]
    o_ref[...] = jnp.maximum(o, 0.3 * o)


def _sc_body(h_hbm, side_hbm, amax_hbm, src_hbm, dst_hbm,
             outh_hbm, outd_hbm,
             si_v, didx_v, scat_v, rows_v, dens_v, ss_v, sd_v, a_tab,
             acc_h, acc_d, gsem, ssem, isem):
    c = lax.axis_index("c")
    s = lax.axis_index("s")
    wid = c * 16 + s

    pltpu.sync_copy(amax_hbm, a_tab)
    ebase = wid * EPW

    @pl.loop(0, CHUNK)
    def _(i):
        for j in range(C // 16):
            rows_v[i, pl.ds(j * 16, 16)] = jnp.zeros((16,), jnp.float32)
        dens_v[i, :] = jnp.zeros((16,), jnp.float32)

    stripe = s * ROWS_PER_TILE

    @pl.loop(0, ROWS_PER_TILE // CHUNK)
    def _(k):
        pltpu.sync_copy(rows_v.at[pl.ds(0, CHUNK)],
                        acc_h.at[pl.ds(stripe + k * CHUNK, CHUNK)])
        pltpu.sync_copy(dens_v.at[pl.ds(0, CHUNK)],
                        acc_d.at[pl.ds(stripe + k * CHUNK, CHUNK)])

    rem = ROWS_PER_TILE % CHUNK
    if rem:
        base = stripe + (ROWS_PER_TILE // CHUNK) * CHUNK
        pltpu.sync_copy(rows_v.at[pl.ds(0, rem)], acc_h.at[pl.ds(base, rem)])
        pltpu.sync_copy(dens_v.at[pl.ds(0, rem)], acc_d.at[pl.ds(base, rem)])

    plsc.subcore_barrier()

    a_reg = a_tab[...]
    lane = lax.iota(jnp.int32, 16)
    col0 = jnp.full((16,), 0, jnp.int32)
    col1 = jnp.full((16,), 1, jnp.int32)

    base0 = pl.multiple_of(ebase, 8)
    pltpu.async_copy(src_hbm.at[pl.ds(base0, CHUNK)], si_v.at[0], isem)
    pltpu.async_copy(dst_hbm.at[pl.ds(base0, CHUNK)], didx_v.at[0], isem)
    pltpu.make_async_copy(src_hbm.at[pl.ds(base0, CHUNK)], si_v.at[0], isem).wait()
    pltpu.make_async_copy(dst_hbm.at[pl.ds(base0, CHUNK)], didx_v.at[0], isem).wait()
    pltpu.async_copy(h_hbm.at[si_v.at[0]], rows_v.at[pl.ds(0, CHUNK)], gsem)
    pltpu.async_copy(side_hbm.at[si_v.at[0]], ss_v.at[pl.ds(0, CHUNK)], gsem)
    pltpu.async_copy(side_hbm.at[didx_v.at[0]], sd_v.at[pl.ds(0, CHUNK)], gsem)
    base1 = pl.multiple_of(ebase + CHUNK, 8)
    pltpu.async_copy(src_hbm.at[pl.ds(base1, CHUNK)], si_v.at[1], isem)
    pltpu.async_copy(dst_hbm.at[pl.ds(base1, CHUNK)], didx_v.at[1], isem)

    def _wait_gathers(off):
        pltpu.make_async_copy(h_hbm.at[si_v.at[0]],
                              rows_v.at[pl.ds(off, CHUNK)], gsem).wait()
        pltpu.make_async_copy(side_hbm.at[si_v.at[0]],
                              ss_v.at[pl.ds(off, CHUNK)], gsem).wait()
        pltpu.make_async_copy(side_hbm.at[didx_v.at[0]],
                              sd_v.at[pl.ds(off, CHUNK)], gsem).wait()

    def _wait_scatters(off, sb):
        pltpu.make_async_copy(rows_v.at[pl.ds(off, CHUNK)],
                              acc_h.at[scat_v.at[sb]], ssem).wait()
        pltpu.make_async_copy(dens_v.at[pl.ds(off, CHUNK)],
                              acc_d.at[scat_v.at[sb]], ssem).wait()

    @pl.loop(0, NCHUNK)
    def _(ci):
        b = lax.rem(ci, 2)
        off = b * CHUNK
        oth = (1 - b) * CHUNK
        _wait_gathers(off)
        @pl.when(ci >= 1)
        def _():
            _wait_scatters(oth, 1 - b)

        @pl.when(ci + 1 < NCHUNK)
        def _():
            pltpu.make_async_copy(src_hbm.at[pl.ds(base0, CHUNK)],
                                  si_v.at[1 - b], isem).wait()
            pltpu.make_async_copy(dst_hbm.at[pl.ds(base0, CHUNK)],
                                  didx_v.at[1 - b], isem).wait()
            pltpu.async_copy(h_hbm.at[si_v.at[1 - b]],
                             rows_v.at[pl.ds(oth, CHUNK)], gsem)
            pltpu.async_copy(side_hbm.at[si_v.at[1 - b]],
                             ss_v.at[pl.ds(oth, CHUNK)], gsem)
            pltpu.async_copy(side_hbm.at[didx_v.at[1 - b]],
                             sd_v.at[pl.ds(oth, CHUNK)], gsem)

        @pl.loop(0, GROUPS)
        def _(g):
            didx = didx_v[b, pl.ds(g * 16, 16)]
            scat_v[b, pl.ds(g * 16, 16)] = didx
            as_v = plsc.load_gather(ss_v, [off + g * 16 + lane, col0])
            p_v = plsc.load_gather(sd_v, [off + g * 16 + lane, col1])
            t = as_v + p_v
            lr = jnp.maximum(t, 0.2 * t)
            t2 = a_reg + p_v
            q = jnp.maximum(t2, 0.2 * t2)
            w = jnp.exp(lr - q)
            for k in range(16):
                wk = jnp.broadcast_to(w[k], (16,))
                row = off + g * 16 + k
                dens_v[row, :] = wk
                for j in range(C // 16):
                    rows_v[row, pl.ds(j * 16, 16)] = (
                        rows_v[row, pl.ds(j * 16, 16)] * wk)

        @pl.when(ci + 2 < NCHUNK)
        def _():
            nxt = pl.multiple_of(ebase + (ci + 2) * CHUNK, 8)
            pltpu.async_copy(src_hbm.at[pl.ds(nxt, CHUNK)], si_v.at[b], isem)
            pltpu.async_copy(dst_hbm.at[pl.ds(nxt, CHUNK)], didx_v.at[b], isem)

        pltpu.async_copy(rows_v.at[pl.ds(off, CHUNK)],
                         acc_h.at[scat_v.at[b]], ssem, add=True)
        pltpu.async_copy(dens_v.at[pl.ds(off, CHUNK)],
                         acc_d.at[scat_v.at[b]], ssem, add=True)

    lb = (NCHUNK - 1) % 2
    _wait_scatters(lb * CHUNK, lb)
    plsc.subcore_barrier()
    pltpu.sync_copy(acc_h.at[pl.ds(stripe, ROWS_PER_TILE)],
                    outh_hbm.at[c].at[pl.ds(stripe, ROWS_PER_TILE)])
    pltpu.sync_copy(acc_d.at[pl.ds(stripe, ROWS_PER_TILE)],
                    outd_hbm.at[c].at[pl.ds(stripe, ROWS_PER_TILE)])


@functools.partial(
    pl.kernel,
    out_type=[jax.ShapeDtypeStruct((2, N, C), jnp.float32),
              jax.ShapeDtypeStruct((2, N, SW), jnp.float32)],
    mesh=plsc.VectorSubcoreMesh(core_axis_name="c", subcore_axis_name="s",
                                num_cores=2, num_subcores=16),
    scratch_types=[
        pltpu.VMEM((2, CHUNK), jnp.int32),
        pltpu.VMEM((2, CHUNK), jnp.int32),
        pltpu.VMEM((2, CHUNK), jnp.int32),
        pltpu.VMEM((2 * CHUNK, C), jnp.float32),
        pltpu.VMEM((2 * CHUNK, SW), jnp.float32),
        pltpu.VMEM((2 * CHUNK, SW), jnp.float32),
        pltpu.VMEM((2 * CHUNK, SW), jnp.float32),
        pltpu.VMEM((16,), jnp.float32),
        pltpu.VMEM_SHARED((N, C), jnp.float32),
        pltpu.VMEM_SHARED((N, SW), jnp.float32),
        pltpu.SemaphoreType.DMA,
        pltpu.SemaphoreType.DMA,
        pltpu.SemaphoreType.DMA,
    ],
    compiler_params=pltpu.CompilerParams(use_tc_tiling_on_sc=False,
                                         needs_layout_passes=False),
)
def _sc_edge_kernel(h_hbm, side_hbm, amax_hbm, src_hbm, dst_hbm,
                    outh_hbm, outd_hbm,
                    si_v, didx_v, scat_v, rows_v, dens_v, ss_v, sd_v, a_tab,
                    acc_h, acc_d, gsem, ssem, isem):
    _sc_body(h_hbm, side_hbm, amax_hbm, src_hbm, dst_hbm,
             outh_hbm, outd_hbm,
             si_v, didx_v, scat_v, rows_v, dens_v, ss_v, sd_v, a_tab,
             acc_h, acc_d, gsem, ssem, isem)


def kernel(x, edge_index, W, a_src, a_dst, b):
    src = edge_index[0].astype(jnp.int32)
    dst = edge_index[1].astype(jnp.int32)
    a2 = jnp.stack([a_src, a_dst], axis=1)

    h, side, amax = pl.pallas_call(
        _prep_body,
        grid=(NB,),
        in_specs=[
            pl.BlockSpec((BN, C), lambda i: (i, 0)),
            pl.BlockSpec((C, C), lambda i: (0, 0)),
            pl.BlockSpec((C, 2), lambda i: (0, 0)),
        ],
        out_specs=[
            pl.BlockSpec((BN, C), lambda i: (i, 0)),
            pl.BlockSpec((BN, SW), lambda i: (i, 0)),
            pl.BlockSpec((1, 128), lambda i: (0, 0)),
        ],
        out_shape=[
            jax.ShapeDtypeStruct((N, C), jnp.float32),
            jax.ShapeDtypeStruct((N, SW), jnp.float32),
            jax.ShapeDtypeStruct((1, 128), jnp.float32),
        ],
    )(x, W, a2)

    amax16 = amax[0, :16]

    part_h, part_d = _sc_edge_kernel(h, side, amax16, src, dst)

    out = pl.pallas_call(
        _fin_body,
        grid=(NB,),
        in_specs=[
            pl.BlockSpec((1, BN, C), lambda i: (0, i, 0)),
            pl.BlockSpec((1, BN, C), lambda i: (1, i, 0)),
            pl.BlockSpec((1, BN, SW), lambda i: (0, i, 0)),
            pl.BlockSpec((1, BN, SW), lambda i: (1, i, 0)),
            pl.BlockSpec((1, C), lambda i: (0, 0)),
        ],
        out_specs=pl.BlockSpec((BN, C), lambda i: (i, 0)),
        out_shape=jax.ShapeDtypeStruct((N, C), jnp.float32),
    )(part_h, part_h, part_d, part_d, b.reshape(1, C))
    return out

# --- scband reference (transcript-rebuilt; emitter-appended) ---
"""Pipeline reference for scband-graph-attention-layer-36679020708339 (READ-ONLY COPY).

The authoritative reference and input builder live on the scoring server;
editing this copy changes nothing except your own understanding.
"""

import jax, jax.numpy as jnp
import numpy as np

N_NODES = 10000
N_EDGES = 320000
D_IN = 128
CHANNELS = 128

def setup_inputs(seed: int = 0) -> dict:
    key = jax.random.key(seed)
    k1, k2, k3, k4, k5, k6 = jax.random.split(key, 6)
    x = jax.random.normal(k1, (N_NODES, D_IN), dtype=jnp.float32)
    edge_index = jax.random.randint(k2, (2, N_EDGES), 0, N_NODES, dtype=jnp.int64)
    # GATConv parameters (single head, concat): kernel, attention kernels (self/neigh split), bias
    W = jax.random.normal(k3, (D_IN, CHANNELS), dtype=jnp.float32) * (1.0 / np.sqrt(D_IN))
    a_src = jax.random.normal(k4, (CHANNELS,), dtype=jnp.float32) * 0.1
    a_dst = jax.random.normal(k5, (CHANNELS,), dtype=jnp.float32) * 0.1
    b = jnp.zeros((CHANNELS,), dtype=jnp.float32)
    return {"x": x, "edge_index": edge_index, "W": W, "a_src": a_src, "a_dst": a_dst, "b": b}

def reference(x, edge_index, W, a_src, a_dst, b):
    n = x.shape[0]
    src = edge_index[0]
    dst = edge_index[1]
    # Linear transform
    h = x @ W  # [N, C]
    # Attention logits per edge: LeakyReLU(0.2)(a_dst . h[dst] + a_src . h[src])  (spektral GATConv internal alpha=0.2)
    alpha_s = h @ a_src  # [N]
    alpha_d = h @ a_dst  # [N]
    e = jax.nn.leaky_relu(alpha_s[src] + alpha_d[dst], negative_slope=0.2)  # [E]
    # Segment softmax over incoming edges of each dst node
    seg_max = jax.ops.segment_max(e, dst, num_segments=n)
    seg_max = jnp.where(jnp.isfinite(seg_max), seg_max, 0.0)
    e_exp = jnp.exp(e - seg_max[dst])
    denom = jax.ops.segment_sum(e_exp, dst, num_segments=n)
    coef = e_exp / (denom[dst] + 1e-9)  # [E]
    # Weighted aggregation (gather h[src], scatter-add to dst)
    msgs = coef[:, None] * h[src]  # [E, C]
    out = jax.ops.segment_sum(msgs, dst, num_segments=n) + b  # [N, C]
    # Outer activation of GraphAttentionLayer: LeakyReLU(0.3)
    return jax.nn.leaky_relu(out, negative_slope=0.3)

if __name__ == "__main__":
    import jax
    _d = setup_inputs()
    print(jax.jit(kernel)(*tuple(_d.values())))

</pallas_src>

<mosaic_0001>
#map = affine_map<(d0, d1) -> (0, 0)>
#map1 = affine_map<(d0, d1) -> (0)>
#map2 = affine_map<(d0, d1) -> (0, 0, 0)>
module attributes {stable_mosaic.version = 14 : i64} {
  func.func @_sc_edge_kernel(%arg0: i32, %arg1: i32, %arg2: memref<10000x128xf32, #tpu.memory_space<hbm>>, %arg3: memref<10000x16xf32, #tpu.memory_space<hbm>>, %arg4: memref<16xf32, #tpu.memory_space<hbm>>, %arg5: memref<320000xi32, #tpu.memory_space<hbm>>, %arg6: memref<320000xi32, #tpu.memory_space<hbm>>, %arg7: memref<2x10000x128xf32, #tpu.memory_space<hbm>>, %arg8: memref<2x10000x16xf32, #tpu.memory_space<hbm>>, %arg9: memref<2x80xi32, #tpu.memory_space<vmem>>, %arg10: memref<2x80xi32, #tpu.memory_space<vmem>>, %arg11: memref<2x80xi32, #tpu.memory_space<vmem>>, %arg12: memref<160x128xf32, #tpu.memory_space<vmem>>, %arg13: memref<160x16xf32, #tpu.memory_space<vmem>>, %arg14: memref<160x16xf32, #tpu.memory_space<vmem>>, %arg15: memref<160x16xf32, #tpu.memory_space<vmem>>, %arg16: memref<16xf32, #tpu.memory_space<vmem>>, %arg17: memref<10000x128xf32, #tpu.memory_space<vmem_shared>>, %arg18: memref<10000x16xf32, #tpu.memory_space<vmem_shared>>, %arg19: memref<!tpu.dma_semaphore, #tpu.memory_space<semaphore_mem>>, %arg20: memref<!tpu.dma_semaphore, #tpu.memory_space<semaphore_mem>>, %arg21: memref<!tpu.dma_semaphore, #tpu.memory_space<semaphore_mem>>) attributes {dimension_semantics = [#tpu.dimension_semantics<core_parallel>, #tpu.dimension_semantics<subcore_parallel>], iteration_bounds = array<i64: 2, 16>, scalar_prefetch = 0 : i64, scratch_operands = 13 : i64, tpu.core_type = #tpu.core_type<sc_vector_subcore>, window_params = [{transform_indices = #map}, {transform_indices = #map}, {transform_indices = #map1}, {transform_indices = #map1}, {transform_indices = #map1}, {transform_indices = #map2}, {transform_indices = #map2}]} {
    %mul3A = arith.constant 16 : i32
    %mul3A_0 = arith.muli %arg0, %mul3A : i32
    %add3A = arith.addi %mul3A_0, %arg1 : i32
    "tpu.region"() ({
      %run_scoped3A = tpu.sem_alloc : memref<!tpu.dma_semaphore, #tpu.memory_space<semaphore_mem>>
      tpu.enqueue_dma source(%arg4 : memref<16xf32, #tpu.memory_space<hbm>>) target(%arg16 : memref<16xf32, #tpu.memory_space<vmem>>) target_semaphore(%run_scoped3A : memref<!tpu.dma_semaphore, #tpu.memory_space<semaphore_mem>>)
      tpu.wait_dma2 semaphore(%run_scoped3A : memref<!tpu.dma_semaphore, #tpu.memory_space<semaphore_mem>>) src(%arg4 : memref<16xf32, #tpu.memory_space<hbm>>) dst(%arg16 : memref<16xf32, #tpu.memory_space<vmem>>)
      tpu.yield
    }) : () -> ()
    %mul3A_1 = arith.constant 10000 : i32
    %mul3A_2 = arith.muli %add3A, %mul3A_1 : i32
    %scan3A = arith.constant 0 : i32
    %scan3A_3 = arith.constant 80 : i32
    %scan3A_4 = arith.addi %scan3A, %scan3A_3 : i32
    %scan3A_5 = arith.constant 1 : i32
    scf.for %scan3A_131 = %scan3A to %scan3A_4 step %scan3A_5  : i32 {
      %mul3A_132 = arith.constant 1 : i32
      %mul3A_133 = arith.muli %scan3A_131, %mul3A_132 : i32
      %add3A_134 = arith.constant 0 : i32
      %add3A_135 = arith.addi %add3A_134, %mul3A_133 : i32
      %broadcast_in_dim3A_136 = arith.constant 0.000000e+00 : f32
      %broadcast_in_dim3A_137 = vector.broadcast %broadcast_in_dim3A_136 : f32 to vector<16xf32>
      %swap3A = arith.index_cast %add3A_135 : i32 to index
      %swap3A_138 = arith.constant 0 : index
      %swap3A_139 = tpu.vector_load %arg12[%swap3A, %swap3A_138] {strides = array<i32>} : memref<160x128xf32, #tpu.memory_space<vmem>>, vector<16xf32>,
      tpu.vector_store %arg12[%swap3A, %swap3A_138], %broadcast_in_dim3A_137 {strides = array<i32>} : memref<160x128xf32, #tpu.memory_space<vmem>>, vector<16xf32>,
      %broadcast_in_dim3A_140 = arith.constant 0.000000e+00 : f32
      %broadcast_in_dim3A_141 = vector.broadcast %broadcast_in_dim3A_140 : f32 to vector<16xf32>
      %swap3A_142 = arith.index_cast %add3A_135 : i32 to index
      %swap3A_143 = arith.constant 16 : index
      %swap3A_144 = tpu.vector_load %arg12[%swap3A_142, %swap3A_143] {strides = array<i32>} : memref<160x128xf32, #tpu.memory_space<vmem>>, vector<16xf32>,
      tpu.vector_store %arg12[%swap3A_142, %swap3A_143], %broadcast_in_dim3A_141 {strides = array<i32>} : memref<160x128xf32, #tpu.memory_space<vmem>>, vector<16xf32>,
      %broadcast_in_dim3A_145 = arith.constant 0.000000e+00 : f32
      %broadcast_in_dim3A_146 = vector.broadcast %broadcast_in_dim3A_145 : f32 to vector<16xf32>
      %swap3A_147 = arith.index_cast %add3A_135 : i32 to index
      %swap3A_148 = arith.constant 32 : index
      %swap3A_149 = tpu.vector_load %arg12[%swap3A_147, %swap3A_148] {strides = array<i32>} : memref<160x128xf32, #tpu.memory_space<vmem>>, vector<16xf32>,
      tpu.vector_store %arg12[%swap3A_147, %swap3A_148], %broadcast_in_dim3A_146 {strides = array<i32>} : memref<160x128xf32, #tpu.memory_space<vmem>>, vector<16xf32>,
      %broadcast_in_dim3A_150 = arith.constant 0.000000e+00 : f32
      %broadcast_in_dim3A_151 = vector.broadcast %broadcast_in_dim3A_150 : f32 to vector<16xf32>
      %swap3A_152 = arith.index_cast %add3A_135 : i32 to index
      %swap3A_153 = arith.constant 48 : index
      %swap3A_154 = tpu.vector_load %arg12[%swap3A_152, %swap3A_153] {strides = array<i32>} : memref<160x128xf32, #tpu.memory_space<vmem>>, vector<16xf32>,
      tpu.vector_store %arg12[%swap3A_152, %swap3A_153], %broadcast_in_dim3A_151 {strides = array<i32>} : memref<160x128xf32, #tpu.memory_space<vmem>>, vector<16xf32>,
      %broadcast_in_dim3A_155 = arith.constant 0.000000e+00 : f32
      %broadcast_in_dim3A_156 = vector.broadcast %broadcast_in_dim3A_155 : f32 to vector<16xf32>
      %swap3A_157 = arith.index_cast %add3A_135 : i32 to index
      %swap3A_158 = arith.constant 64 : index
      %swap3A_159 = tpu.vector_load %arg12[%swap3A_157, %swap3A_158] {strides = array<i32>} : memref<160x128xf32, #tpu.memory_space<vmem>>, vector<16xf32>,
      tpu.vector_store %arg12[%swap3A_157, %swap3A_158], %broadcast_in_dim3A_156 {strides = array<i32>} : memref<160x128xf32, #tpu.memory_space<vmem>>, vector<16xf32>,
      %broadcast_in_dim3A_160 = arith.constant 0.000000e+00 : f32
      %broadcast_in_dim3A_161 = vector.broadcast %broadcast_in_dim3A_160 : f32 to vector<16xf32>
      %swap3A_162 = arith.index_cast %add3A_135 : i32 to index
      %swap3A_163 = arith.constant 80 : index
      %swap3A_164 = tpu.vector_load %arg12[%swap3A_162, %swap3A_163] {strides = array<i32>} : memref<160x128xf32, #tpu.memory_space<vmem>>, vector<16xf32>,
      tpu.vector_store %arg12[%swap3A_162, %swap3A_163], %broadcast_in_dim3A_161 {strides = array<i32>} : memref<160x128xf32, #tpu.memory_space<vmem>>, vector<16xf32>,
      %broadcast_in_dim3A_165 = arith.constant 0.000000e+00 : f32
      %broadcast_in_dim3A_166 = vector.broadcast %broadcast_in_dim3A_165 : f32 to vector<16xf32>
      %swap3A_167 = arith.index_cast %add3A_135 : i32 to index
      %swap3A_168 = arith.constant 96 : index
      %swap3A_169 = tpu.vector_load %arg12[%swap3A_167, %swap3A_168] {strides = array<i32>} : memref<160x128xf32, #tpu.memory_space<vmem>>, vector<16xf32>,
      tpu.vector_store %arg12[%swap3A_167, %swap3A_168], %broadcast_in_dim3A_166 {strides = array<i32>} : memref<160x128xf32, #tpu.memory_space<vmem>>, vector<16xf32>,
      %broadcast_in_dim3A_170 = arith.constant 0.000000e+00 : f32
      %broadcast_in_dim3A_171 = vector.broadcast %broadcast_in_dim3A_170 : f32 to vector<16xf32>
      %swap3A_172 = arith.index_cast %add3A_135 : i32 to index
      %swap3A_173 = arith.constant 112 : index
      %swap3A_174 = tpu.vector_load %arg12[%swap3A_172, %swap3A_173] {strides = array<i32>} : memref<160x128xf32, #tpu.memory_space<vmem>>, vector<16xf32>,
      tpu.vector_store %arg12[%swap3A_172, %swap3A_173], %broadcast_in_dim3A_171 {strides = array<i32>} : memref<160x128xf32, #tpu.memory_space<vmem>>, vector<16xf32>,
      %broadcast_in_dim3A_175 = arith.constant 0.000000e+00 : f32
      %broadcast_in_dim3A_176 = vector.broadcast %broadcast_in_dim3A_175 : f32 to vector<16xf32>
      %swap3A_177 = arith.index_cast %add3A_135 : i32 to index
      %swap3A_178 = arith.constant 0 : index
      %swap3A_179 = tpu.vector_load %arg13[%swap3A_177, %swap3A_178] {strides = array<i32>} : memref<160x16xf32, #tpu.memory_space<vmem>>, vector<16xf32>,
      tpu.vector_store %arg13[%swap3A_177, %swap3A_178], %broadcast_in_dim3A_176 {strides = array<i32>} : memref<160x16xf32, #tpu.memory_space<vmem>>, vector<16xf32>,
    }
    %scan3A_6 = arith.constant 80 : i32
    %mul3A_7 = arith.constant 625 : i32
    %mul3A_8 = arith.muli %arg1, %mul3A_7 : i32
    %scan3A_9 = arith.constant 0 : i32
    %scan3A_10 = arith.constant 7 : i32
    %scan3A_11 = arith.addi %scan3A_9, %scan3A_10 : i32
    %scan3A_12 = arith.constant 1 : i32
    scf.for %scan3A_131 = %scan3A_9 to %scan3A_11 step %scan3A_12  : i32 {
      %mul3A_132 = arith.constant 1 : i32
      %mul3A_133 = arith.muli %scan3A_131, %mul3A_132 : i32
      %add3A_134 = arith.constant 0 : i32
      %add3A_135 = arith.addi %add3A_134, %mul3A_133 : i32
      %mul3A_136 = arith.constant 80 : i32
      %mul3A_137 = arith.muli %add3A_135, %mul3A_136 : i32
      %add3A_138 = arith.addi %mul3A_8, %mul3A_137 : i32
      "tpu.region"() ({
        %run_scoped3A = tpu.sem_alloc : memref<!tpu.dma_semaphore, #tpu.memory_space<semaphore_mem>>
        %dma_start3A_142 = arith.constant 0 : i32
        %dma_start3A_143 = arith.constant 0 : i32
        %dma_start3A_144 = tpu.memref_slice %arg12[%dma_start3A_142, %dma_start3A_143] : memref<160x128xf32, #tpu.memory_space<vmem>> -> memref<80x128xf32, #tpu.memory_space<vmem>>
        %dma_start3A_145 = arith.constant 0 : i32
        %dma_start3A_146 = tpu.memref_slice %arg17[%add3A_138, %dma_start3A_145] : memref<10000x128xf32, #tpu.memory_space<vmem_shared>> -> memref<80x128xf32, #tpu.memory_space<vmem_shared>>
        %dma_start3A_147 = arith.constant 0 : i32
        %dma_start3A_148 = tpu.memref_slice %arg17[%add3A_138, %dma_start3A_147] : memref<10000x128xf32, #tpu.memory_space<vmem_shared>> -> memref<80x128xf32, #tpu.memory_space<vmem_shared>>
        %dma_start3A_149 = arith.constant 0 : i32
        %dma_start3A_150 = arith.constant 0 : i32
        %dma_start3A_151 = tpu.memref_slice %arg12[%dma_start3A_149, %dma_start3A_150] : memref<160x128xf32, #tpu.memory_space<vmem>> -> memref<80x128xf32, #tpu.memory_space<vmem>>
        tpu.enqueue_dma source(%dma_start3A_151 : memref<80x128xf32, #tpu.memory_space<vmem>>) target(%dma_start3A_148 : memref<80x128xf32, #tpu.memory_space<vmem_shared>>) target_semaphore(%run_scoped3A : memref<!tpu.dma_semaphore, #tpu.memory_space<semaphore_mem>>)
        %dma_wait3A_152 = arith.constant 0 : i32
        %dma_wait3A_153 = arith.constant 0 : i32
        %dma_wait3A_154 = tpu.memref_slice %arg12[%dma_wait3A_152, %dma_wait3A_153] : memref<160x128xf32, #tpu.memory_space<vmem>> -> memref<80x128xf32, #tpu.memory_space<vmem>>
        %dma_wait3A_155 = arith.constant 0 : i32
        %dma_wait3A_156 = tpu.memref_slice %arg17[%add3A_138, %dma_wait3A_155] : memref<10000x128xf32, #tpu.memory_space<vmem_shared>> -> memref<80x128xf32, #tpu.memory_space<vmem_shared>>
        %dma_wait3A_157 = arith.constant 0 : i32
        %dma_wait3A_158 = tpu.memref_slice %arg17[%add3A_138, %dma_wait3A_157] : memref<10000x128xf32, #tpu.memory_space<vmem_shared>> -> memref<80x128xf32, #tpu.memory_space<vmem_shared>>
        %dma_wait3A_159 = arith.constant 0 : i32
        %dma_wait3A_160 = arith.constant 0 : i32
        %dma_wait3A_161 = tpu.memref_slice %arg12[%dma_wait3A_159, %dma_wait3A_160] : memref<160x128xf32, #tpu.memory_space<vmem>> -> memref<80x128xf32, #tpu.memory_space<vmem>>
        tpu.wait_dma2 semaphore(%run_scoped3A : memref<!tpu.dma_semaphore, #tpu.memory_space<semaphore_mem>>) src(%dma_wait3A_161 : memref<80x128xf32, #tpu.memory_space<vmem>>) dst(%dma_wait3A_158 : memref<80x128xf32, #tpu.memory_space<vmem_shared>>)
        tpu.yield
      }) : () -> ()
      %mul3A_139 = arith.constant 80 : i32
      %mul3A_140 = arith.muli %add3A_135, %mul3A_139 : i32
      %add3A_141 = arith.addi %mul3A_8, %mul3A_140 : i32
      "tpu.region"() ({
        %run_scoped3A = tpu.sem_alloc : memref<!tpu.dma_semaphore, #tpu.memory_space<semaphore_mem>>
        %dma_start3A_142 = arith.constant 0 : i32
        %dma_start3A_143 = arith.constant 0 : i32
        %dma_start3A_144 = tpu.memref_slice %arg13[%dma_start3A_142, %dma_start3A_143] : memref<160x16xf32, #tpu.memory_space<vmem>> -> memref<80x16xf32, #tpu.memory_space<vmem>>
        %dma_start3A_145 = arith.constant 0 : i32
        %dma_start3A_146 = tpu.memref_slice %arg18[%add3A_141, %dma_start3A_145] : memref<10000x16xf32, #tpu.memory_space<vmem_shared>> -> memref<80x16xf32, #tpu.memory_space<vmem_shared>>
        %dma_start3A_147 = arith.constant 0 : i32
        %dma_start3A_148 = tpu.memref_slice %arg18[%add3A_141, %dma_start3A_147] : memref<10000x16xf32, #tpu.memory_space<vmem_shared>> -> memref<80x16xf32, #tpu.memory_space<vmem_shared>>
        %dma_start3A_149 = arith.constant 0 : i32
        %dma_start3A_150 = arith.constant 0 : i32
        %dma_start3A_151 = tpu.memref_slice %arg13[%dma_start3A_149, %dma_start3A_150] : memref<160x16xf32, #tpu.memory_space<vmem>> -> memref<80x16xf32, #tpu.memory_space<vmem>>
        tpu.enqueue_dma source(%dma_start3A_151 : memref<80x16xf32, #tpu.memory_space<vmem>>) target(%dma_start3A_148 : memref<80x16xf32, #tpu.memory_space<vmem_shared>>) target_semaphore(%run_scoped3A : memref<!tpu.dma_semaphore, #tpu.memory_space<semaphore_mem>>)
        %dma_wait3A_152 = arith.constant 0 : i32
        %dma_wait3A_153 = arith.constant 0 : i32
        %dma_wait3A_154 = tpu.memref_slice %arg13[%dma_wait3A_152, %dma_wait3A_153] : memref<160x16xf32, #tpu.memory_space<vmem>> -> memref<80x16xf32, #tpu.memory_space<vmem>>
        %dma_wait3A_155 = arith.constant 0 : i32
        %dma_wait3A_156 = tpu.memref_slice %arg18[%add3A_141, %dma_wait3A_155] : memref<10000x16xf32, #tpu.memory_space<vmem_shared>> -> memref<80x16xf32, #tpu.memory_space<vmem_shared>>
        %dma_wait3A_157 = arith.constant 0 : i32
        %dma_wait3A_158 = tpu.memref_slice %arg18[%add3A_141, %dma_wait3A_157] : memref<10000x16xf32, #tpu.memory_space<vmem_shared>> -> memref<80x16xf32, #tpu.memory_space<vmem_shared>>
        %dma_wait3A_159 = arith.constant 0 : i32
        %dma_wait3A_160 = arith.constant 0 : i32
        %dma_wait3A_161 = tpu.memref_slice %arg13[%dma_wait3A_159, %dma_wait3A_160] : memref<160x16xf32, #tpu.memory_space<vmem>> -> memref<80x16xf32, #tpu.memory_space<vmem>>
        tpu.wait_dma2 semaphore(%run_scoped3A : memref<!tpu.dma_semaphore, #tpu.memory_space<semaphore_mem>>) src(%dma_wait3A_161 : memref<80x16xf32, #tpu.memory_space<vmem>>) dst(%dma_wait3A_158 : memref<80x16xf32, #tpu.memory_space<vmem_shared>>)
        tpu.yield
      }) : () -> ()
    }
    %scan3A_13 = arith.constant 7 : i32
    %add3A_14 = arith.constant 560 : i32
    %add3A_15 = arith.addi %mul3A_8, %add3A_14 : i32
    "tpu.region"() ({
      %run_scoped3A = tpu.sem_alloc : memref<!tpu.dma_semaphore, #tpu.memory_space<semaphore_mem>>
      %dma_start3A_131 = arith.constant 0 : i32
      %dma_start3A_132 = arith.constant 0 : i32
      %dma_start3A_133 = tpu.memref_slice %arg12[%dma_start3A_131, %dma_start3A_132] : memref<160x128xf32, #tpu.memory_space<vmem>> -> memref<65x128xf32, #tpu.memory_space<vmem>>
      %dma_start3A_134 = arith.constant 0 : i32
      %dma_start3A_135 = tpu.memref_slice %arg17[%add3A_15, %dma_start3A_134] : memref<10000x128xf32, #tpu.memory_space<vmem_shared>> -> memref<65x128xf32, #tpu.memory_space<vmem_shared>>
      %dma_start3A_136 = arith.constant 0 : i32
      %dma_start3A_137 = tpu.memref_slice %arg17[%add3A_15, %dma_start3A_136] : memref<10000x128xf32, #tpu.memory_space<vmem_shared>> -> memref<65x128xf32, #tpu.memory_space<vmem_shared>>
      %dma_start3A_138 = arith.constant 0 : i32
      %dma_start3A_139 = arith.constant 0 : i32
      %dma_start3A_140 = tpu.memref_slice %arg12[%dma_start3A_138, %dma_start3A_139] : memref<160x128xf32, #tpu.memory_space<vmem>> -> memref<65x128xf32, #tpu.memory_space<vmem>>
      tpu.enqueue_dma source(%dma_start3A_140 : memref<65x128xf32, #tpu.memory_space<vmem>>) target(%dma_start3A_137 : memref<65x128xf32, #tpu.memory_space<vmem_shared>>) target_semaphore(%run_scoped3A : memref<!tpu.dma_semaphore, #tpu.memory_space<semaphore_mem>>)
      %dma_wait3A_141 = arith.constant 0 : i32
      %dma_wait3A_142 = arith.constant 0 : i32
      %dma_wait3A_143 = tpu.memref_slice %arg12[%dma_wait3A_141, %dma_wait3A_142] : memref<160x128xf32, #tpu.memory_space<vmem>> -> memref<65x128xf32, #tpu.memory_space<vmem>>
      %dma_wait3A_144 = arith.constant 0 : i32
      %dma_wait3A_145 = tpu.memref_slice %arg17[%add3A_15, %dma_wait3A_144] : memref<10000x128xf32, #tpu.memory_space<vmem_shared>> -> memref<65x128xf32, #tpu.memory_space<vmem_shared>>
      %dma_wait3A_146 = arith.constant 0 : i32
      %dma_wait3A_147 = tpu.memref_slice %arg17[%add3A_15, %dma_wait3A_146] : memref<10000x128xf32, #tpu.memory_space<vmem_shared>> -> memref<65x128xf32, #tpu.memory_space<vmem_shared>>
      %dma_wait3A_148 = arith.constant 0 : i32
      %dma_wait3A_149 = arith.constant 0 : i32
      %dma_wait3A_150 = tpu.memref_slice %arg12[%dma_wait3A_148, %dma_wait3A_149] : memref<160x128xf32, #tpu.memory_space<vmem>> -> memref<65x128xf32, #tpu.memory_space<vmem>>
      tpu.wait_dma2 semaphore(%run_scoped3A : memref<!tpu.dma_semaphore, #tpu.memory_space<semaphore_mem>>) src(%dma_wait3A_150 : memref<65x128xf32, #tpu.memory_space<vmem>>) dst(%dma_wait3A_147 : memref<65x128xf32, #tpu.memory_space<vmem_shared>>)
      tpu.yield
    }) : () -> ()
    "tpu.region"() ({
      %run_scoped3A = tpu.sem_alloc : memref<!tpu.dma_semaphore, #tpu.memory_space<semaphore_mem>>
      %dma_start3A_131 = arith.constant 0 : i32
      %dma_start3A_132 = arith.constant 0 : i32
      %dma_start3A_133 = tpu.memref_slice %arg13[%dma_start3A_131, %dma_start3A_132] : memref<160x16xf32, #tpu.memory_space<vmem>> -> memref<65x16xf32, #tpu.memory_space<vmem>>
      %dma_start3A_134 = arith.constant 0 : i32
      %dma_start3A_135 = tpu.memref_slice %arg18[%add3A_15, %dma_start3A_134] : memref<10000x16xf32, #tpu.memory_space<vmem_shared>> -> memref<65x16xf32, #tpu.memory_space<vmem_shared>>
      %dma_start3A_136 = arith.constant 0 : i32
      %dma_start3A_137 = tpu.memref_slice %arg18[%add3A_15, %dma_start3A_136] : memref<10000x16xf32, #tpu.memory_space<vmem_shared>> -> memref<65x16xf32, #tpu.memory_space<vmem_shared>>
      %dma_start3A_138 = arith.constant 0 : i32
      %dma_start3A_139 = arith.constant 0 : i32
      %dma_start3A_140 = tpu.memref_slice %arg13[%dma_start3A_138, %dma_start3A_139] : memref<160x16xf32, #tpu.memory_space<vmem>> -> memref<65x16xf32, #tpu.memory_space<vmem>>
      tpu.enqueue_dma source(%dma_start3A_140 : memref<65x16xf32, #tpu.memory_space<vmem>>) target(%dma_start3A_137 : memref<65x16xf32, #tpu.memory_space<vmem_shared>>) target_semaphore(%run_scoped3A : memref<!tpu.dma_semaphore, #tpu.memory_space<semaphore_mem>>)
      %dma_wait3A_141 = arith.constant 0 : i32
      %dma_wait3A_142 = arith.constant 0 : i32
      %dma_wait3A_143 = tpu.memref_slice %arg13[%dma_wait3A_141, %dma_wait3A_142] : memref<160x16xf32, #tpu.memory_space<vmem>> -> memref<65x16xf32, #tpu.memory_space<vmem>>
      %dma_wait3A_144 = arith.constant 0 : i32
      %dma_wait3A_145 = tpu.memref_slice %arg18[%add3A_15, %dma_wait3A_144] : memref<10000x16xf32, #tpu.memory_space<vmem_shared>> -> memref<65x16xf32, #tpu.memory_space<vmem_shared>>
      %dma_wait3A_146 = arith.constant 0 : i32
      %dma_wait3A_147 = tpu.memref_slice %arg18[%add3A_15, %dma_wait3A_146] : memref<10000x16xf32, #tpu.memory_space<vmem_shared>> -> memref<65x16xf32, #tpu.memory_space<vmem_shared>>
      %dma_wait3A_148 = arith.constant 0 : i32
      %dma_wait3A_149 = arith.constant 0 : i32
      %dma_wait3A_150 = tpu.memref_slice %arg13[%dma_wait3A_148, %dma_wait3A_149] : memref<160x16xf32, #tpu.memory_space<vmem>> -> memref<65x16xf32, #tpu.memory_space<vmem>>
      tpu.wait_dma2 semaphore(%run_scoped3A : memref<!tpu.dma_semaphore, #tpu.memory_space<semaphore_mem>>) src(%dma_wait3A_150 : memref<65x16xf32, #tpu.memory_space<vmem>>) dst(%dma_wait3A_147 : memref<65x16xf32, #tpu.memory_space<vmem_shared>>)
      tpu.yield
    }) : () -> ()
    %barrier3A = arith.constant 0 : index
    tpu.barrier barrier_id(%barrier3A)
    %get3A = arith.constant 0 : index
    %get3A_16 = tpu.vector_load %arg16[%get3A] {strides = array<i32>} : memref<16xf32, #tpu.memory_space<vmem>>, vector<16xf32>,
    %iota3A = tpu.iota {dimensions = array<i32: 0>} : vector<16xi32>
    %broadcast_in_dim3A = arith.constant 0 : i32
    %broadcast_in_dim3A_17 = vector.broadcast %broadcast_in_dim3A : i32 to vector<16xi32>
    %broadcast_in_dim3A_18 = arith.constant 1 : i32
    %broadcast_in_dim3A_19 = vector.broadcast %broadcast_in_dim3A_18 : i32 to vector<16xi32>
    %multiple_of3A = tpu.assume_multiple %mul3A_2, 8 : i32
    %dma_start3A = arith.constant 0 : i32
    %dma_start3A_20 = arith.constant 0 : i32
    %dma_start3A_21 = tpu.memref_slice %arg9[%dma_start3A, %dma_start3A_20] : memref<2x80xi32, #tpu.memory_space<vmem>> -> memref<1x80xi32, #tpu.memory_space<vmem>>
    %dma_start3A_22 = tpu.memref_squeeze %dma_start3A_21 : memref<1x80xi32, #tpu.memory_space<vmem>> -> memref<80xi32, #tpu.memory_space<vmem>>
    %dma_start3A_23 = tpu.memref_slice %arg5[%multiple_of3A] : memref<320000xi32, #tpu.memory_space<hbm>> -> memref<80xi32, #tpu.memory_space<hbm>>
    %dma_start3A_24 = arith.constant 0 : i32
    %dma_start3A_25 = tpu.memref_slice %arg9[%dma_start3A, %dma_start3A_24] : memref<2x80xi32, #tpu.memory_space<vmem>> -> memref<1x80xi32, #tpu.memory_space<vmem>>
    %dma_start3A_26 = tpu.memref_squeeze %dma_start3A_25 : memref<1x80xi32, #tpu.memory_space<vmem>> -> memref<80xi32, #tpu.memory_space<vmem>>
    %dma_start3A_27 = tpu.memref_slice %arg5[%multiple_of3A] : memref<320000xi32, #tpu.memory_space<hbm>> -> memref<80xi32, #tpu.memory_space<hbm>>
    tpu.enqueue_dma source(%dma_start3A_27 : memref<80xi32, #tpu.memory_space<hbm>>) target(%dma_start3A_26 : memref<80xi32, #tpu.memory_space<vmem>>) target_semaphore(%arg21 : memref<!tpu.dma_semaphore, #tpu.memory_space<semaphore_mem>>)
    %dma_start3A_28 = arith.constant 0 : i32
    %dma_start3A_29 = arith.constant 0 : i32
    %dma_start3A_30 = tpu.memref_slice %arg10[%dma_start3A_28, %dma_start3A_29] : memref<2x80xi32, #tpu.memory_space<vmem>> -> memref<1x80xi32, #tpu.memory_space<vmem>>
    %dma_start3A_31 = tpu.memref_squeeze %dma_start3A_30 : memref<1x80xi32, #tpu.memory_space<vmem>> -> memref<80xi32, #tpu.memory_space<vmem>>
    %dma_start3A_32 = tpu.memref_slice %arg6[%multiple_of3A] : memref<320000xi32, #tpu.memory_space<hbm>> -> memref<80xi32, #tpu.memory_space<hbm>>
    %dma_start3A_33 = arith.constant 0 : i32
    %dma_start3A_34 = tpu.memref_slice %arg10[%dma_start3A_28, %dma_start3A_33] : memref<2x80xi32, #tpu.memory_space<vmem>> -> memref<1x80xi32, #tpu.memory_space<vmem>>
    %dma_start3A_35 = tpu.memref_squeeze %dma_start3A_34 : memref<1x80xi32, #tpu.memory_space<vmem>> -> memref<80xi32, #tpu.memory_space<vmem>>
    %dma_start3A_36 = tpu.memref_slice %arg6[%multiple_of3A] : memref<320000xi32, #tpu.memory_space<hbm>> -> memref<80xi32, #tpu.memory_space<hbm>>
    tpu.enqueue_dma source(%dma_start3A_36 : memref<80xi32, #tpu.memory_space<hbm>>) target(%dma_start3A_35 : memref<80xi32, #tpu.memory_space<vmem>>) target_semaphore(%arg21 : memref<!tpu.dma_semaphore, #tpu.memory_space<semaphore_mem>>)
    %dma_wait3A = arith.constant 0 : i32
    %dma_wait3A_37 = arith.constant 0 : i32
    %dma_wait3A_38 = tpu.memref_slice %arg9[%dma_wait3A, %dma_wait3A_37] : memref<2x80xi32, #tpu.memory_space<vmem>> -> memref<1x80xi32, #tpu.memory_space<vmem>>
    %dma_wait3A_39 = tpu.memref_squeeze %dma_wait3A_38 : memref<1x80xi32, #tpu.memory_space<vmem>> -> memref<80xi32, #tpu.memory_space<vmem>>
    %dma_wait3A_40 = tpu.memref_slice %arg5[%multiple_of3A] : memref<320000xi32, #tpu.memory_space<hbm>> -> memref<80xi32, #tpu.memory_space<hbm>>
    %dma_wait3A_41 = arith.constant 0 : i32
    %dma_wait3A_42 = tpu.memref_slice %arg9[%dma_wait3A, %dma_wait3A_41] : memref<2x80xi32, #tpu.memory_space<vmem>> -> memref<1x80xi32, #tpu.memory_space<vmem>>
    %dma_wait3A_43 = tpu.memref_squeeze %dma_wait3A_42 : memref<1x80xi32, #tpu.memory_space<vmem>> -> memref<80xi32, #tpu.memory_space<vmem>>
    %dma_wait3A_44 = tpu.memref_slice %arg5[%multiple_of3A] : memref<320000xi32, #tpu.memory_space<hbm>> -> memref<80xi32, #tpu.memory_space<hbm>>
    tpu.wait_dma2 semaphore(%arg21 : memref<!tpu.dma_semaphore, #tpu.memory_space<semaphore_mem>>) src(%dma_wait3A_44 : memref<80xi32, #tpu.memory_space<hbm>>) dst(%dma_wait3A_43 : memref<80xi32, #tpu.memory_space<vmem>>)
    %dma_wait3A_45 = arith.constant 0 : i32
    %dma_wait3A_46 = arith.constant 0 : i32
    %dma_wait3A_47 = tpu.memref_slice %arg10[%dma_wait3A_45, %dma_wait3A_46] : memref<2x80xi32, #tpu.memory_space<vmem>> -> memref<1x80xi32, #tpu.memory_space<vmem>>
    %dma_wait3A_48 = tpu.memref_squeeze %dma_wait3A_47 : memref<1x80xi32, #tpu.memory_space<vmem>> -> memref<80xi32, #tpu.memory_space<vmem>>
    %dma_wait3A_49 = tpu.memref_slice %arg6[%multiple_of3A] : memref<320000xi32, #tpu.memory_space<hbm>> -> memref<80xi32, #tpu.memory_space<hbm>>
    %dma_wait3A_50 = arith.constant 0 : i32
    %dma_wait3A_51 = tpu.memref_slice %arg10[%dma_wait3A_45, %dma_wait3A_50] : memref<2x80xi32, #tpu.memory_space<vmem>> -> memref<1x80xi32, #tpu.memory_space<vmem>>
    %dma_wait3A_52 = tpu.memref_squeeze %dma_wait3A_51 : memref<1x80xi32, #tpu.memory_space<vmem>> -> memref<80xi32, #tpu.memory_space<vmem>>
    %dma_wait3A_53 = tpu.memref_slice %arg6[%multiple_of3A] : memref<320000xi32, #tpu.memory_space<hbm>> -> memref<80xi32, #tpu.memory_space<hbm>>
    tpu.wait_dma2 semaphore(%arg21 : memref<!tpu.dma_semaphore, #tpu.memory_space<semaphore_mem>>) src(%dma_wait3A_53 : memref<80xi32, #tpu.memory_space<hbm>>) dst(%dma_wait3A_52 : memref<80xi32, #tpu.memory_space<vmem>>)
    %dma_start3A_54 = arith.constant 0 : i32
    %dma_start3A_55 = arith.constant 0 : i32
    %dma_start3A_56 = arith.constant 0 : i32
    %dma_start3A_57 = tpu.memref_slice %arg12[%dma_start3A_55, %dma_start3A_56] : memref<160x128xf32, #tpu.memory_space<vmem>> -> memref<80x128xf32, #tpu.memory_space<vmem>>
    %dma_start3A_58 = arith.constant 0 : i32
    %dma_start3A_59 = tpu.memref_slice %arg9[%dma_start3A_54, %dma_start3A_58] : memref<2x80xi32, #tpu.memory_space<vmem>> -> memref<1x80xi32, #tpu.memory_space<vmem>>
    %dma_start3A_60 = tpu.memref_squeeze %dma_start3A_59 : memref<1x80xi32, #tpu.memory_space<vmem>> -> memref<80xi32, #tpu.memory_space<vmem>>
    %dma_start3A_61 = arith.constant 0 : i32
    %dma_start3A_62 = arith.constant 0 : i32
    %dma_start3A_63 = tpu.memref_slice %arg2[%dma_start3A_61, %dma_start3A_62] : memref<10000x128xf32, #tpu.memory_space<hbm>> -> memref<10000x128xf32, #tpu.memory_space<hbm>>
    tpu.enqueue_indirect_dma source(%dma_start3A_63 : memref<10000x128xf32, #tpu.memory_space<hbm>>) target(%dma_start3A_57 : memref<80x128xf32, #tpu.memory_space<vmem>>) offsets(%dma_start3A_60 : memref<80xi32, #tpu.memory_space<vmem>>) semaphore(%arg19 : memref<!tpu.dma_semaphore, #tpu.memory_space<semaphore_mem>>)
    %dma_start3A_64 = arith.constant 0 : i32
    %dma_start3A_65 = arith.constant 0 : i32
    %dma_start3A_66 = arith.constant 0 : i32
    %dma_start3A_67 = tpu.memref_slice %arg14[%dma_start3A_65, %dma_start3A_66] : memref<160x16xf32, #tpu.memory_space<vmem>> -> memref<80x16xf32, #tpu.memory_space<vmem>>
    %dma_start3A_68 = arith.constant 0 : i32
    %dma_start3A_69 = tpu.memref_slice %arg9[%dma_start3A_64, %dma_start3A_68] : memref<2x80xi32, #tpu.memory_space<vmem>> -> memref<1x80xi32, #tpu.memory_space<vmem>>
    %dma_start3A_70 = tpu.memref_squeeze %dma_start3A_69 : memref<1x80xi32, #tpu.memory_space<vmem>> -> memref<80xi32, #tpu.memory_space<vmem>>
    %dma_start3A_71 = arith.constant 0 : i32
    %dma_start3A_72 = arith.constant 0 : i32
    %dma_start3A_73 = tpu.memref_slice %arg3[%dma_start3A_71, %dma_start3A_72] : memref<10000x16xf32, #tpu.memory_space<hbm>> -> memref<10000x16xf32, #tpu.memory_space<hbm>>
    tpu.enqueue_indirect_dma source(%dma_start3A_73 : memref<10000x16xf32, #tpu.memory_space<hbm>>) target(%dma_start3A_67 : memref<80x16xf32, #tpu.memory_space<vmem>>) offsets(%dma_start3A_70 : memref<80xi32, #tpu.memory_space<vmem>>) semaphore(%arg19 : memref<!tpu.dma_semaphore, #tpu.memory_space<semaphore_mem>>)
    %dma_start3A_74 = arith.constant 0 : i32
    %dma_start3A_75 = arith.constant 0 : i32
    %dma_start3A_76 = arith.constant 0 : i32
    %dma_start3A_77 = tpu.memref_slice %arg15[%dma_start3A_75, %dma_start3A_76] : memref<160x16xf32, #tpu.memory_space<vmem>> -> memref<80x16xf32, #tpu.memory_space<vmem>>
    %dma_start3A_78 = arith.constant 0 : i32
    %dma_start3A_79 = tpu.memref_slice %arg10[%dma_start3A_74, %dma_start3A_78] : memref<2x80xi32, #tpu.memory_space<vmem>> -> memref<1x80xi32, #tpu.memory_space<vmem>>
    %dma_start3A_80 = tpu.memref_squeeze %dma_start3A_79 : memref<1x80xi32, #tpu.memory_space<vmem>> -> memref<80xi32, #tpu.memory_space<vmem>>
    %dma_start3A_81 = arith.constant 0 : i32
    %dma_start3A_82 = arith.constant 0 : i32
    %dma_start3A_83 = tpu.memref_slice %arg3[%dma_start3A_81, %dma_start3A_82] : memref<10000x16xf32, #tpu.memory_space<hbm>> -> memref<10000x16xf32, #tpu.memory_space<hbm>>
    tpu.enqueue_indirect_dma source(%dma_start3A_83 : memref<10000x16xf32, #tpu.memory_space<hbm>>) target(%dma_start3A_77 : memref<80x16xf32, #tpu.memory_space<vmem>>) offsets(%dma_start3A_80 : memref<80xi32, #tpu.memory_space<vmem>>) semaphore(%arg19 : memref<!tpu.dma_semaphore, #tpu.memory_space<semaphore_mem>>)
    %add3A_84 = arith.constant 80 : i32
    %add3A_85 = arith.addi %mul3A_2, %add3A_84 : i32
    %multiple_of3A_86 = tpu.assume_multiple %add3A_85, 8 : i32
    %dma_start3A_87 = arith.constant 1 : i32
    %dma_start3A_88 = arith.constant 0 : i32
    %dma_start3A_89 = tpu.memref_slice %arg9[%dma_start3A_87, %dma_start3A_88] : memref<2x80xi32, #tpu.memory_space<vmem>> -> memref<1x80xi32, #tpu.memory_space<vmem>>
    %dma_start3A_90 = tpu.memref_squeeze %dma_start3A_89 : memref<1x80xi32, #tpu.memory_space<vmem>> -> memref<80xi32, #tpu.memory_space<vmem>>
    %dma_start3A_91 = tpu.memref_slice %arg5[%multiple_of3A_86] : memref<320000xi32, #tpu.memory_space<hbm>> -> memref<80xi32, #tpu.memory_space<hbm>>
    %dma_start3A_92 = arith.constant 0 : i32
    %dma_start3A_93 = tpu.memref_slice %arg9[%dma_start3A_87, %dma_start3A_92] : memref<2x80xi32, #tpu.memory_space<vmem>> -> memref<1x80xi32, #tpu.memory_space<vmem>>
    %dma_start3A_94 = tpu.memref_squeeze %dma_start3A_93 : memref<1x80xi32, #tpu.memory_space<vmem>> -> memref<80xi32, #tpu.memory_space<vmem>>
    %dma_start3A_95 = tpu.memref_slice %arg5[%multiple_of3A_86] : memref<320000xi32, #tpu.memory_space<hbm>> -> memref<80xi32, #tpu.memory_space<hbm>>
    tpu.enqueue_dma source(%dma_start3A_95 : memref<80xi32, #tpu.memory_space<hbm>>) target(%dma_start3A_94 : memref<80xi32, #tpu.memory_space<vmem>>) target_semaphore(%arg21 : memref<!tpu.dma_semaphore, #tpu.memory_space<semaphore_mem>>)
    %dma_start3A_96 = arith.constant 1 : i32
    %dma_start3A_97 = arith.constant 0 : i32
    %dma_start3A_98 = tpu.memref_slice %arg10[%dma_start3A_96, %dma_start3A_97] : memref<2x80xi32, #tpu.memory_space<vmem>> -> memref<1x80xi32, #tpu.memory_space<vmem>>
    %dma_start3A_99 = tpu.memref_squeeze %dma_start3A_98 : memref<1x80xi32, #tpu.memory_space<vmem>> -> memref<80xi32, #tpu.memory_space<vmem>>
    %dma_start3A_100 = tpu.memref_slice %arg6[%multiple_of3A_86] : memref<320000xi32, #tpu.memory_space<hbm>> -> memref<80xi32, #tpu.memory_space<hbm>>
    %dma_start3A_101 = arith.constant 0 : i32
    %dma_start3A_102 = tpu.memref_slice %arg10[%dma_start3A_96, %dma_start3A_101] : memref<2x80xi32, #tpu.memory_space<vmem>> -> memref<1x80xi32, #tpu.memory_space<vmem>>
    %dma_start3A_103 = tpu.memref_squeeze %dma_start3A_102 : memref<1x80xi32, #tpu.memory_space<vmem>> -> memref<80xi32, #tpu.memory_space<vmem>>
    %dma_start3A_104 = tpu.memref_slice %arg6[%multiple_of3A_86] : memref<320000xi32, #tpu.memory_space<hbm>> -> memref<80xi32, #tpu.memory_space<hbm>>
    tpu.enqueue_dma source(%dma_start3A_104 : memref<80xi32, #tpu.memory_space<hbm>>) target(%dma_start3A_103 : memref<80xi32, #tpu.memory_space<vmem>>) target_semaphore(%arg21 : memref<!tpu.dma_semaphore, #tpu.memory_space<semaphore_mem>>)
    %scan3A_105 = arith.constant 0 : i32
    %scan3A_106 = arith.constant 125 : i32
    %scan3A_107 = arith.addi %scan3A_105, %scan3A_106 : i32
    %scan3A_108 = arith.constant 1 : i32
    scf.for %scan3A_131 = %scan3A_105 to %scan3A_107 step %scan3A_108  : i32 {
      %mul3A_132 = arith.constant 1 : i32
      %mul3A_133 = arith.muli %scan3A_131, %mul3A_132 : i32
      %add3A_134 = arith.constant 0 : i32
      %add3A_135 = arith.addi %add3A_134, %mul3A_133 : i32
      %rem3A = arith.constant 2 : i32
      %rem3A_136 = arith.remsi %add3A_135, %rem3A : i32
      %mul3A_137 = arith.constant 80 : i32
      %mul3A_138 = arith.muli %rem3A_136, %mul3A_137 : i32
      %sub3A = arith.constant 1 : i32
      %sub3A_139 = arith.subi %sub3A, %rem3A_136 : i32
      %mul3A_140 = arith.constant 80 : i32
      %mul3A_141 = arith.muli %sub3A_139, %mul3A_140 : i32
      %dma_wait3A_142 = arith.constant 0 : i32
      %dma_wait3A_143 = arith.constant 0 : i32
      %dma_wait3A_144 = tpu.memref_slice %arg12[%mul3A_138, %dma_wait3A_143] : memref<160x128xf32, #tpu.memory_space<vmem>> -> memref<80x128xf32, #tpu.memory_space<vmem>>
      %dma_wait3A_145 = arith.constant 0 : i32
      %dma_wait3A_146 = tpu.memref_slice %arg9[%dma_wait3A_142, %dma_wait3A_145] : memref<2x80xi32, #tpu.memory_space<vmem>> -> memref<1x80xi32, #tpu.memory_space<vmem>>
      %dma_wait3A_147 = tpu.memref_squeeze %dma_wait3A_146 : memref<1x80xi32, #tpu.memory_space<vmem>> -> memref<80xi32, #tpu.memory_space<vmem>>
      %dma_wait3A_148 = arith.constant 0 : i32
      %dma_wait3A_149 = arith.constant 0 : i32
      %dma_wait3A_150 = tpu.memref_slice %arg2[%dma_wait3A_148, %dma_wait3A_149] : memref<10000x128xf32, #tpu.memory_space<hbm>> -> memref<10000x128xf32, #tpu.memory_space<hbm>>
      tpu.wait_indirect_dma semaphore(%arg19 : memref<!tpu.dma_semaphore, #tpu.memory_space<semaphore_mem>>) src(%dma_wait3A_150 : memref<10000x128xf32, #tpu.memory_space<hbm>>) dst(%dma_wait3A_144 : memref<80x128xf32, #tpu.memory_space<vmem>>)
      %dma_wait3A_151 = arith.constant 0 : i32
      %dma_wait3A_152 = arith.constant 0 : i32
      %dma_wait3A_153 = tpu.memref_slice %arg14[%mul3A_138, %dma_wait3A_152] : memref<160x16xf32, #tpu.memory_space<vmem>> -> memref<80x16xf32, #tpu.memory_space<vmem>>
      %dma_wait3A_154 = arith.constant 0 : i32
      %dma_wait3A_155 = tpu.memref_slice %arg9[%dma_wait3A_151, %dma_wait3A_154] : memref<2x80xi32, #tpu.memory_space<vmem>> -> memref<1x80xi32, #tpu.memory_space<vmem>>
      %dma_wait3A_156 = tpu.memref_squeeze %dma_wait3A_155 : memref<1x80xi32, #tpu.memory_space<vmem>> -> memref<80xi32, #tpu.memory_space<vmem>>
      %dma_wait3A_157 = arith.constant 0 : i32
      %dma_wait3A_158 = arith.constant 0 : i32
      %dma_wait3A_159 = tpu.memref_slice %arg3[%dma_wait3A_157, %dma_wait3A_158] : memref<10000x16xf32, #tpu.memory_space<hbm>> -> memref<10000x16xf32, #tpu.memory_space<hbm>>
      tpu.wait_indirect_dma semaphore(%arg19 : memref<!tpu.dma_semaphore, #tpu.memory_space<semaphore_mem>>) src(%dma_wait3A_159 : memref<10000x16xf32, #tpu.memory_space<hbm>>) dst(%dma_wait3A_153 : memref<80x16xf32, #tpu.memory_space<vmem>>)
      %dma_wait3A_160 = arith.constant 0 : i32
      %dma_wait3A_161 = arith.constant 0 : i32
      %dma_wait3A_162 = tpu.memref_slice %arg15[%mul3A_138, %dma_wait3A_161] : memref<160x16xf32, #tpu.memory_space<vmem>> -> memref<80x16xf32, #tpu.memory_space<vmem>>
      %dma_wait3A_163 = arith.constant 0 : i32
      %dma_wait3A_164 = tpu.memref_slice %arg10[%dma_wait3A_160, %dma_wait3A_163] : memref<2x80xi32, #tpu.memory_space<vmem>> -> memref<1x80xi32, #tpu.memory_space<vmem>>
      %dma_wait3A_165 = tpu.memref_squeeze %dma_wait3A_164 : memref<1x80xi32, #tpu.memory_space<vmem>> -> memref<80xi32, #tpu.memory_space<vmem>>
      %dma_wait3A_166 = arith.constant 0 : i32
      %dma_wait3A_167 = arith.constant 0 : i32
      %dma_wait3A_168 = tpu.memref_slice %arg3[%dma_wait3A_166, %dma_wait3A_167] : memref<10000x16xf32, #tpu.memory_space<hbm>> -> memref<10000x16xf32, #tpu.memory_space<hbm>>
      tpu.wait_indirect_dma semaphore(%arg19 : memref<!tpu.dma_semaphore, #tpu.memory_space<semaphore_mem>>) src(%dma_wait3A_168 : memref<10000x16xf32, #tpu.memory_space<hbm>>) dst(%dma_wait3A_162 : memref<80x16xf32, #tpu.memory_space<vmem>>)
      %ge3A = arith.constant 1 : i32
      %ge3A_169 = arith.cmpi sge, %add3A_135, %ge3A : i32
      %convert_element_type3A = arith.extui %ge3A_169 : i1 to i32
      %cond3A = arith.constant 0 : i32
      %cond3A_170 = arith.cmpi ne, %convert_element_type3A, %cond3A : i32
      scf.if %cond3A_170 {
        %sub3A_205 = arith.constant 1 : i32
        %sub3A_206 = arith.subi %sub3A_205, %rem3A_136 : i32
        %dma_wait3A_207 = arith.constant 0 : i32
        %dma_wait3A_208 = tpu.memref_slice %arg12[%mul3A_141, %dma_wait3A_207] : memref<160x128xf32, #tpu.memory_space<vmem>> -> memref<80x128xf32, #tpu.memory_space<vmem>>
        %dma_wait3A_209 = arith.constant 0 : i32
        %dma_wait3A_210 = tpu.memref_slice %arg11[%sub3A_206, %dma_wait3A_209] : memref<2x80xi32, #tpu.memory_space<vmem>> -> memref<1x80xi32, #tpu.memory_space<vmem>>
        %dma_wait3A_211 = tpu.memref_squeeze %dma_wait3A_210 : memref<1x80xi32, #tpu.memory_space<vmem>> -> memref<80xi32, #tpu.memory_space<vmem>>
        %dma_wait3A_212 = arith.constant 0 : i32
        %dma_wait3A_213 = arith.constant 0 : i32
        %dma_wait3A_214 = tpu.memref_slice %arg17[%dma_wait3A_212, %dma_wait3A_213] : memref<10000x128xf32, #tpu.memory_space<vmem_shared>> -> memref<10000x128xf32, #tpu.memory_space<vmem_shared>>
        tpu.wait_indirect_dma semaphore(%arg20 : memref<!tpu.dma_semaphore, #tpu.memory_space<semaphore_mem>>) src(%dma_wait3A_208 : memref<80x128xf32, #tpu.memory_space<vmem>>) dst(%dma_wait3A_214 : memref<10000x128xf32, #tpu.memory_space<vmem_shared>>)
        %dma_wait3A_215 = arith.constant 0 : i32
        %dma_wait3A_216 = tpu.memref_slice %arg13[%mul3A_141, %dma_wait3A_215] : memref<160x16xf32, #tpu.memory_space<vmem>> -> memref<80x16xf32, #tpu.memory_space<vmem>>
        %dma_wait3A_217 = arith.constant 0 : i32
        %dma_wait3A_218 = tpu.memref_slice %arg11[%sub3A_206, %dma_wait3A_217] : memref<2x80xi32, #tpu.memory_space<vmem>> -> memref<1x80xi32, #tpu.memory_space<vmem>>
        %dma_wait3A_219 = tpu.memref_squeeze %dma_wait3A_218 : memref<1x80xi32, #tpu.memory_space<vmem>> -> memref<80xi32, #tpu.memory_space<vmem>>
        %dma_wait3A_220 = arith.constant 0 : i32
        %dma_wait3A_221 = arith.constant 0 : i32
        %dma_wait3A_222 = tpu.memref_slice %arg18[%dma_wait3A_220, %dma_wait3A_221] : memref<10000x16xf32, #tpu.memory_space<vmem_shared>> -> memref<10000x16xf32, #tpu.memory_space<vmem_shared>>
        tpu.wait_indirect_dma semaphore(%arg20 : memref<!tpu.dma_semaphore, #tpu.memory_space<semaphore_mem>>) src(%dma_wait3A_216 : memref<80x16xf32, #tpu.memory_space<vmem>>) dst(%dma_wait3A_222 : memref<10000x16xf32, #tpu.memory_space<vmem_shared>>)
      } else {
      }
      %add3A_171 = arith.constant 1 : i32
      %add3A_172 = arith.addi %add3A_135, %add3A_171 : i32
      %lt3A = arith.constant 125 : i32
      %lt3A_173 = arith.cmpi slt, %add3A_172, %lt3A : i32
      %convert_element_type3A_174 = arith.extui %lt3A_173 : i1 to i32
      %cond3A_175 = arith.constant 0 : i32
      %cond3A_176 = arith.cmpi ne, %convert_element_type3A_174, %cond3A_175 : i32
      scf.if %cond3A_176 {
        %sub3A_205 = arith.constant 1 : i32
        %sub3A_206 = arith.subi %sub3A_205, %rem3A_136 : i32
        %dma_wait3A_207 = arith.constant 0 : i32
        %dma_wait3A_208 = tpu.memref_slice %arg9[%sub3A_206, %dma_wait3A_207] : memref<2x80xi32, #tpu.memory_space<vmem>> -> memref<1x80xi32, #tpu.memory_space<vmem>>
        %dma_wait3A_209 = tpu.memref_squeeze %dma_wait3A_208 : memref<1x80xi32, #tpu.memory_space<vmem>> -> memref<80xi32, #tpu.memory_space<vmem>>
        %dma_wait3A_210 = tpu.memref_slice %arg5[%multiple_of3A] : memref<320000xi32, #tpu.memory_space<hbm>> -> memref<80xi32, #tpu.memory_space<hbm>>
        %dma_wait3A_211 = arith.constant 0 : i32
        %dma_wait3A_212 = tpu.memref_slice %arg9[%sub3A_206, %dma_wait3A_211] : memref<2x80xi32, #tpu.memory_space<vmem>> -> memref<1x80xi32, #tpu.memory_space<vmem>>
        %dma_wait3A_213 = tpu.memref_squeeze %dma_wait3A_212 : memref<1x80xi32, #tpu.memory_space<vmem>> -> memref<80xi32, #tpu.memory_space<vmem>>
        %dma_wait3A_214 = tpu.memref_slice %arg5[%multiple_of3A] : memref<320000xi32, #tpu.memory_space<hbm>> -> memref<80xi32, #tpu.memory_space<hbm>>
        tpu.wait_dma2 semaphore(%arg21 : memref<!tpu.dma_semaphore, #tpu.memory_space<semaphore_mem>>) src(%dma_wait3A_214 : memref<80xi32, #tpu.memory_space<hbm>>) dst(%dma_wait3A_213 : memref<80xi32, #tpu.memory_space<vmem>>)
        %sub3A_215 = arith.constant 1 : i32
        %sub3A_216 = arith.subi %sub3A_215, %rem3A_136 : i32
        %dma_wait3A_217 = arith.constant 0 : i32
        %dma_wait3A_218 = tpu.memref_slice %arg10[%sub3A_216, %dma_wait3A_217] : memref<2x80xi32, #tpu.memory_space<vmem>> -> memref<1x80xi32, #tpu.memory_space<vmem>>
        %dma_wait3A_219 = tpu.memref_squeeze %dma_wait3A_218 : memref<1x80xi32, #tpu.memory_space<vmem>> -> memref<80xi32, #tpu.memory_space<vmem>>
        %dma_wait3A_220 = tpu.memref_slice %arg6[%multiple_of3A] : memref<320000xi32, #tpu.memory_space<hbm>> -> memref<80xi32, #tpu.memory_space<hbm>>
        %dma_wait3A_221 = arith.constant 0 : i32
        %dma_wait3A_222 = tpu.memref_slice %arg10[%sub3A_216, %dma_wait3A_221] : memref<2x80xi32, #tpu.memory_space<vmem>> -> memref<1x80xi32, #tpu.memory_space<vmem>>
        %dma_wait3A_223 = tpu.memref_squeeze %dma_wait3A_222 : memref<1x80xi32, #tpu.memory_space<vmem>> -> memref<80xi32, #tpu.memory_space<vmem>>
        %dma_wait3A_224 = tpu.memref_slice %arg6[%multiple_of3A] : memref<320000xi32, #tpu.memory_space<hbm>> -> memref<80xi32, #tpu.memory_space<hbm>>
        tpu.wait_dma2 semaphore(%arg21 : memref<!tpu.dma_semaphore, #tpu.memory_space<semaphore_mem>>) src(%dma_wait3A_224 : memref<80xi32, #tpu.memory_space<hbm>>) dst(%dma_wait3A_223 : memref<80xi32, #tpu.memory_space<vmem>>)
        %sub3A_225 = arith.constant 1 : i32
        %sub3A_226 = arith.subi %sub3A_225, %rem3A_136 : i32
        %dma_start3A_227 = arith.constant 0 : i32
        %dma_start3A_228 = tpu.memref_slice %arg12[%mul3A_141, %dma_start3A_227] : memref<160x128xf32, #tpu.memory_space<vmem>> -> memref<80x128xf32, #tpu.memory_space<vmem>>
        %dma_start3A_229 = arith.constant 0 : i32
        %dma_start3A_230 = tpu.memref_slice %arg9[%sub3A_226, %dma_start3A_229] : memref<2x80xi32, #tpu.memory_space<vmem>> -> memref<1x80xi32, #tpu.memory_space<vmem>>
        %dma_start3A_231 = tpu.memref_squeeze %dma_start3A_230 : memref<1x80xi32, #tpu.memory_space<vmem>> -> memref<80xi32, #tpu.memory_space<vmem>>
        %dma_start3A_232 = arith.constant 0 : i32
        %dma_start3A_233 = arith.constant 0 : i32
        %dma_start3A_234 = tpu.memref_slice %arg2[%dma_start3A_232, %dma_start3A_233] : memref<10000x128xf32, #tpu.memory_space<hbm>> -> memref<10000x128xf32, #tpu.memory_space<hbm>>
        tpu.enqueue_indirect_dma source(%dma_start3A_234 : memref<10000x128xf32, #tpu.memory_space<hbm>>) target(%dma_start3A_228 : memref<80x128xf32, #tpu.memory_space<vmem>>) offsets(%dma_start3A_231 : memref<80xi32, #tpu.memory_space<vmem>>) semaphore(%arg19 : memref<!tpu.dma_semaphore, #tpu.memory_space<semaphore_mem>>)
        %sub3A_235 = arith.constant 1 : i32
        %sub3A_236 = arith.subi %sub3A_235, %rem3A_136 : i32
        %dma_start3A_237 = arith.constant 0 : i32
        %dma_start3A_238 = tpu.memref_slice %arg14[%mul3A_141, %dma_start3A_237] : memref<160x16xf32, #tpu.memory_space<vmem>> -> memref<80x16xf32, #tpu.memory_space<vmem>>
        %dma_start3A_239 = arith.constant 0 : i32
        %dma_start3A_240 = tpu.memref_slice %arg9[%sub3A_236, %dma_start3A_239] : memref<2x80xi32, #tpu.memory_space<vmem>> -> memref<1x80xi32, #tpu.memory_space<vmem>>
        %dma_start3A_241 = tpu.memref_squeeze %dma_start3A_240 : memref<1x80xi32, #tpu.memory_space<vmem>> -> memref<80xi32, #tpu.memory_space<vmem>>
        %dma_start3A_242 = arith.constant 0 : i32
        %dma_start3A_243 = arith.constant 0 : i32
        %dma_start3A_244 = tpu.memref_slice %arg3[%dma_start3A_242, %dma_start3A_243] : memref<10000x16xf32, #tpu.memory_space<hbm>> -> memref<10000x16xf32, #tpu.memory_space<hbm>>
        tpu.enqueue_indirect_dma source(%dma_start3A_244 : memref<10000x16xf32, #tpu.memory_space<hbm>>) target(%dma_start3A_238 : memref<80x16xf32, #tpu.memory_space<vmem>>) offsets(%dma_start3A_241 : memref<80xi32, #tpu.memory_space<vmem>>) semaphore(%arg19 : memref<!tpu.dma_semaphore, #tpu.memory_space<semaphore_mem>>)
        %sub3A_245 = arith.constant 1 : i32
        %sub3A_246 = arith.subi %sub3A_245, %rem3A_136 : i32
        %dma_start3A_247 = arith.constant 0 : i32
        %dma_start3A_248 = tpu.memref_slice %arg15[%mul3A_141, %dma_start3A_247] : memref<160x16xf32, #tpu.memory_space<vmem>> -> memref<80x16xf32, #tpu.memory_space<vmem>>
        %dma_start3A_249 = arith.constant 0 : i32
        %dma_start3A_250 = tpu.memref_slice %arg10[%sub3A_246, %dma_start3A_249] : memref<2x80xi32, #tpu.memory_space<vmem>> -> memref<1x80xi32, #tpu.memory_space<vmem>>
        %dma_start3A_251 = tpu.memref_squeeze %dma_start3A_250 : memref<1x80xi32, #tpu.memory_space<vmem>> -> memref<80xi32, #tpu.memory_space<vmem>>
        %dma_start3A_252 = arith.constant 0 : i32
        %dma_start3A_253 = arith.constant 0 : i32
        %dma_start3A_254 = tpu.memref_slice %arg3[%dma_start3A_252, %dma_start3A_253] : memref<10000x16xf32, #tpu.memory_space<hbm>> -> memref<10000x16xf32, #tpu.memory_space<hbm>>
        tpu.enqueue_indirect_dma source(%dma_start3A_254 : memref<10000x16xf32, #tpu.memory_space<hbm>>) target(%dma_start3A_248 : memref<80x16xf32, #tpu.memory_space<vmem>>) offsets(%dma_start3A_251 : memref<80xi32, #tpu.memory_space<vmem>>) semaphore(%arg19 : memref<!tpu.dma_semaphore, #tpu.memory_space<semaphore_mem>>)
      } else {
      }
      %scan3A_177 = arith.constant 0 : i32
      %scan3A_178 = arith.constant 5 : i32
      %scan3A_179 = arith.addi %scan3A_177, %scan3A_178 : i32
      %scan3A_180 = arith.constant 1 : i32
      scf.for %scan3A_205 = %scan3A_177 to %scan3A_179 step %scan3A_180  : i32 {
        %mul3A_206 = arith.constant 1 : i32
        %mul3A_207 = arith.muli %scan3A_205, %mul3A_206 : i32
        %add3A_208 = arith.constant 0 : i32
        %add3A_209 = arith.addi %add3A_208, %mul3A_207 : i32
        %mul3A_210 = arith.constant 16 : i32
        %mul3A_211 = arith.muli %add3A_209, %mul3A_210 : i32
        %get3A_212 = arith.index_cast %rem3A_136 : i32 to index
        %get3A_213 = arith.index_cast %mul3A_211 : i32 to index
        %get3A_214 = tpu.vector_load %arg10[%get3A_212, %get3A_213] {strides = array<i32>} : memref<2x80xi32, #tpu.memory_space<vmem>>, vector<16xi32>,
        %mul3A_215 = arith.constant 16 : i32
        %mul3A_216 = arith.muli %add3A_209, %mul3A_215 : i32
        %swap3A = arith.index_cast %rem3A_136 : i32 to index
        %swap3A_217 = arith.index_cast %mul3A_216 : i32 to index
        %swap3A_218 = tpu.vector_load %arg11[%swap3A, %swap3A_217] {strides = array<i32>} : memref<2x80xi32, #tpu.memory_space<vmem>>, vector<16xi32>,
        tpu.vector_store %arg11[%swap3A, %swap3A_217], %get3A_214 {strides = array<i32>} : memref<2x80xi32, #tpu.memory_space<vmem>>, vector<16xi32>,
        %mul3A_219 = arith.constant 16 : i32
        %mul3A_220 = arith.muli %add3A_209, %mul3A_219 : i32
        %add3A_221 = arith.addi %mul3A_138, %mul3A_220 : i32
        %add3A_222 = vector.broadcast %add3A_221 : i32 to vector<16xi32>
        %add3A_223 = arith.addi %add3A_222, %iota3A : vector<16xi32>
        %gather3A = tpu.vector_load_idx %arg14[%add3A_223, %broadcast_in_dim3A_17] : memref<160x16xf32, #tpu.memory_space<vmem>>[vector<16xi32>, vector<16xi32>], vector<16xf32>,
        %mul3A_224 = arith.constant 16 : i32
        %mul3A_225 = arith.muli %add3A_209, %mul3A_224 : i32
        %add3A_226 = arith.addi %mul3A_138, %mul3A_225 : i32
        %add3A_227 = vector.broadcast %add3A_226 : i32 to vector<16xi32>
        %add3A_228 = arith.addi %add3A_227, %iota3A : vector<16xi32>
        %gather3A_229 = tpu.vector_load_idx %arg15[%add3A_228, %broadcast_in_dim3A_19] : memref<160x16xf32, #tpu.memory_space<vmem>>[vector<16xi32>, vector<16xi32>], vector<16xf32>,
        %add3A_230 = arith.addf %gather3A, %gather3A_229 : vector<16xf32>
        %mul3A_231 = arith.constant 2.000000e-01 : f32
        %mul3A_232 = vector.broadcast %mul3A_231 : f32 to vector<16xf32>
        %mul3A_233 = arith.mulf %mul3A_232, %add3A_230 : vector<16xf32>
        %max3A = arith.maximumf %add3A_230, %mul3A_233 : vector<16xf32>
        %add3A_234 = arith.addf %get3A_16, %gather3A_229 : vector<16xf32>
        %mul3A_235 = arith.constant 2.000000e-01 : f32
        %mul3A_236 = vector.broadcast %mul3A_235 : f32 to vector<16xf32>
        %mul3A_237 = arith.mulf %mul3A_236, %add3A_234 : vector<16xf32>
        %max3A_238 = arith.maximumf %add3A_234, %mul3A_237 : vector<16xf32>
        %sub3A_239 = arith.subf %max3A, %max3A_238 : vector<16xf32>
        %exp3A = math.exp %sub3A_239 : vector<16xf32>
        %slice3A = vector.extract_strided_slice %exp3A {offsets = [0], sizes = [1], strides = [1]} : vector<16xf32> to vector<1xf32>
        %squeeze3A = vector.extract %slice3A[0] : f32 from vector<1xf32>
        %broadcast_in_dim3A_240 = vector.broadcast %squeeze3A : f32 to vector<16xf32>
        %mul3A_241 = arith.constant 16 : i32
        %mul3A_242 = arith.muli %add3A_209, %mul3A_241 : i32
        %add3A_243 = arith.addi %mul3A_138, %mul3A_242 : i32
        %add3A_244 = arith.constant 0 : i32
        %add3A_245 = arith.addi %add3A_243, %add3A_244 : i32
        %swap3A_246 = arith.index_cast %add3A_245 : i32 to index
        %swap3A_247 = arith.constant 0 : index
        %swap3A_248 = tpu.vector_load %arg13[%swap3A_246, %swap3A_247] {strides = array<i32>} : memref<160x16xf32, #tpu.memory_space<vmem>>, vector<16xf32>,
        tpu.vector_store %arg13[%swap3A_246, %swap3A_247], %broadcast_in_dim3A_240 {strides = array<i32>} : memref<160x16xf32, #tpu.memory_space<vmem>>, vector<16xf32>,
        %get3A_249 = arith.index_cast %add3A_245 : i32 to index
        %get3A_250 = arith.constant 0 : index
        %get3A_251 = tpu.vector_load %arg12[%get3A_249, %get3A_250] {strides = array<i32>} : memref<160x128xf32, #tpu.memory_space<vmem>>, vector<16xf32>,
        %mul3A_252 = arith.mulf %get3A_251, %broadcast_in_dim3A_240 : vector<16xf32>
        %swap3A_253 = arith.index_cast %add3A_245 : i32 to index
        %swap3A_254 = arith.constant 0 : index
        %swap3A_255 = tpu.vector_load %arg12[%swap3A_253, %swap3A_254] {strides = array<i32>} : memref<160x128xf32, #tpu.memory_space<vmem>>, vector<16xf32>,
        tpu.vector_store %arg12[%swap3A_253, %swap3A_254], %mul3A_252 {strides = array<i32>} : memref<160x128xf32, #tpu.memory_space<vmem>>, vector<16xf32>,
        %get3A_256 = arith.index_cast %add3A_245 : i32 to index
        %get3A_257 = arith.constant 16 : index
        %get3A_258 = tpu.vector_load %arg12[%get3A_256, %get3A_257] {strides = array<i32>} : memref<160x128xf32, #tpu.memory_space<vmem>>, vector<16xf32>,
        %mul3A_259 = arith.mulf %get3A_258, %broadcast_in_dim3A_240 : vector<16xf32>
        %swap3A_260 = arith.index_cast %add3A_245 : i32 to index
        %swap3A_261 = arith.constant 16 : index
        %swap3A_262 = tpu.vector_load %arg12[%swap3A_260, %swap3A_261] {strides = array<i32>} : memref<160x128xf32, #tpu.memory_space<vmem>>, vector<16xf32>,
        tpu.vector_store %arg12[%swap3A_260, %swap3A_261], %mul3A_259 {strides = array<i32>} : memref<160x128xf32, #tpu.memory_space<vmem>>, vector<16xf32>,
        %get3A_263 = arith.index_cast %add3A_245 : i32 to index
        %get3A_264 = arith.constant 32 : index
        %get3A_265 = tpu.vector_load %arg12[%get3A_263, %get3A_264] {strides = array<i32>} : memref<160x128xf32, #tpu.memory_space<vmem>>, vector<16xf32>,
        %mul3A_266 = arith.mulf %get3A_265, %broadcast_in_dim3A_240 : vector<16xf32>
        %swap3A_267 = arith.index_cast %add3A_245 : i32 to index
        %swap3A_268 = arith.constant 32 : index
        %swap3A_269 = tpu.vector_load %arg12[%swap3A_267, %swap3A_268] {strides = array<i32>} : memref<160x128xf32, #tpu.memory_space<vmem>>, vector<16xf32>,
        tpu.vector_store %arg12[%swap3A_267, %swap3A_268], %mul3A_266 {strides = array<i32>} : memref<160x128xf32, #tpu.memory_space<vmem>>, vector<16xf32>,
        %get3A_270 = arith.index_cast %add3A_245 : i32 to index
        %get3A_271 = arith.constant 48 : index
        %get3A_272 = tpu.vector_load %arg12[%get3A_270, %get3A_271] {strides = array<i32>} : memref<160x128xf32, #tpu.memory_space<vmem>>, vector<16xf32>,
        %mul3A_273 = arith.mulf %get3A_272, %broadcast_in_dim3A_240 : vector<16xf32>
        %swap3A_274 = arith.index_cast %add3A_245 : i32 to index
        %swap3A_275 = arith.constant 48 : index
        %swap3A_276 = tpu.vector_load %arg12[%swap3A_274, %swap3A_275] {strides = array<i32>} : memref<160x128xf32, #tpu.memory_space<vmem>>, vector<16xf32>,
        tpu.vector_store %arg12[%swap3A_274, %swap3A_275], %mul3A_273 {strides = array<i32>} : memref<160x128xf32, #tpu.memory_space<vmem>>, vector<16xf32>,
        %get3A_277 = arith.index_cast %add3A_245 : i32 to index
        %get3A_278 = arith.constant 64 : index
        %get3A_279 = tpu.vector_load %arg12[%get3A_277, %get3A_278] {strides = array<i32>} : memref<160x128xf32, #tpu.memory_space<vmem>>, vector<16xf32>,
        %mul3A_280 = arith.mulf %get3A_279, %broadcast_in_dim3A_240 : vector<16xf32>
        %swap3A_281 = arith.index_cast %add3A_245 : i32 to index
        %swap3A_282 = arith.constant 64 : index
        %swap3A_283 = tpu.vector_load %arg12[%swap3A_281, %swap3A_282] {strides = array<i32>} : memref<160x128xf32, #tpu.memory_space<vmem>>, vector<16xf32>,
        tpu.vector_store %arg12[%swap3A_281, %swap3A_282], %mul3A_280 {strides = array<i32>} : memref<160x128xf32, #tpu.memory_space<vmem>>, vector<16xf32>,
        %get3A_284 = arith.index_cast %add3A_245 : i32 to index
        %get3A_285 = arith.constant 80 : index
        %get3A_286 = tpu.vector_load %arg12[%get3A_284, %get3A_285] {strides = array<i32>} : memref<160x128xf32, #tpu.memory_space<vmem>>, vector<16xf32>,
        %mul3A_287 = arith.mulf %get3A_286, %broadcast_in_dim3A_240 : vector<16xf32>
        %swap3A_288 = arith.index_cast %add3A_245 : i32 to index
        %swap3A_289 = arith.constant 80 : index
        %swap3A_290 = tpu.vector_load %arg12[%swap3A_288, %swap3A_289] {strides = array<i32>} : memref<160x128xf32, #tpu.memory_space<vmem>>, vector<16xf32>,
        tpu.vector_store %arg12[%swap3A_288, %swap3A_289], %mul3A_287 {strides = array<i32>} : memref<160x128xf32, #tpu.memory_space<vmem>>, vector<16xf32>,
        %get3A_291 = arith.index_cast %add3A_245 : i32 to index
        %get3A_292 = arith.constant 96 : index
        %get3A_293 = tpu.vector_load %arg12[%get3A_291, %get3A_292] {strides = array<i32>} : memref<160x128xf32, #tpu.memory_space<vmem>>, vector<16xf32>,
        %mul3A_294 = arith.mulf %get3A_293, %broadcast_in_dim3A_240 : vector<16xf32>
        %swap3A_295 = arith.index_cast %add3A_245 : i32 to index
        %swap3A_296 = arith.constant 96 : index
        %swap3A_297 = tpu.vector_load %arg12[%swap3A_295, %swap3A_296] {strides = array<i32>} : memref<160x128xf32, #tpu.memory_space<vmem>>, vector<16xf32>,
        tpu.vector_store %arg12[%swap3A_295, %swap3A_296], %mul3A_294 {strides = array<i32>} : memref<160x128xf32, #tpu.memory_space<vmem>>, vector<16xf32>,
        %get3A_298 = arith.index_cast %add3A_245 : i32 to index
        %get3A_299 = arith.constant 112 : index
        %get3A_300 = tpu.vector_load %arg12[%get3A_298, %get3A_299] {strides = array<i32>} : memref<160x128xf32, #tpu.memory_space<vmem>>, vector<16xf32>,
        %mul3A_301 = arith.mulf %get3A_300, %broadcast_in_dim3A_240 : vector<16xf32>
        %swap3A_302 = arith.index_cast %add3A_245 : i32 to index
        %swap3A_303 = arith.constant 112 : index
        %swap3A_304 = tpu.vector_load %arg12[%swap3A_302, %swap3A_303] {strides = array<i32>} : memref<160x128xf32, #tpu.memory_space<vmem>>, vector<16xf32>,
        tpu.vector_store %arg12[%swap3A_302, %swap3A_303], %mul3A_301 {strides = array<i32>} : memref<160x128xf32, #tpu.memory_space<vmem>>, vector<16xf32>,
        %slice3A_305 = vector.extract_strided_slice %exp3A {offsets = [1], sizes = [1], strides = [1]} : vector<16xf32> to vector<1xf32>
        %squeeze3A_306 = vector.extract %slice3A_305[0] : f32 from vector<1xf32>
        %broadcast_in_dim3A_307 = vector.broadcast %squeeze3A_306 : f32 to vector<16xf32>
        %mul3A_308 = arith.constant 16 : i32
        %mul3A_309 = arith.muli %add3A_209, %mul3A_308 : i32
        %add3A_310 = arith.addi %mul3A_138, %mul3A_309 : i32
        %add3A_311 = arith.constant 1 : i32
        %add3A_312 = arith.addi %add3A_310, %add3A_311 : i32
        %swap3A_313 = arith.index_cast %add3A_312 : i32 to index
        %swap3A_314 = arith.constant 0 : index
        %swap3A_315 = tpu.vector_load %arg13[%swap3A_313, %swap3A_314] {strides = array<i32>} : memref<160x16xf32, #tpu.memory_space<vmem>>, vector<16xf32>,
        tpu.vector_store %arg13[%swap3A_313, %swap3A_314], %broadcast_in_dim3A_307 {strides = array<i32>} : memref<160x16xf32, #tpu.memory_space<vmem>>, vector<16xf32>,
        %get3A_316 = arith.index_cast %add3A_312 : i32 to index
        %get3A_317 = arith.constant 0 : index
        %get3A_318 = tpu.vector_load %arg12[%get3A_316, %get3A_317] {strides = array<i32>} : memref<160x128xf32, #tpu.memory_space<vmem>>, vector<16xf32>,
        %mul3A_319 = arith.mulf %get3A_318, %broadcast_in_dim3A_307 : vector<16xf32>
        %swap3A_320 = arith.index_cast %add3A_312 : i32 to index
        %swap3A_321 = arith.constant 0 : index
        %swap3A_322 = tpu.vector_load %arg12[%swap3A_320, %swap3A_321] {strides = array<i32>} : memref<160x128xf32, #tpu.memory_space<vmem>>, vector<16xf32>,
        tpu.vector_store %arg12[%swap3A_320, %swap3A_321], %mul3A_319 {strides = array<i32>} : memref<160x128xf32, #tpu.memory_space<vmem>>, vector<16xf32>,
        %get3A_323 = arith.index_cast %add3A_312 : i32 to index
        %get3A_324 = arith.constant 16 : index
        %get3A_325 = tpu.vector_load %arg12[%get3A_323, %get3A_324] {strides = array<i32>} : memref<160x128xf32, #tpu.memory_space<vmem>>, vector<16xf32>,
        %mul3A_326 = arith.mulf %get3A_325, %broadcast_in_dim3A_307 : vector<16xf32>
        %swap3A_327 = arith.index_cast %add3A_312 : i32 to index
        %swap3A_328 = arith.constant 16 : index
        %swap3A_329 = tpu.vector_load %arg12[%swap3A_327, %swap3A_328] {strides = array<i32>} : memref<160x128xf32, #tpu.memory_space<vmem>>, vector<16xf32>,
        tpu.vector_store %arg12[%swap3A_327, %swap3A_328], %mul3A_326 {strides = array<i32>} : memref<160x128xf32, #tpu.memory_space<vmem>>, vector<16xf32>,
        %get3A_330 = arith.index_cast %add3A_312 : i32 to index
        %get3A_331 = arith.constant 32 : index
        %get3A_332 = tpu.vector_load %arg12[%get3A_330, %get3A_331] {strides = array<i32>} : memref<160x128xf32, #tpu.memory_space<vmem>>, vector<16xf32>,
        %mul3A_333 = arith.mulf %get3A_332, %broadcast_in_dim3A_307 : vector<16xf32>
        %swap3A_334 = arith.index_cast %add3A_312 : i32 to index
        %swap3A_335 = arith.constant 32 : index
        %swap3A_336 = tpu.vector_load %arg12[%swap3A_334, %swap3A_335] {strides = array<i32>} : memref<160x128xf32, #tpu.memory_space<vmem>>, vector<16xf32>,
        tpu.vector_store %arg12[%swap3A_334, %swap3A_335], %mul3A_333 {strides = array<i32>} : memref<160x128xf32, #tpu.memory_space<vmem>>, vector<16xf32>,
        %get3A_337 = arith.index_cast %add3A_312 : i32 to index
        %get3A_338 = arith.constant 48 : index
        %get3A_339 = tpu.vector_load %arg12[%get3A_337, %get3A_338] {strides = array<i32>} : memref<160x128xf32, #tpu.memory_space<vmem>>, vector<16xf32>,
        %mul3A_340 = arith.mulf %get3A_339, %broadcast_in_dim3A_307 : vector<16xf32>
        %swap3A_341 = arith.index_cast %add3A_312 : i32 to index
        %swap3A_342 = arith.constant 48 : index
        %swap3A_343 = tpu.vector_load %arg12[%swap3A_341, %swap3A_342] {strides = array<i32>} : memref<160x128xf32, #tpu.memory_space<vmem>>, vector<16xf32>,
        tpu.vector_store %arg12[%swap3A_341, %swap3A_342], %mul3A_340 {strides = array<i32>} : memref<160x128xf32, #tpu.memory_space<vmem>>, vector<16xf32>,
        %get3A_344 = arith.index_cast %add3A_312 : i32 to index
        %get3A_345 = arith.constant 64 : index
        %get3A_346 = tpu.vector_load %arg12[%get3A_344, %get3A_345] {strides = array<i32>} : memref<160x128xf32, #tpu.memory_space<vmem>>, vector<16xf32>,
        %mul3A_347 = arith.mulf %get3A_346, %broadcast_in_dim3A_307 : vector<16xf32>
        %swap3A_348 = arith.index_cast %add3A_312 : i32 to index
        %swap3A_349 = arith.constant 64 : index
        %swap3A_350 = tpu.vector_load %arg12[%swap3A_348, %swap3A_349] {strides = array<i32>} : memref<160x128xf32, #tpu.memory_space<vmem>>, vector<16xf32>,
        tpu.vector_store %arg12[%swap3A_348, %swap3A_349], %mul3A_347 {strides = array<i32>} : memref<160x128xf32, #tpu.memory_space<vmem>>, vector<16xf32>,
        %get3A_351 = arith.index_cast %add3A_312 : i32 to index
        %get3A_352 = arith.constant 80 : index
        %get3A_353 = tpu.vector_load %arg12[%get3A_351, %get3A_352] {strides = array<i32>} : memref<160x128xf32, #tpu.memory_space<vmem>>, vector<16xf32>,
        %mul3A_354 = arith.mulf %get3A_353, %broadcast_in_dim3A_307 : vector<16xf32>
        %swap3A_355 = arith.index_cast %add3A_312 : i32 to index
        %swap3A_356 = arith.constant 80 : index
        %swap3A_357 = tpu.vector_load %arg12[%swap3A_355, %swap3A_356] {strides = array<i32>} : memref<160x128xf32, #tpu.memory_space<vmem>>, vector<16xf32>,
        tpu.vector_store %arg12[%swap3A_355, %swap3A_356], %mul3A_354 {strides = array<i32>} : memref<160x128xf32, #tpu.memory_space<vmem>>, vector<16xf32>,
        %get3A_358 = arith.index_cast %add3A_312 : i32 to index
        %get3A_359 = arith.constant 96 : index
        %get3A_360 = tpu.vector_load %arg12[%get3A_358, %get3A_359] {strides = array<i32>} : memref<160x128xf32, #tpu.memory_space<vmem>>, vector<16xf32>,
        %mul3A_361 = arith.mulf %get3A_360, %broadcast_in_dim3A_307 : vector<16xf32>
        %swap3A_362 = arith.index_cast %add3A_312 : i32 to index
        %swap3A_363 = arith.constant 96 : index
        %swap3A_364 = tpu.vector_load %arg12[%swap3A_362, %swap3A_363] {strides = array<i32>} : memref<160x128xf32, #tpu.memory_space<vmem>>, vector<16xf32>,
        tpu.vector_store %arg12[%swap3A_362, %swap3A_363], %mul3A_361 {strides = array<i32>} : memref<160x128xf32, #tpu.memory_space<vmem>>, vector<16xf32>,
        %get3A_365 = arith.index_cast %add3A_312 : i32 to index
        %get3A_366 = arith.constant 112 : index
        %get3A_367 = tpu.vector_load %arg12[%get3A_365, %get3A_366] {strides = array<i32>} : memref<160x128xf32, #tpu.memory_space<vmem>>, vector<16xf32>,
        %mul3A_368 = arith.mulf %get3A_367, %broadcast_in_dim3A_307 : vector<16xf32>
        %swap3A_369 = arith.index_cast %add3A_312 : i32 to index
        %swap3A_370 = arith.constant 112 : index
        %swap3A_371 = tpu.vector_load %arg12[%swap3A_369, %swap3A_370] {strides = array<i32>} : memref<160x128xf32, #tpu.memory_space<vmem>>, vector<16xf32>,
        tpu.vector_store %arg12[%swap3A_369, %swap3A_370], %mul3A_368 {strides = array<i32>} : memref<160x128xf32, #tpu.memory_space<vmem>>, vector<16xf32>,
        %slice3A_372 = vector.extract_strided_slice %exp3A {offsets = [2], sizes = [1], strides = [1]} : vector<16xf32> to vector<1xf32>
        %squeeze3A_373 = vector.extract %slice3A_372[0] : f32 from vector<1xf32>
        %broadcast_in_dim3A_374 = vector.broadcast %squeeze3A_373 : f32 to vector<16xf32>
        %mul3A_375 = arith.constant 16 : i32
        %mul3A_376 = arith.muli %add3A_209, %mul3A_375 : i32
        %add3A_377 = arith.addi %mul3A_138, %mul3A_376 : i32
        %add3A_378 = arith.constant 2 : i32
        %add3A_379 = arith.addi %add3A_377, %add3A_378 : i32
        %swap3A_380 = arith.index_cast %add3A_379 : i32 to index
        %swap3A_381 = arith.constant 0 : index
        %swap3A_382 = tpu.vector_load %arg13[%swap3A_380, %swap3A_381] {strides = array<i32>} : memref<160x16xf32, #tpu.memory_space<vmem>>, vector<16xf32>,
        tpu.vector_store %arg13[%swap3A_380, %swap3A_381], %broadcast_in_dim3A_374 {strides = array<i32>} : memref<160x16xf32, #tpu.memory_space<vmem>>, vector<16xf32>,
        %get3A_383 = arith.index_cast %add3A_379 : i32 to index
        %get3A_384 = arith.constant 0 : index
        %get3A_385 = tpu.vector_load %arg12[%get3A_383, %get3A_384] {strides = array<i32>} : memref<160x128xf32, #tpu.memory_space<vmem>>, vector<16xf32>,
        %mul3A_386 = arith.mulf %get3A_385, %broadcast_in_dim3A_374 : vector<16xf32>
        %swap3A_387 = arith.index_cast %add3A_379 : i32 to index
        %swap3A_388 = arith.constant 0 : index
        %swap3A_389 = tpu.vector_load %arg12[%swap3A_387, %swap3A_388] {strides = array<i32>} : memref<160x128xf32, #tpu.memory_space<vmem>>, vector<16xf32>,
        tpu.vector_store %arg12[%swap3A_387, %swap3A_388], %mul3A_386 {strides = array<i32>} : memref<160x128xf32, #tpu.memory_space<vmem>>, vector<16xf32>,
        %get3A_390 = arith.index_cast %add3A_379 : i32 to index
        %get3A_391 = arith.constant 16 : index
        %get3A_392 = tpu.vector_load %arg12[%get3A_390, %get3A_391] {strides = array<i32>} : memref<160x128xf32, #tpu.memory_space<vmem>>, vector<16xf32>,
        %mul3A_393 = arith.mulf %get3A_392, %broadcast_in_dim3A_374 : vector<16xf32>
        %swap3A_394 = arith.index_cast %add3A_379 : i32 to index
        %swap3A_395 = arith.constant 16 : index
        %swap3A_396 = tpu.vector_load %arg12[%swap3A_394, %swap3A_395] {strides = array<i32>} : memref<160x128xf32, #tpu.memory_space<vmem>>, vector<16xf32>,
        tpu.vector_store %arg12[%swap3A_394, %swap3A_395], %mul3A_393 {strides = array<i32>} : memref<160x128xf32, #tpu.memory_space<vmem>>, vector<16xf32>,
        %get3A_397 = arith.index_cast %add3A_379 : i32 to index
        %get3A_398 = arith.constant 32 : index
        %get3A_399 = tpu.vector_load %arg12[%get3A_397, %get3A_398] {strides = array<i32>} : memref<160x128xf32, #tpu.memory_space<vmem>>, vector<16xf32>,
        %mul3A_400 = arith.mulf %get3A_399, %broadcast_in_dim3A_374 : vector<16xf32>
        %swap3A_401 = arith.index_cast %add3A_379 : i32 to index
        %swap3A_402 = arith.constant 32 : index
        %swap3A_403 = tpu.vector_load %arg12[%swap3A_401, %swap3A_402] {strides = array<i32>} : memref<160x128xf32, #tpu.memory_space<vmem>>, vector<16xf32>,
        tpu.vector_store %arg12[%swap3A_401, %swap3A_402], %mul3A_400 {strides = array<i32>} : memref<160x128xf32, #tpu.memory_space<vmem>>, vector<16xf32>,
        %get3A_404 = arith.index_cast %add3A_379 : i32 to index
        %get3A_405 = arith.constant 48 : index
        %get3A_406 = tpu.vector_load %arg12[%get3A_404, %get3A_405] {strides = array<i32>} : memref<160x128xf32, #tpu.memory_space<vmem>>, vector<16xf32>,
        %mul3A_407 = arith.mulf %get3A_406, %broadcast_in_dim3A_374 : vector<16xf32>
        %swap3A_408 = arith.index_cast %add3A_379 : i32 to index
        %swap3A_409 = arith.constant 48 : index
        %swap3A_410 = tpu.vector_load %arg12[%swap3A_408, %swap3A_409] {strides = array<i32>} : memref<160x128xf32, #tpu.memory_space<vmem>>, vector<16xf32>,
        tpu.vector_store %arg12[%swap3A_408, %swap3A_409], %mul3A_407 {strides = array<i32>} : memref<160x128xf32, #tpu.memory_space<vmem>>, vector<16xf32>,
        %get3A_411 = arith.index_cast %add3A_379 : i32 to index
        %get3A_412 = arith.constant 64 : index
        %get3A_413 = tpu.vector_load %arg12[%get3A_411, %get3A_412] {strides = array<i32>} : memref<160x128xf32, #tpu.memory_space<vmem>>, vector<16xf32>,
        %mul3A_414 = arith.mulf %get3A_413, %broadcast_in_dim3A_374 : vector<16xf32>
        %swap3A_415 = arith.index_cast %add3A_379 : i32 to index
        %swap3A_416 = arith.constant 64 : index
        %swap3A_417 = tpu.vector_load %arg12[%swap3A_415, %swap3A_416] {strides = array<i32>} : memref<160x128xf32, #tpu.memory_space<vmem>>, vector<16xf32>,
        tpu.vector_store %arg12[%swap3A_415, %swap3A_416], %mul3A_414 {strides = array<i32>} : memref<160x128xf32, #tpu.memory_space<vmem>>, vector<16xf32>,
        %get3A_418 = arith.index_cast %add3A_379 : i32 to index
        %get3A_419 = arith.constant 80 : index
        %get3A_420 = tpu.vector_load %arg12[%get3A_418, %get3A_419] {strides = array<i32>} : memref<160x128xf32, #tpu.memory_space<vmem>>, vector<16xf32>,
        %mul3A_421 = arith.mulf %get3A_420, %broadcast_in_dim3A_374 : vector<16xf32>
        %swap3A_422 = arith.index_cast %add3A_379 : i32 to index
        %swap3A_423 = arith.constant 80 : index
        %swap3A_424 = tpu.vector_load %arg12[%swap3A_422, %swap3A_423] {strides = array<i32>} : memref<160x128xf32, #tpu.memory_space<vmem>>, vector<16xf32>,
        tpu.vector_store %arg12[%swap3A_422, %swap3A_423], %mul3A_421 {strides = array<i32>} : memref<160x128xf32, #tpu.memory_space<vmem>>, vector<16xf32>,
        %get3A_425 = arith.index_cast %add3A_379 : i32 to index
        %get3A_426 = arith.constant 96 : index
        %get3A_427 = tpu.vector_load %arg12[%get3A_425, %get3A_426] {strides = array<i32>} : memref<160x128xf32, #tpu.memory_space<vmem>>, vector<16xf32>,
        %mul3A_428 = arith.mulf %get3A_427, %broadcast_in_dim3A_374 : vector<16xf32>
        %swap3A_429 = arith.index_cast %add3A_379 : i32 to index
        %swap3A_430 = arith.constant 96 : index
        %swap3A_431 = tpu.vector_load %arg12[%swap3A_429, %swap3A_430] {strides = array<i32>} : memref<160x128xf32, #tpu.memory_space<vmem>>, vector<16xf32>,
        tpu.vector_store %arg12[%swap3A_429, %swap3A_430], %mul3A_428 {strides = array<i32>} : memref<160x128xf32, #tpu.memory_space<vmem>>, vector<16xf32>,
        %get3A_432 = arith.index_cast %add3A_379 : i32 to index
        %get3A_433 = arith.constant 112 : index
        %get3A_434 = tpu.vector_load %arg12[%get3A_432, %get3A_433] {strides = array<i32>} : memref<160x128xf32, #tpu.memory_space<vmem>>, vector<16xf32>,
        %mul3A_435 = arith.mulf %get3A_434, %broadcast_in_dim3A_374 : vector<16xf32>
        %swap3A_436 = arith.index_cast %add3A_379 : i32 to index
        %swap3A_437 = arith.constant 112 : index
        %swap3A_438 = tpu.vector_load %arg12[%swap3A_436, %swap3A_437] {strides = array<i32>} : memref<160x128xf32, #tpu.memory_space<vmem>>, vector<16xf32>,
        tpu.vector_store %arg12[%swap3A_436, %swap3A_437], %mul3A_435 {strides = array<i32>} : memref<160x128xf32, #tpu.memory_space<vmem>>, vector<16xf32>,
        %slice3A_439 = vector.extract_strided_slice %exp3A {offsets = [3], sizes = [1], strides = [1]} : vector<16xf32> to vector<1xf32>
        %squeeze3A_440 = vector.extract %slice3A_439[0] : f32 from vector<1xf32>
        %broadcast_in_dim3A_441 = vector.broadcast %squeeze3A_440 : f32 to vector<16xf32>
        %mul3A_442 = arith.constant 16 : i32
        %mul3A_443 = arith.muli %add3A_209, %mul3A_442 : i32
        %add3A_444 = arith.addi %mul3A_138, %mul3A_443 : i32
        %add3A_445 = arith.constant 3 : i32
        %add3A_446 = arith.addi %add3A_444, %add3A_445 : i32
        %swap3A_447 = arith.index_cast %add3A_446 : i32 to index
        %swap3A_448 = arith.constant 0 : index
        %swap3A_449 = tpu.vector_load %arg13[%swap3A_447, %swap3A_448] {strides = array<i32>} : memref<160x16xf32, #tpu.memory_space<vmem>>, vector<16xf32>,
        tpu.vector_store %arg13[%swap3A_447, %swap3A_448], %broadcast_in_dim3A_441 {strides = array<i32>} : memref<160x16xf32, #tpu.memory_space<vmem>>, vector<16xf32>,
        %get3A_450 = arith.index_cast %add3A_446 : i32 to index
        %get3A_451 = arith.constant 0 : index
        %get3A_452 = tpu.vector_load %arg12[%get3A_450, %get3A_451] {strides = array<i32>} : memref<160x128xf32, #tpu.memory_space<vmem>>, vector<16xf32>,
        %mul3A_453 = arith.mulf %get3A_452, %broadcast_in_dim3A_441 : vector<16xf32>
        %swap3A_454 = arith.index_cast %add3A_446 : i32 to index
        %swap3A_455 = arith.constant 0 : index
        %swap3A_456 = tpu.vector_load %arg12[%swap3A_454, %swap3A_455] {strides = array<i32>} : memref<160x128xf32, #tpu.memory_space<vmem>>, vector<16xf32>,
        tpu.vector_store %arg12[%swap3A_454, %swap3A_455], %mul3A_453 {strides = array<i32>} : memref<160x128xf32, #tpu.memory_space<vmem>>, vector<16xf32>,
        %get3A_457 = arith.index_cast %add3A_446 : i32 to index
        %get3A_458 = arith.constant 16 : index
        %get3A_459 = tpu.vector_load %arg12[%get3A_457, %get3A_458] {strides = array<i32>} : memref<160x128xf32, #tpu.memory_space<vmem>>, vector<16xf32>,
        %mul3A_460 = arith.mulf %get3A_459, %broadcast_in_dim3A_441 : vector<16xf32>
        %swap3A_461 = arith.index_cast %add3A_446 : i32 to index
        %swap3A_462 = arith.constant 16 : index
        %swap3A_463 = tpu.vector_load %arg12[%swap3A_461, %swap3A_462] {strides = array<i32>} : memref<160x128xf32, #tpu.memory_space<vmem>>, vector<16xf32>,
        tpu.vector_store %arg12[%swap3A_461, %swap3A_462], %mul3A_460 {strides = array<i32>} : memref<160x128xf32, #tpu.memory_space<vmem>>, vector<16xf32>,
        %get3A_464 = arith.index_cast %add3A_446 : i32 to index
        %get3A_465 = arith.constant 32 : index
        %get3A_466 = tpu.vector_load %arg12[%get3A_464, %get3A_465] {strides = array<i32>} : memref<160x128xf32, #tpu.memory_space<vmem>>, vector<16xf32>,
        %mul3A_467 = arith.mulf %get3A_466, %broadcast_in_dim3A_441 : vector<16xf32>
        %swap3A_468 = arith.index_cast %add3A_446 : i32 to index
        %swap3A_469 = arith.constant 32 : index
        %swap3A_470 = tpu.vector_load %arg12[%swap3A_468, %swap3A_469] {strides = array<i32>} : memref<160x128xf32, #tpu.memory_space<vmem>>, vector<16xf32>,
        tpu.vector_store %arg12[%swap3A_468, %swap3A_469], %mul3A_467 {strides = array<i32>} : memref<160x128xf32, #tpu.memory_space<vmem>>, vector<16xf32>,
        %get3A_471 = arith.index_cast %add3A_446 : i32 to index
        %get3A_472 = arith.constant 48 : index
        %get3A_473 = tpu.vector_load %arg12[%get3A_471, %get3A_472] {strides = array<i32>} : memref<160x128xf32, #tpu.memory_space<vmem>>, vector<16xf32>,
        %mul3A_474 = arith.mulf %get3A_473, %broadcast_in_dim3A_441 : vector<16xf32>
        %swap3A_475 = arith.index_cast %add3A_446 : i32 to index
        %swap3A_476 = arith.constant 48 : index
        %swap3A_477 = tpu.vector_load %arg12[%swap3A_475, %swap3A_476] {strides = array<i32>} : memref<160x128xf32, #tpu.memory_space<vmem>>, vector<16xf32>,
        tpu.vector_store %arg12[%swap3A_475, %swap3A_476], %mul3A_474 {strides = array<i32>} : memref<160x128xf32, #tpu.memory_space<vmem>>, vector<16xf32>,
        %get3A_478 = arith.index_cast %add3A_446 : i32 to index
        %get3A_479 = arith.constant 64 : index
        %get3A_480 = tpu.vector_load %arg12[%get3A_478, %get3A_479] {strides = array<i32>} : memref<160x128xf32, #tpu.memory_space<vmem>>, vector<16xf32>,
        %mul3A_481 = arith.mulf %get3A_480, %broadcast_in_dim3A_441 : vector<16xf32>
        %swap3A_482 = arith.index_cast %add3A_446 : i32 to index
        %swap3A_483 = arith.constant 64 : index
        %swap3A_484 = tpu.vector_load %arg12[%swap3A_482, %swap3A_483] {strides = array<i32>} : memref<160x128xf32, #tpu.memory_space<vmem>>, vector<16xf32>,
        tpu.vector_store %arg12[%swap3A_482, %swap3A_483], %mul3A_481 {strides = array<i32>} : memref<160x128xf32, #tpu.memory_space<vmem>>, vector<16xf32>,
        %get3A_485 = arith.index_cast %add3A_446 : i32 to index
        %get3A_486 = arith.constant 80 : index
        %get3A_487 = tpu.vector_load %arg12[%get3A_485, %get3A_486] {strides = array<i32>} : memref<160x128xf32, #tpu.memory_space<vmem>>, vector<16xf32>,
        %mul3A_488 = arith.mulf %get3A_487, %broadcast_in_dim3A_441 : vector<16xf32>
        %swap3A_489 = arith.index_cast %add3A_446 : i32 to index
        %swap3A_490 = arith.constant 80 : index
        %swap3A_491 = tpu.vector_load %arg12[%swap3A_489, %swap3A_490] {strides = array<i32>} : memref<160x128xf32, #tpu.memory_space<vmem>>, vector<16xf32>,
        tpu.vector_store %arg12[%swap3A_489, %swap3A_490], %mul3A_488 {strides = array<i32>} : memref<160x128xf32, #tpu.memory_space<vmem>>, vector<16xf32>,
        %get3A_492 = arith.index_cast %add3A_446 : i32 to index
        %get3A_493 = arith.constant 96 : index
        %get3A_494 = tpu.vector_load %arg12[%get3A_492, %get3A_493] {strides = array<i32>} : memref<160x128xf32, #tpu.memory_space<vmem>>, vector<16xf32>,
        %mul3A_495 = arith.mulf %get3A_494, %broadcast_in_dim3A_441 : vector<16xf32>
        %swap3A_496 = arith.index_cast %add3A_446 : i32 to index
        %swap3A_497 = arith.constant 96 : index
        %swap3A_498 = tpu.vector_load %arg12[%swap3A_496, %swap3A_497] {strides = array<i32>} : memref<160x128xf32, #tpu.memory_space<vmem>>, vector<16xf32>,
        tpu.vector_store %arg12[%swap3A_496, %swap3A_497], %mul3A_495 {strides = array<i32>} : memref<160x128xf32, #tpu.memory_space<vmem>>, vector<16xf32>,
        %get3A_499 = arith.index_cast %add3A_446 : i32 to index
        %get3A_500 = arith.constant 112 : index
        %get3A_501 = tpu.vector_load %arg12[%get3A_499, %get3A_500] {strides = array<i32>} : memref<160x128xf32, #tpu.memory_space<vmem>>, vector<16xf32>,
        %mul3A_502 = arith.mulf %get3A_501, %broadcast_in_dim3A_441 : vector<16xf32>
        %swap3A_503 = arith.index_cast %add3A_446 : i32 to index
        %swap3A_504 = arith.constant 112 : index
        %swap3A_505 = tpu.vector_load %arg12[%swap3A_503, %swap3A_504] {strides = array<i32>} : memref<160x128xf32, #tpu.memory_space<vmem>>, vector<16xf32>,
        tpu.vector_store %arg12[%swap3A_503, %swap3A_504], %mul3A_502 {strides = array<i32>} : memref<160x128xf32, #tpu.memory_space<vmem>>, vector<16xf32>,
        %slice3A_506 = vector.extract_strided_slice %exp3A {offsets = [4], sizes = [1], strides = [1]} : vector<16xf32> to vector<1xf32>
        %squeeze3A_507 = vector.extract %slice3A_506[0] : f32 from vector<1xf32>
        %broadcast_in_dim3A_508 = vector.broadcast %squeeze3A_507 : f32 to vector<16xf32>
        %mul3A_509 = arith.constant 16 : i32
        %mul3A_510 = arith.muli %add3A_209, %mul3A_509 : i32
        %add3A_511 = arith.addi %mul3A_138, %mul3A_510 : i32
        %add3A_512 = arith.constant 4 : i32
        %add3A_513 = arith.addi %add3A_511, %add3A_512 : i32
        %swap3A_514 = arith.index_cast %add3A_513 : i32 to index
        %swap3A_515 = arith.constant 0 : index
        %swap3A_516 = tpu.vector_load %arg13[%swap3A_514, %swap3A_515] {strides = array<i32>} : memref<160x16xf32, #tpu.memory_space<vmem>>, vector<16xf32>,
        tpu.vector_store %arg13[%swap3A_514, %swap3A_515], %broadcast_in_dim3A_508 {strides = array<i32>} : memref<160x16xf32, #tpu.memory_space<vmem>>, vector<16xf32>,
        %get3A_517 = arith.index_cast %add3A_513 : i32 to index
        %get3A_518 = arith.constant 0 : index
        %get3A_519 = tpu.vector_load %arg12[%get3A_517, %get3A_518] {strides = array<i32>} : memref<160x128xf32, #tpu.memory_space<vmem>>, vector<16xf32>,
        %mul3A_520 = arith.mulf %get3A_519, %broadcast_in_dim3A_508 : vector<16xf32>
        %swap3A_521 = arith.index_cast %add3A_513 : i32 to index
        %swap3A_522 = arith.constant 0 : index
        %swap3A_523 = tpu.vector_load %arg12[%swap3A_521, %swap3A_522] {strides = array<i32>} : memref<160x128xf32, #tpu.memory_space<vmem>>, vector<16xf32>,
        tpu.vector_store %arg12[%swap3A_521, %swap3A_522], %mul3A_520 {strides = array<i32>} : memref<160x128xf32, #tpu.memory_space<vmem>>, vector<16xf32>,
        %get3A_524 = arith.index_cast %add3A_513 : i32 to index
        %get3A_525 = arith.constant 16 : index
        %get3A_526 = tpu.vector_load %arg12[%get3A_524, %get3A_525] {strides = array<i32>} : memref<160x128xf32, #tpu.memory_space<vmem>>, vector<16xf32>,
        %mul3A_527 = arith.mulf %get3A_526, %broadcast_in_dim3A_508 : vector<16xf32>
        %swap3A_528 = arith.index_cast %add3A_513 : i32 to index
        %swap3A_529 = arith.constant 16 : index
        %swap3A_530 = tpu.vector_load %arg12[%swap3A_528, %swap3A_529] {strides = array<i32>} : memref<160x128xf32, #tpu.memory_space<vmem>>, vector<16xf32>,
        tpu.vector_store %arg12[%swap3A_528, %swap3A_529], %mul3A_527 {strides = array<i32>} : memref<160x128xf32, #tpu.memory_space<vmem>>, vector<16xf32>,
        %get3A_531 = arith.index_cast %add3A_513 : i32 to index
        %get3A_532 = arith.constant 32 : index
        %get3A_533 = tpu.vector_load %arg12[%get3A_531, %get3A_532] {strides = array<i32>} : memref<160x128xf32, #tpu.memory_space<vmem>>, vector<16xf32>,
        %mul3A_534 = arith.mulf %get3A_533, %broadcast_in_dim3A_508 : vector<16xf32>
        %swap3A_535 = arith.index_cast %add3A_513 : i32 to index
        %swap3A_536 = arith.constant 32 : index
        %swap3A_537 = tpu.vector_load %arg12[%swap3A_535, %swap3A_536] {strides = array<i32>} : memref<160x128xf32, #tpu.memory_space<vmem>>, vector<16xf32>,
        tpu.vector_store %arg12[%swap3A_535, %swap3A_536], %mul3A_534 {strides = array<i32>} : memref<160x128xf32, #tpu.memory_space<vmem>>, vector<16xf32>,
        %get3A_538 = arith.index_cast %add3A_513 : i32 to index
        %get3A_539 = arith.constant 48 : index
        %get3A_540 = tpu.vector_load %arg12[%get3A_538, %get3A_539] {strides = array<i32>} : memref<160x128xf32, #tpu.memory_space<vmem>>, vector<16xf32>,
        %mul3A_541 = arith.mulf %get3A_540, %broadcast_in_dim3A_508 : vector<16xf32>
        %swap3A_542 = arith.index_cast %add3A_513 : i32 to index
        %swap3A_543 = arith.constant 48 : index
        %swap3A_544 = tpu.vector_load %arg12[%swap3A_542, %swap3A_543] {strides = array<i32>} : memref<160x128xf32, #tpu.memory_space<vmem>>, vector<16xf32>,
        tpu.vector_store %arg12[%swap3A_542, %swap3A_543], %mul3A_541 {strides = array<i32>} : memref<160x128xf32, #tpu.memory_space<vmem>>, vector<16xf32>,
        %get3A_545 = arith.index_cast %add3A_513 : i32 to index
        %get3A_546 = arith.constant 64 : index
        %get3A_547 = tpu.vector_load %arg12[%get3A_545, %get3A_546] {strides = array<i32>} : memref<160x128xf32, #tpu.memory_space<vmem>>, vector<16xf32>,
        %mul3A_548 = arith.mulf %get3A_547, %broadcast_in_dim3A_508 : vector<16xf32>
        %swap3A_549 = arith.index_cast %add3A_513 : i32 to index
        %swap3A_550 = arith.constant 64 : index
        %swap3A_551 = tpu.vector_load %arg12[%swap3A_549, %swap3A_550] {strides = array<i32>} : memref<160x128xf32, #tpu.memory_space<vmem>>, vector<16xf32>,
        tpu.vector_store %arg12[%swap3A_549, %swap3A_550], %mul3A_548 {strides = array<i32>} : memref<160x128xf32, #tpu.memory_space<vmem>>, vector<16xf32>,
        %get3A_552 = arith.index_cast %add3A_513 : i32 to index
        %get3A_553 = arith.constant 80 : index
        %get3A_554 = tpu.vector_load %arg12[%get3A_552, %get3A_553] {strides = array<i32>} : memref<160x128xf32, #tpu.memory_space<vmem>>, vector<16xf32>,
        %mul3A_555 = arith.mulf %get3A_554, %broadcast_in_dim3A_508 : vector<16xf32>
        %swap3A_556 = arith.index_cast %add3A_513 : i32 to index
        %swap3A_557 = arith.constant 80 : index
        %swap3A_558 = tpu.vector_load %arg12[%swap3A_556, %swap3A_557] {strides = array<i32>} : memref<160x128xf32, #tpu.memory_space<vmem>>, vector<16xf32>,
        tpu.vector_store %arg12[%swap3A_556, %swap3A_557], %mul3A_555 {strides = array<i32>} : memref<160x128xf32, #tpu.memory_space<vmem>>, vector<16xf32>,
        %get3A_559 = arith.index_cast %add3A_513 : i32 to index
        %get3A_560 = arith.constant 96 : index
        %get3A_561 = tpu.vector_load %arg12[%get3A_559, %get3A_560] {strides = array<i32>} : memref<160x128xf32, #tpu.memory_space<vmem>>, vector<16xf32>,
        %mul3A_562 = arith.mulf %get3A_561, %broadcast_in_dim3A_508 : vector<16xf32>
        %swap3A_563 = arith.index_cast %add3A_513 : i32 to index
        %swap3A_564 = arith.constant 96 : index
        %swap3A_565 = tpu.vector_load %arg12[%swap3A_563, %swap3A_564] {strides = array<i32>} : memref<160x128xf32, #tpu.memory_space<vmem>>, vector<16xf32>,
        tpu.vector_store %arg12[%swap3A_563, %swap3A_564], %mul3A_562 {strides = array<i32>} : memref<160x128xf32, #tpu.memory_space<vmem>>, vector<16xf32>,
        %get3A_566 = arith.index_cast %add3A_513 : i32 to index
        %get3A_567 = arith.constant 112 : index
        %get3A_568 = tpu.vector_load %arg12[%get3A_566, %get3A_567] {strides = array<i32>} : memref<160x128xf32, #tpu.memory_space<vmem>>, vector<16xf32>,
        %mul3A_569 = arith.mulf %get3A_568, %broadcast_in_dim3A_508 : vector<16xf32>
        %swap3A_570 = arith.index_cast %add3A_513 : i32 to index
        %swap3A_571 = arith.constant 112 : index
        %swap3A_572 = tpu.vector_load %arg12[%swap3A_570, %swap3A_571] {strides = array<i32>} : memref<160x128xf32, #tpu.memory_space<vmem>>, vector<16xf32>,
        tpu.vector_store %arg12[%swap3A_570, %swap3A_571], %mul3A_569 {strides = array<i32>} : memref<160x128xf32, #tpu.memory_space<vmem>>, vector<16xf32>,
        %slice3A_573 = vector.extract_strided_slice %exp3A {offsets = [5], sizes = [1], strides = [1]} : vector<16xf32> to vector<1xf32>
        %squeeze3A_574 = vector.extract %slice3A_573[0] : f32 from vector<1xf32>
        %broadcast_in_dim3A_575 = vector.broadcast %squeeze3A_574 : f32 to vector<16xf32>
        %mul3A_576 = arith.constant 16 : i32
        %mul3A_577 = arith.muli %add3A_209, %mul3A_576 : i32
        %add3A_578 = arith.addi %mul3A_138, %mul3A_577 : i32
        %add3A_579 = arith.constant 5 : i32
        %add3A_580 = arith.addi %add3A_578, %add3A_579 : i32
        %swap3A_581 = arith.index_cast %add3A_580 : i32 to index
        %swap3A_582 = arith.constant 0 : index
        %swap3A_583 = tpu.vector_load %arg13[%swap3A_581, %swap3A_582] {strides = array<i32>} : memref<160x16xf32, #tpu.memory_space<vmem>>, vector<16xf32>,
        tpu.vector_store %arg13[%swap3A_581, %swap3A_582], %broadcast_in_dim3A_575 {strides = array<i32>} : memref<160x16xf32, #tpu.memory_space<vmem>>, vector<16xf32>,
        %get3A_584 = arith.index_cast %add3A_580 : i32 to index
        %get3A_585 = arith.constant 0 : index
        %get3A_586 = tpu.vector_load %arg12[%get3A_584, %get3A_585] {strides = array<i32>} : memref<160x128xf32, #tpu.memory_space<vmem>>, vector<16xf32>,
        %mul3A_587 = arith.mulf %get3A_586, %broadcast_in_dim3A_575 : vector<16xf32>
        %swap3A_588 = arith.index_cast %add3A_580 : i32 to index
        %swap3A_589 = arith.constant 0 : index
        %swap3A_590 = tpu.vector_load %arg12[%swap3A_588, %swap3A_589] {strides = array<i32>} : memref<160x128xf32, #tpu.memory_space<vmem>>, vector<16xf32>,
        tpu.vector_store %arg12[%swap3A_588, %swap3A_589], %mul3A_587 {strides = array<i32>} : memref<160x128xf32, #tpu.memory_space<vmem>>, vector<16xf32>,
        %get3A_591 = arith.index_cast %add3A_580 : i32 to index
        %get3A_592 = arith.constant 16 : index
        %get3A_593 = tpu.vector_load %arg12[%get3A_591, %get3A_592] {strides = array<i32>} : memref<160x128xf32, #tpu.memory_space<vmem>>, vector<16xf32>,
        %mul3A_594 = arith.mulf %get3A_593, %broadcast_in_dim3A_575 : vector<16xf32>
        %swap3A_595 = arith.index_cast %add3A_580 : i32 to index
        %swap3A_596 = arith.constant 16 : index
        %swap3A_597 = tpu.vector_load %arg12[%swap3A_595, %swap3A_596] {strides = array<i32>} : memref<160x128xf32, #tpu.memory_space<vmem>>, vector<16xf32>,
        tpu.vector_store %arg12[%swap3A_595, %swap3A_596], %mul3A_594 {strides = array<i32>} : memref<160x128xf32, #tpu.memory_space<vmem>>, vector<16xf32>,
        %get3A_598 = arith.index_cast %add3A_580 : i32 to index
        %get3A_599 = arith.constant 32 : index
        %get3A_600 = tpu.vector_load %arg12[%get3A_598, %get3A_599] {strides = array<i32>} : memref<160x128xf32, #tpu.memory_space<vmem>>, vector<16xf32>,
        %mul3A_601 = arith.mulf %get3A_600, %broadcast_in_dim3A_575 : vector<16xf32>
        %swap3A_602 = arith.index_cast %add3A_580 : i32 to index
        %swap3A_603 = arith.constant 32 : index
        %swap3A_604 = tpu.vector_load %arg12[%swap3A_602, %swap3A_603] {strides = array<i32>} : memref<160x128xf32, #tpu.memory_space<vmem>>, vector<16xf32>,
        tpu.vector_store %arg12[%swap3A_602, %swap3A_603], %mul3A_601 {strides = array<i32>} : memref<160x128xf32, #tpu.memory_space<vmem>>, vector<16xf32>,
        %get3A_605 = arith.index_cast %add3A_580 : i32 to index
        %get3A_606 = arith.constant 48 : index
        %get3A_607 = tpu.vector_load %arg12[%get3A_605, %get3A_606] {strides = array<i32>} : memref<160x128xf32, #tpu.memory_space<vmem>>, vector<16xf32>,
        %mul3A_608 = arith.mulf %get3A_607, %broadcast_in_dim3A_575 : vector<16xf32>
        %swap3A_609 = arith.index_cast %add3A_580 : i32 to index
        %swap3A_610 = arith.constant 48 : index
        %swap3A_611 = tpu.vector_load %arg12[%swap3A_609, %swap3A_610] {strides = array<i32>} : memref<160x128xf32, #tpu.memory_space<vmem>>, vector<16xf32>,
        tpu.vector_store %arg12[%swap3A_609, %swap3A_610], %mul3A_608 {strides = array<i32>} : memref<160x128xf32, #tpu.memory_space<vmem>>, vector<16xf32>,
        %get3A_612 = arith.index_cast %add3A_580 : i32 to index
        %get3A_613 = arith.constant 64 : index
        %get3A_614 = tpu.vector_load %arg12[%get3A_612, %get3A_613] {strides = array<i32>} : memref<160x128xf32, #tpu.memory_space<vmem>>, vector<16xf32>,
        %mul3A_615 = arith.mulf %get3A_614, %broadcast_in_dim3A_575 : vector<16xf32>
        %swap3A_616 = arith.index_cast %add3A_580 : i32 to index
        %swap3A_617 = arith.constant 64 : index
        %swap3A_618 = tpu.vector_load %arg12[%swap3A_616, %swap3A_617] {strides = array<i32>} : memref<160x128xf32, #tpu.memory_space<vmem>>, vector<16xf32>,
        tpu.vector_store %arg12[%swap3A_616, %swap3A_617], %mul3A_615 {strides = array<i32>} : memref<160x128xf32, #tpu.memory_space<vmem>>, vector<16xf32>,
        %get3A_619 = arith.index_cast %add3A_580 : i32 to index
        %get3A_620 = arith.constant 80 : index
        %get3A_621 = tpu.vector_load %arg12[%get3A_619, %get3A_620] {strides = array<i32>} : memref<160x128xf32, #tpu.memory_space<vmem>>, vector<16xf32>,
        %mul3A_622 = arith.mulf %get3A_621, %broadcast_in_dim3A_575 : vector<16xf32>
        %swap3A_623 = arith.index_cast %add3A_580 : i32 to index
        %swap3A_624 = arith.constant 80 : index
        %swap3A_625 = tpu.vector_load %arg12[%swap3A_623, %swap3A_624] {strides = array<i32>} : memref<160x128xf32, #tpu.memory_space<vmem>>, vector<16xf32>,
        tpu.vector_store %arg12[%swap3A_623, %swap3A_624], %mul3A_622 {strides = array<i32>} : memref<160x128xf32, #tpu.memory_space<vmem>>, vector<16xf32>,
        %get3A_626 = arith.index_cast %add3A_580 : i32 to index
        %get3A_627 = arith.constant 96 : index
        %get3A_628 = tpu.vector_load %arg12[%get3A_626, %get3A_627] {strides = array<i32>} : memref<160x128xf32, #tpu.memory_space<vmem>>, vector<16xf32>,
        %mul3A_629 = arith.mulf %get3A_628, %broadcast_in_dim3A_575 : vector<16xf32>
        %swap3A_630 = arith.index_cast %add3A_580 : i32 to index
        %swap3A_631 = arith.constant 96 : index
        %swap3A_632 = tpu.vector_load %arg12[%swap3A_630, %swap3A_631] {strides = array<i32>} : memref<160x128xf32, #tpu.memory_space<vmem>>, vector<16xf32>,
        tpu.vector_store %arg12[%swap3A_630, %swap3A_631], %mul3A_629 {strides = array<i32>} : memref<160x128xf32, #tpu.memory_space<vmem>>, vector<16xf32>,
        %get3A_633 = arith.index_cast %add3A_580 : i32 to index
        %get3A_634 = arith.constant 112 : index
        %get3A_635 = tpu.vector_load %arg12[%get3A_633, %get3A_634] {strides = array<i32>} : memref<160x128xf32, #tpu.memory_space<vmem>>, vector<16xf32>,
        %mul3A_636 = arith.mulf %get3A_635, %broadcast_in_dim3A_575 : vector<16xf32>
        %swap3A_637 = arith.index_cast %add3A_580 : i32 to index
        %swap3A_638 = arith.constant 112 : index
        %swap3A_639 = tpu.vector_load %arg12[%swap3A_637, %swap3A_638] {strides = array<i32>} : memref<160x128xf32, #tpu.memory_space<vmem>>, vector<16xf32>,
        tpu.vector_store %arg12[%swap3A_637, %swap3A_638], %mul3A_636 {strides = array<i32>} : memref<160x128xf32, #tpu.memory_space<vmem>>, vector<16xf32>,
        %slice3A_640 = vector.extract_strided_slice %exp3A {offsets = [6], sizes = [1], strides = [1]} : vector<16xf32> to vector<1xf32>
        %squeeze3A_641 = vector.extract %slice3A_640[0] : f32 from vector<1xf32>
        %broadcast_in_dim3A_642 = vector.broadcast %squeeze3A_641 : f32 to vector<16xf32>
        %mul3A_643 = arith.constant 16 : i32
        %mul3A_644 = arith.muli %add3A_209, %mul3A_643 : i32
        %add3A_645 = arith.addi %mul3A_138, %mul3A_644 : i32
        %add3A_646 = arith.constant 6 : i32
        %add3A_647 = arith.addi %add3A_645, %add3A_646 : i32
        %swap3A_648 = arith.index_cast %add3A_647 : i32 to index
        %swap3A_649 = arith.constant 0 : index
        %swap3A_650 = tpu.vector_load %arg13[%swap3A_648, %swap3A_649] {strides = array<i32>} : memref<160x16xf32, #tpu.memory_space<vmem>>, vector<16xf32>,
        tpu.vector_store %arg13[%swap3A_648, %swap3A_649], %broadcast_in_dim3A_642 {strides = array<i32>} : memref<160x16xf32, #tpu.memory_space<vmem>>, vector<16xf32>,
        %get3A_651 = arith.index_cast %add3A_647 : i32 to index
        %get3A_652 = arith.constant 0 : index
        %get3A_653 = tpu.vector_load %arg12[%get3A_651, %get3A_652] {strides = array<i32>} : memref<160x128xf32, #tpu.memory_space<vmem>>, vector<16xf32>,
        %mul3A_654 = arith.mulf %get3A_653, %broadcast_in_dim3A_642 : vector<16xf32>
        %swap3A_655 = arith.index_cast %add3A_647 : i32 to index
        %swap3A_656 = arith.constant 0 : index
        %swap3A_657 = tpu.vector_load %arg12[%swap3A_655, %swap3A_656] {strides = array<i32>} : memref<160x128xf32, #tpu.memory_space<vmem>>, vector<16xf32>,
        tpu.vector_store %arg12[%swap3A_655, %swap3A_656], %mul3A_654 {strides = array<i32>} : memref<160x128xf32, #tpu.memory_space<vmem>>, vector<16xf32>,
        %get3A_658 = arith.index_cast %add3A_647 : i32 to index
        %get3A_659 = arith.constant 16 : index
        %get3A_660 = tpu.vector_load %arg12[%get3A_658, %get3A_659] {strides = array<i32>} : memref<160x128xf32, #tpu.memory_space<vmem>>, vector<16xf32>,
        %mul3A_661 = arith.mulf %get3A_660, %broadcast_in_dim3A_642 : vector<16xf32>
        %swap3A_662 = arith.index_cast %add3A_647 : i32 to index
        %swap3A_663 = arith.constant 16 : index
        %swap3A_664 = tpu.vector_load %arg12[%swap3A_662, %swap3A_663] {strides = array<i32>} : memref<160x128xf32, #tpu.memory_space<vmem>>, vector<16xf32>,
        tpu.vector_store %arg12[%swap3A_662, %swap3A_663], %mul3A_661 {strides = array<i32>} : memref<160x128xf32, #tpu.memory_space<vmem>>, vector<16xf32>,
        %get3A_665 = arith.index_cast %add3A_647 : i32 to index
        %get3A_666 = arith.constant 32 : index
        %get3A_667 = tpu.vector_load %arg12[%get3A_665, %get3A_666] {strides = array<i32>} : memref<160x128xf32, #tpu.memory_space<vmem>>, vector<16xf32>,
        %mul3A_668 = arith.mulf %get3A_667, %broadcast_in_dim3A_642 : vector<16xf32>
        %swap3A_669 = arith.index_cast %add3A_647 : i32 to index
        %swap3A_670 = arith.constant 32 : index
        %swap3A_671 = tpu.vector_load %arg12[%swap3A_669, %swap3A_670] {strides = array<i32>} : memref<160x128xf32, #tpu.memory_space<vmem>>, vector<16xf32>,
        tpu.vector_store %arg12[%swap3A_669, %swap3A_670], %mul3A_668 {strides = array<i32>} : memref<160x128xf32, #tpu.memory_space<vmem>>, vector<16xf32>,
        %get3A_672 = arith.index_cast %add3A_647 : i32 to index
        %get3A_673 = arith.constant 48 : index
        %get3A_674 = tpu.vector_load %arg12[%get3A_672, %get3A_673] {strides = array<i32>} : memref<160x128xf32, #tpu.memory_space<vmem>>, vector<16xf32>,
        %mul3A_675 = arith.mulf %get3A_674, %broadcast_in_dim3A_642 : vector<16xf32>
        %swap3A_676 = arith.index_cast %add3A_647 : i32 to index
        %swap3A_677 = arith.constant 48 : index
        %swap3A_678 = tpu.vector_load %arg12[%swap3A_676, %swap3A_677] {strides = array<i32>} : memref<160x128xf32, #tpu.memory_space<vmem>>, vector<16xf32>,
        tpu.vector_store %arg12[%swap3A_676, %swap3A_677], %mul3A_675 {strides = array<i32>} : memref<160x128xf32, #tpu.memory_space<vmem>>, vector<16xf32>,
        %get3A_679 = arith.index_cast %add3A_647 : i32 to index
        %get3A_680 = arith.constant 64 : index
        %get3A_681 = tpu.vector_load %arg12[%get3A_679, %get3A_680] {strides = array<i32>} : memref<160x128xf32, #tpu.memory_space<vmem>>, vector<16xf32>,
        %mul3A_682 = arith.mulf %get3A_681, %broadcast_in_dim3A_642 : vector<16xf32>
        %swap3A_683 = arith.index_cast %add3A_647 : i32 to index
        %swap3A_684 = arith.constant 64 : index
        %swap3A_685 = tpu.vector_load %arg12[%swap3A_683, %swap3A_684] {strides = array<i32>} : memref<160x128xf32, #tpu.memory_space<vmem>>, vector<16xf32>,
        tpu.vector_store %arg12[%swap3A_683, %swap3A_684], %mul3A_682 {strides = array<i32>} : memref<160x128xf32, #tpu.memory_space<vmem>>, vector<16xf32>,
        %get3A_686 = arith.index_cast %add3A_647 : i32 to index
        %get3A_687 = arith.constant 80 : index
        %get3A_688 = tpu.vector_load %arg12[%get3A_686, %get3A_687] {strides = array<i32>} : memref<160x128xf32, #tpu.memory_space<vmem>>, vector<16xf32>,
        %mul3A_689 = arith.mulf %get3A_688, %broadcast_in_dim3A_642 : vector<16xf32>
        %swap3A_690 = arith.index_cast %add3A_647 : i32 to index
        %swap3A_691 = arith.constant 80 : index
        %swap3A_692 = tpu.vector_load %arg12[%swap3A_690, %swap3A_691] {strides = array<i32>} : memref<160x128xf32, #tpu.memory_space<vmem>>, vector<16xf32>,
        tpu.vector_store %arg12[%swap3A_690, %swap3A_691], %mul3A_689 {strides = array<i32>} : memref<160x128xf32, #tpu.memory_space<vmem>>, vector<16xf32>,
        %get3A_693 = arith.index_cast %add3A_647 : i32 to index
        %get3A_694 = arith.constant 96 : index
        %get3A_695 = tpu.vector_load %arg12[%get3A_693, %get3A_694] {strides = array<i32>} : memref<160x128xf32, #tpu.memory_space<vmem>>, vector<16xf32>,
        %mul3A_696 = arith.mulf %get3A_695, %broadcast_in_dim3A_642 : vector<16xf32>
        %swap3A_697 = arith.index_cast %add3A_647 : i32 to index
        %swap3A_698 = arith.constant 96 : index
        %swap3A_699 = tpu.vector_load %arg12[%swap3A_697, %swap3A_698] {strides = array<i32>} : memref<160x128xf32, #tpu.memory_space<vmem>>, vector<16xf32>,
        tpu.vector_store %arg12[%swap3A_697, %swap3A_698], %mul3A_696 {strides = array<i32>} : memref<160x128xf32, #tpu.memory_space<vmem>>, vector<16xf32>,
        %get3A_700 = arith.index_cast %add3A_647 : i32 to index
        %get3A_701 = arith.constant 112 : index
        %get3A_702 = tpu.vector_load %arg12[%get3A_700, %get3A_701] {strides = array<i32>} : memref<160x128xf32, #tpu.memory_space<vmem>>, vector<16xf32>,
        %mul3A_703 = arith.mulf %get3A_702, %broadcast_in_dim3A_642 : vector<16xf32>
        %swap3A_704 = arith.index_cast %add3A_647 : i32 to index
        %swap3A_705 = arith.constant 112 : index
        %swap3A_706 = tpu.vector_load %arg12[%swap3A_704, %swap3A_705] {strides = array<i32>} : memref<160x128xf32, #tpu.memory_space<vmem>>, vector<16xf32>,
        tpu.vector_store %arg12[%swap3A_704, %swap3A_705], %mul3A_703 {strides = array<i32>} : memref<160x128xf32, #tpu.memory_space<vmem>>, vector<16xf32>,
        %slice3A_707 = vector.extract_strided_slice %exp3A {offsets = [7], sizes = [1], strides = [1]} : vector<16xf32> to vector<1xf32>
        %squeeze3A_708 = vector.extract %slice3A_707[0] : f32 from vector<1xf32>
        %broadcast_in_dim3A_709 = vector.broadcast %squeeze3A_708 : f32 to vector<16xf32>
        %mul3A_710 = arith.constant 16 : i32
        %mul3A_711 = arith.muli %add3A_209, %mul3A_710 : i32
        %add3A_712 = arith.addi %mul3A_138, %mul3A_711 : i32
        %add3A_713 = arith.constant 7 : i32
        %add3A_714 = arith.addi %add3A_712, %add3A_713 : i32
        %swap3A_715 = arith.index_cast %add3A_714 : i32 to index
        %swap3A_716 = arith.constant 0 : index
        %swap3A_717 = tpu.vector_load %arg13[%swap3A_715, %swap3A_716] {strides = array<i32>} : memref<160x16xf32, #tpu.memory_space<vmem>>, vector<16xf32>,
        tpu.vector_store %arg13[%swap3A_715, %swap3A_716], %broadcast_in_dim3A_709 {strides = array<i32>} : memref<160x16xf32, #tpu.memory_space<vmem>>, vector<16xf32>,
        %get3A_718 = arith.index_cast %add3A_714 : i32 to index
        %get3A_719 = arith.constant 0 : index
        %get3A_720 = tpu.vector_load %arg12[%get3A_718, %get3A_719] {strides = array<i32>} : memref<160x128xf32, #tpu.memory_space<vmem>>, vector<16xf32>,
        %mul3A_721 = arith.mulf %get3A_720, %broadcast_in_dim3A_709 : vector<16xf32>
        %swap3A_722 = arith.index_cast %add3A_714 : i32 to index
        %swap3A_723 = arith.constant 0 : index
        %swap3A_724 = tpu.vector_load %arg12[%swap3A_722, %swap3A_723] {strides = array<i32>} : memref<160x128xf32, #tpu.memory_space<vmem>>, vector<16xf32>,
        tpu.vector_store %arg12[%swap3A_722, %swap3A_723], %mul3A_721 {strides = array<i32>} : memref<160x128xf32, #tpu.memory_space<vmem>>, vector<16xf32>,
        %get3A_725 = arith.index_cast %add3A_714 : i32 to index
        %get3A_726 = arith.constant 16 : index
        %get3A_727 = tpu.vector_load %arg12[%get3A_725, %get3A_726] {strides = array<i32>} : memref<160x128xf32, #tpu.memory_space<vmem>>, vector<16xf32>,
        %mul3A_728 = arith.mulf %get3A_727, %broadcast_in_dim3A_709 : vector<16xf32>
        %swap3A_729 = arith.index_cast %add3A_714 : i32 to index
        %swap3A_730 = arith.constant 16 : index
        %swap3A_731 = tpu.vector_load %arg12[%swap3A_729, %swap3A_730] {strides = array<i32>} : memref<160x128xf32, #tpu.memory_space<vmem>>, vector<16xf32>,
        tpu.vector_store %arg12[%swap3A_729, %swap3A_730], %mul3A_728 {strides = array<i32>} : memref<160x128xf32, #tpu.memory_space<vmem>>, vector<16xf32>,
        %get3A_732 = arith.index_cast %add3A_714 : i32 to index
        %get3A_733 = arith.constant 32 : index
        %get3A_734 = tpu.vector_load %arg12[%get3A_732, %get3A_733] {strides = array<i32>} : memref<160x128xf32, #tpu.memory_space<vmem>>, vector<16xf32>,
        %mul3A_735 = arith.mulf %get3A_734, %broadcast_in_dim3A_709 : vector<16xf32>
        %swap3A_736 = arith.index_cast %add3A_714 : i32 to index
        %swap3A_737 = arith.constant 32 : index
        %swap3A_738 = tpu.vector_load %arg12[%swap3A_736, %swap3A_737] {strides = array<i32>} : memref<160x128xf32, #tpu.memory_space<vmem>>, vector<16xf32>,
        tpu.vector_store %arg12[%swap3A_736, %swap3A_737], %mul3A_735 {strides = array<i32>} : memref<160x128xf32, #tpu.memory_space<vmem>>, vector<16xf32>,
        %get3A_739 = arith.index_cast %add3A_714 : i32 to index
        %get3A_740 = arith.constant 48 : index
        %get3A_741 = tpu.vector_load %arg12[%get3A_739, %get3A_740] {strides = array<i32>} : memref<160x128xf32, #tpu.memory_space<vmem>>, vector<16xf32>,
        %mul3A_742 = arith.mulf %get3A_741, %broadcast_in_dim3A_709 : vector<16xf32>
        %swap3A_743 = arith.index_cast %add3A_714 : i32 to index
        %swap3A_744 = arith.constant 48 : index
        %swap3A_745 = tpu.vector_load %arg12[%swap3A_743, %swap3A_744] {strides = array<i32>} : memref<160x128xf32, #tpu.memory_space<vmem>>, vector<16xf32>,
        tpu.vector_store %arg12[%swap3A_743, %swap3A_744], %mul3A_742 {strides = array<i32>} : memref<160x128xf32, #tpu.memory_space<vmem>>, vector<16xf32>,
        %get3A_746 = arith.index_cast %add3A_714 : i32 to index
        %get3A_747 = arith.constant 64 : index
        %get3A_748 = tpu.vector_load %arg12[%get3A_746, %get3A_747] {strides = array<i32>} : memref<160x128xf32, #tpu.memory_space<vmem>>, vector<16xf32>,
        %mul3A_749 = arith.mulf %get3A_748, %broadcast_in_dim3A_709 : vector<16xf32>
        %swap3A_750 = arith.index_cast %add3A_714 : i32 to index
        %swap3A_751 = arith.constant 64 : index
        %swap3A_752 = tpu.vector_load %arg12[%swap3A_750, %swap3A_751] {strides = array<i32>} : memref<160x128xf32, #tpu.memory_space<vmem>>, vector<16xf32>,
        tpu.vector_store %arg12[%swap3A_750, %swap3A_751], %mul3A_749 {strides = array<i32>} : memref<160x128xf32, #tpu.memory_space<vmem>>, vector<16xf32>,
        %get3A_753 = arith.index_cast %add3A_714 : i32 to index
        %get3A_754 = arith.constant 80 : index
        %get3A_755 = tpu.vector_load %arg12[%get3A_753, %get3A_754] {strides = array<i32>} : memref<160x128xf32, #tpu.memory_space<vmem>>, vector<16xf32>,
        %mul3A_756 = arith.mulf %get3A_755, %broadcast_in_dim3A_709 : vector<16xf32>
        %swap3A_757 = arith.index_cast %add3A_714 : i32 to index
        %swap3A_758 = arith.constant 80 : index
        %swap3A_759 = tpu.vector_load %arg12[%swap3A_757, %swap3A_758] {strides = array<i32>} : memref<160x128xf32, #tpu.memory_space<vmem>>, vector<16xf32>,
        tpu.vector_store %arg12[%swap3A_757, %swap3A_758], %mul3A_756 {strides = array<i32>} : memref<160x128xf32, #tpu.memory_space<vmem>>, vector<16xf32>,
        %get3A_760 = arith.index_cast %add3A_714 : i32 to index
        %get3A_761 = arith.constant 96 : index
        %get3A_762 = tpu.vector_load %arg12[%get3A_760, %get3A_761] {strides = array<i32>} : memref<160x128xf32, #tpu.memory_space<vmem>>, vector<16xf32>,
        %mul3A_763 = arith.mulf %get3A_762, %broadcast_in_dim3A_709 : vector<16xf32>
        %swap3A_764 = arith.index_cast %add3A_714 : i32 to index
        %swap3A_765 = arith.constant 96 : index
        %swap3A_766 = tpu.vector_load %arg12[%swap3A_764, %swap3A_765] {strides = array<i32>} : memref<160x128xf32, #tpu.memory_space<vmem>>, vector<16xf32>,
        tpu.vector_store %arg12[%swap3A_764, %swap3A_765], %mul3A_763 {strides = array<i32>} : memref<160x128xf32, #tpu.memory_space<vmem>>, vector<16xf32>,
        %get3A_767 = arith.index_cast %add3A_714 : i32 to index
        %get3A_768 = arith.constant 112 : index
        %get3A_769 = tpu.vector_load %arg12[%get3A_767, %get3A_768] {strides = array<i32>} : memref<160x128xf32, #tpu.memory_space<vmem>>, vector<16xf32>,
        %mul3A_770 = arith.mulf %get3A_769, %broadcast_in_dim3A_709 : vector<16xf32>
        %swap3A_771 = arith.index_cast %add3A_714 : i32 to index
        %swap3A_772 = arith.constant 112 : index
        %swap3A_773 = tpu.vector_load %arg12[%swap3A_771, %swap3A_772] {strides = array<i32>} : memref<160x128xf32, #tpu.memory_space<vmem>>, vector<16xf32>,
        tpu.vector_store %arg12[%swap3A_771, %swap3A_772], %mul3A_770 {strides = array<i32>} : memref<160x128xf32, #tpu.memory_space<vmem>>, vector<16xf32>,
        %slice3A_774 = vector.extract_strided_slice %exp3A {offsets = [8], sizes = [1], strides = [1]} : vector<16xf32> to vector<1xf32>
        %squeeze3A_775 = vector.extract %slice3A_774[0] : f32 from vector<1xf32>
        %broadcast_in_dim3A_776 = vector.broadcast %squeeze3A_775 : f32 to vector<16xf32>
        %mul3A_777 = arith.constant 16 : i32
        %mul3A_778 = arith.muli %add3A_209, %mul3A_777 : i32
        %add3A_779 = arith.addi %mul3A_138, %mul3A_778 : i32
        %add3A_780 = arith.constant 8 : i32
        %add3A_781 = arith.addi %add3A_779, %add3A_780 : i32
        %swap3A_782 = arith.index_cast %add3A_781 : i32 to index
        %swap3A_783 = arith.constant 0 : index
        %swap3A_784 = tpu.vector_load %arg13[%swap3A_782, %swap3A_783] {strides = array<i32>} : memref<160x16xf32, #tpu.memory_space<vmem>>, vector<16xf32>,
        tpu.vector_store %arg13[%swap3A_782, %swap3A_783], %broadcast_in_dim3A_776 {strides = array<i32>} : memref<160x16xf32, #tpu.memory_space<vmem>>, vector<16xf32>,
        %get3A_785 = arith.index_cast %add3A_781 : i32 to index
        %get3A_786 = arith.constant 0 : index
        %get3A_787 = tpu.vector_load %arg12[%get3A_785, %get3A_786] {strides = array<i32>} : memref<160x128xf32, #tpu.memory_space<vmem>>, vector<16xf32>,
        %mul3A_788 = arith.mulf %get3A_787, %broadcast_in_dim3A_776 : vector<16xf32>
        %swap3A_789 = arith.index_cast %add3A_781 : i32 to index
        %swap3A_790 = arith.constant 0 : index
        %swap3A_791 = tpu.vector_load %arg12[%swap3A_789, %swap3A_790] {strides = array<i32>} : memref<160x128xf32, #tpu.memory_space<vmem>>, vector<16xf32>,
        tpu.vector_store %arg12[%swap3A_789, %swap3A_790], %mul3A_788 {strides = array<i32>} : memref<160x128xf32, #tpu.memory_space<vmem>>, vector<16xf32>,
        %get3A_792 = arith.index_cast %add3A_781 : i32 to index
        %get3A_793 = arith.constant 16 : index
        %get3A_794 = tpu.vector_load %arg12[%get3A_792, %get3A_793] {strides = array<i32>} : memref<160x128xf32, #tpu.memory_space<vmem>>, vector<16xf32>,
        %mul3A_795 = arith.mulf %get3A_794, %broadcast_in_dim3A_776 : vector<16xf32>
        %swap3A_796 = arith.index_cast %add3A_781 : i32 to index
        %swap3A_797 = arith.constant 16 : index
        %swap3A_798 = tpu.vector_load %arg12[%swap3A_796, %swap3A_797] {strides = array<i32>} : memref<160x128xf32, #tpu.memory_space<vmem>>, vector<16xf32>,
        tpu.vector_store %arg12[%swap3A_796, %swap3A_797], %mul3A_795 {strides = array<i32>} : memref<160x128xf32, #tpu.memory_space<vmem>>, vector<16xf32>,
        %get3A_799 = arith.index_cast %add3A_781 : i32 to index
        %get3A_800 = arith.constant 32 : index
        %get3A_801 = tpu.vector_load %arg12[%get3A_799, %get3A_800] {strides = array<i32>} : memref<160x128xf32, #tpu.memory_space<vmem>>, vector<16xf32>,
        %mul3A_802 = arith.mulf %get3A_801, %broadcast_in_dim3A_776 : vector<16xf32>
        %swap3A_803 = arith.index_cast %add3A_781 : i32 to index
        %swap3A_804 = arith.constant 32 : index
        %swap3A_805 = tpu.vector_load %arg12[%swap3A_803, %swap3A_804] {strides = array<i32>} : memref<160x128xf32, #tpu.memory_space<vmem>>, vector<16xf32>,
        tpu.vector_store %arg12[%swap3A_803, %swap3A_804], %mul3A_802 {strides = array<i32>} : memref<160x128xf32, #tpu.memory_space<vmem>>, vector<16xf32>,
        %get3A_806 = arith.index_cast %add3A_781 : i32 to index
        %get3A_807 = arith.constant 48 : index
        %get3A_808 = tpu.vector_load %arg12[%get3A_806, %get3A_807] {strides = array<i32>} : memref<160x128xf32, #tpu.memory_space<vmem>>, vector<16xf32>,
        %mul3A_809 = arith.mulf %get3A_808, %broadcast_in_dim3A_776 : vector<16xf32>
        %swap3A_810 = arith.index_cast %add3A_781 : i32 to index
        %swap3A_811 = arith.constant 48 : index
        %swap3A_812 = tpu.vector_load %arg12[%swap3A_810, %swap3A_811] {strides = array<i32>} : memref<160x128xf32, #tpu.memory_space<vmem>>, vector<16xf32>,
        tpu.vector_store %arg12[%swap3A_810, %swap3A_811], %mul3A_809 {strides = array<i32>} : memref<160x128xf32, #tpu.memory_space<vmem>>, vector<16xf32>,
        %get3A_813 = arith.index_cast %add3A_781 : i32 to index
        %get3A_814 = arith.constant 64 : index
        %get3A_815 = tpu.vector_load %arg12[%get3A_813, %get3A_814] {strides = array<i32>} : memref<160x128xf32, #tpu.memory_space<vmem>>, vector<16xf32>,
        %mul3A_816 = arith.mulf %get3A_815, %broadcast_in_dim3A_776 : vector<16xf32>
        %swap3A_817 = arith.index_cast %add3A_781 : i32 to index
        %swap3A_818 = arith.constant 64 : index
        %swap3A_819 = tpu.vector_load %arg12[%swap3A_817, %swap3A_818] {strides = array<i32>} : memref<160x128xf32, #tpu.memory_space<vmem>>, vector<16xf32>,
        tpu.vector_store %arg12[%swap3A_817, %swap3A_818], %mul3A_816 {strides = array<i32>} : memref<160x128xf32, #tpu.memory_space<vmem>>, vector<16xf32>,
        %get3A_820 = arith.index_cast %add3A_781 : i32 to index
        %get3A_821 = arith.constant 80 : index
        %get3A_822 = tpu.vector_load %arg12[%get3A_820, %get3A_821] {strides = array<i32>} : memref<160x128xf32, #tpu.memory_space<vmem>>, vector<16xf32>,
        %mul3A_823 = arith.mulf %get3A_822, %broadcast_in_dim3A_776 : vector<16xf32>
        %swap3A_824 = arith.index_cast %add3A_781 : i32 to index
        %swap3A_825 = arith.constant 80 : index
        %swap3A_826 = tpu.vector_load %arg12[%swap3A_824, %swap3A_825] {strides = array<i32>} : memref<160x128xf32, #tpu.memory_space<vmem>>, vector<16xf32>,
        tpu.vector_store %arg12[%swap3A_824, %swap3A_825], %mul3A_823 {strides = array<i32>} : memref<160x128xf32, #tpu.memory_space<vmem>>, vector<16xf32>,
        %get3A_827 = arith.index_cast %add3A_781 : i32 to index
        %get3A_828 = arith.constant 96 : index
        %get3A_829 = tpu.vector_load %arg12[%get3A_827, %get3A_828] {strides = array<i32>} : memref<160x128xf32, #tpu.memory_space<vmem>>, vector<16xf32>,
        %mul3A_830 = arith.mulf %get3A_829, %broadcast_in_dim3A_776 : vector<16xf32>
        %swap3A_831 = arith.index_cast %add3A_781 : i32 to index
        %swap3A_832 = arith.constant 96 : index
        %swap3A_833 = tpu.vector_load %arg12[%swap3A_831, %swap3A_832] {strides = array<i32>} : memref<160x128xf32, #tpu.memory_space<vmem>>, vector<16xf32>,
        tpu.vector_store %arg12[%swap3A_831, %swap3A_832], %mul3A_830 {strides = array<i32>} : memref<160x128xf32, #tpu.memory_space<vmem>>, vector<16xf32>,
        %get3A_834 = arith.index_cast %add3A_781 : i32 to index
        %get3A_835 = arith.constant 112 : index
        %get3A_836 = tpu.vector_load %arg12[%get3A_834, %get3A_835] {strides = array<i32>} : memref<160x128xf32, #tpu.memory_space<vmem>>, vector<16xf32>,
        %mul3A_837 = arith.mulf %get3A_836, %broadcast_in_dim3A_776 : vector<16xf32>
        %swap3A_838 = arith.index_cast %add3A_781 : i32 to index
        %swap3A_839 = arith.constant 112 : index
        %swap3A_840 = tpu.vector_load %arg12[%swap3A_838, %swap3A_839] {strides = array<i32>} : memref<160x128xf32, #tpu.memory_space<vmem>>, vector<16xf32>,
        tpu.vector_store %arg12[%swap3A_838, %swap3A_839], %mul3A_837 {strides = array<i32>} : memref<160x128xf32, #tpu.memory_space<vmem>>, vector<16xf32>,
        %slice3A_841 = vector.extract_strided_slice %exp3A {offsets = [9], sizes = [1], strides = [1]} : vector<16xf32> to vector<1xf32>
        %squeeze3A_842 = vector.extract %slice3A_841[0] : f32 from vector<1xf32>
        %broadcast_in_dim3A_843 = vector.broadcast %squeeze3A_842 : f32 to vector<16xf32>
        %mul3A_844 = arith.constant 16 : i32
        %mul3A_845 = arith.muli %add3A_209, %mul3A_844 : i32
        %add3A_846 = arith.addi %mul3A_138, %mul3A_845 : i32
        %add3A_847 = arith.constant 9 : i32
        %add3A_848 = arith.addi %add3A_846, %add3A_847 : i32
        %swap3A_849 = arith.index_cast %add3A_848 : i32 to index
        %swap3A_850 = arith.constant 0 : index
        %swap3A_851 = tpu.vector_load %arg13[%swap3A_849, %swap3A_850] {strides = array<i32>} : memref<160x16xf32, #tpu.memory_space<vmem>>, vector<16xf32>,
        tpu.vector_store %arg13[%swap3A_849, %swap3A_850], %broadcast_in_dim3A_843 {strides = array<i32>} : memref<160x16xf32, #tpu.memory_space<vmem>>, vector<16xf32>,
        %get3A_852 = arith.index_cast %add3A_848 : i32 to index
        %get3A_853 = arith.constant 0 : index
        %get3A_854 = tpu.vector_load %arg12[%get3A_852, %get3A_853] {strides = array<i32>} : memref<160x128xf32, #tpu.memory_space<vmem>>, vector<16xf32>,
        %mul3A_855 = arith.mulf %get3A_854, %broadcast_in_dim3A_843 : vector<16xf32>
        %swap3A_856 = arith.index_cast %add3A_848 : i32 to index
        %swap3A_857 = arith.constant 0 : index
        %swap3A_858 = tpu.vector_load %arg12[%swap3A_856, %swap3A_857] {strides = array<i32>} : memref<160x128xf32, #tpu.memory_space<vmem>>, vector<16xf32>,
        tpu.vector_store %arg12[%swap3A_856, %swap3A_857], %mul3A_855 {strides = array<i32>} : memref<160x128xf32, #tpu.memory_space<vmem>>, vector<16xf32>,
        %get3A_859 = arith.index_cast %add3A_848 : i32 to index
        %get3A_860 = arith.constant 16 : index
        %get3A_861 = tpu.vector_load %arg12[%get3A_859, %get3A_860] {strides = array<i32>} : memref<160x128xf32, #tpu.memory_space<vmem>>, vector<16xf32>,
        %mul3A_862 = arith.mulf %get3A_861, %broadcast_in_dim3A_843 : vector<16xf32>
        %swap3A_863 = arith.index_cast %add3A_848 : i32 to index
        %swap3A_864 = arith.constant 16 : index
        %swap3A_865 = tpu.vector_load %arg12[%swap3A_863, %swap3A_864] {strides = array<i32>} : memref<160x128xf32, #tpu.memory_space<vmem>>, vector<16xf32>,
        tpu.vector_store %arg12[%swap3A_863, %swap3A_864], %mul3A_862 {strides = array<i32>} : memref<160x128xf32, #tpu.memory_space<vmem>>, vector<16xf32>,
        %get3A_866 = arith.index_cast %add3A_848 : i32 to index
        %get3A_867 = arith.constant 32 : index
        %get3A_868 = tpu.vector_load %arg12[%get3A_866, %get3A_867] {strides = array<i32>} : memref<160x128xf32, #tpu.memory_space<vmem>>, vector<16xf32>,
        %mul3A_869 = arith.mulf %get3A_868, %broadcast_in_dim3A_843 : vector<16xf32>
        %swap3A_870 = arith.index_cast %add3A_848 : i32 to index
        %swap3A_871 = arith.constant 32 : index
        %swap3A_872 = tpu.vector_load %arg12[%swap3A_870, %swap3A_871] {strides = array<i32>} : memref<160x128xf32, #tpu.memory_space<vmem>>, vector<16xf32>,
        tpu.vector_store %arg12[%swap3A_870, %swap3A_871], %mul3A_869 {strides = array<i32>} : memref<160x128xf32, #tpu.memory_space<vmem>>, vector<16xf32>,
        %get3A_873 = arith.index_cast %add3A_848 : i32 to index
        %get3A_874 = arith.constant 48 : index
        %get3A_875 = tpu.vector_load %arg12[%get3A_873, %get3A_874] {strides = array<i32>} : memref<160x128xf32, #tpu.memory_space<vmem>>, vector<16xf32>,
        %mul3A_876 = arith.mulf %get3A_875, %broadcast_in_dim3A_843 : vector<16xf32>
        %swap3A_877 = arith.index_cast %add3A_848 : i32 to index
        %swap3A_878 = arith.constant 48 : index
        %swap3A_879 = tpu.vector_load %arg12[%swap3A_877, %swap3A_878] {strides = array<i32>} : memref<160x128xf32, #tpu.memory_space<vmem>>, vector<16xf32>,
        tpu.vector_store %arg12[%swap3A_877, %swap3A_878], %mul3A_876 {strides = array<i32>} : memref<160x128xf32, #tpu.memory_space<vmem>>, vector<16xf32>,
        %get3A_880 = arith.index_cast %add3A_848 : i32 to index
        %get3A_881 = arith.constant 64 : index
        %get3A_882 = tpu.vector_load %arg12[%get3A_880, %get3A_881] {strides = array<i32>} : memref<160x128xf32, #tpu.memory_space<vmem>>, vector<16xf32>,
        %mul3A_883 = arith.mulf %get3A_882, %broadcast_in_dim3A_843 : vector<16xf32>
        %swap3A_884 = arith.index_cast %add3A_848 : i32 to index
        %swap3A_885 = arith.constant 64 : index
        %swap3A_886 = tpu.vector_load %arg12[%swap3A_884, %swap3A_885] {strides = array<i32>} : memref<160x128xf32, #tpu.memory_space<vmem>>, vector<16xf32>,
        tpu.vector_store %arg12[%swap3A_884, %swap3A_885], %mul3A_883 {strides = array<i32>} : memref<160x128xf32, #tpu.memory_space<vmem>>, vector<16xf32>,
        %get3A_887 = arith.index_cast %add3A_848 : i32 to index
        %get3A_888 = arith.constant 80 : index
        %get3A_889 = tpu.vector_load %arg12[%get3A_887, %get3A_888] {strides = array<i32>} : memref<160x128xf32, #tpu.memory_space<vmem>>, vector<16xf32>,
        %mul3A_890 = arith.mulf %get3A_889, %broadcast_in_dim3A_843 : vector<16xf32>
        %swap3A_891 = arith.index_cast %add3A_848 : i32 to index
        %swap3A_892 = arith.constant 80 : index
        %swap3A_893 = tpu.vector_load %arg12[%swap3A_891, %swap3A_892] {strides = array<i32>} : memref<160x128xf32, #tpu.memory_space<vmem>>, vector<16xf32>,
        tpu.vector_store %arg12[%swap3A_891, %swap3A_892], %mul3A_890 {strides = array<i32>} : memref<160x128xf32, #tpu.memory_space<vmem>>, vector<16xf32>,
        %get3A_894 = arith.index_cast %add3A_848 : i32 to index
        %get3A_895 = arith.constant 96 : index
        %get3A_896 = tpu.vector_load %arg12[%get3A_894, %get3A_895] {strides = array<i32>} : memref<160x128xf32, #tpu.memory_space<vmem>>, vector<16xf32>,
        %mul3A_897 = arith.mulf %get3A_896, %broadcast_in_dim3A_843 : vector<16xf32>
        %swap3A_898 = arith.index_cast %add3A_848 : i32 to index
        %swap3A_899 = arith.constant 96 : index
        %swap3A_900 = tpu.vector_load %arg12[%swap3A_898, %swap3A_899] {strides = array<i32>} : memref<160x128xf32, #tpu.memory_space<vmem>>, vector<16xf32>,
        tpu.vector_store %arg12[%swap3A_898, %swap3A_899], %mul3A_897 {strides = array<i32>} : memref<160x128xf32, #tpu.memory_space<vmem>>, vector<16xf32>,
        %get3A_901 = arith.index_cast %add3A_848 : i32 to index
        %get3A_902 = arith.constant 112 : index
        %get3A_903 = tpu.vector_load %arg12[%get3A_901, %get3A_902] {strides = array<i32>} : memref<160x128xf32, #tpu.memory_space<vmem>>, vector<16xf32>,
        %mul3A_904 = arith.mulf %get3A_903, %broadcast_in_dim3A_843 : vector<16xf32>
        %swap3A_905 = arith.index_cast %add3A_848 : i32 to index
        %swap3A_906 = arith.constant 112 : index
        %swap3A_907 = tpu.vector_load %arg12[%swap3A_905, %swap3A_906] {strides = array<i32>} : memref<160x128xf32, #tpu.memory_space<vmem>>, vector<16xf32>,
        tpu.vector_store %arg12[%swap3A_905, %swap3A_906], %mul3A_904 {strides = array<i32>} : memref<160x128xf32, #tpu.memory_space<vmem>>, vector<16xf32>,
        %slice3A_908 = vector.extract_strided_slice %exp3A {offsets = [10], sizes = [1], strides = [1]} : vector<16xf32> to vector<1xf32>
        %squeeze3A_909 = vector.extract %slice3A_908[0] : f32 from vector<1xf32>
        %broadcast_in_dim3A_910 = vector.broadcast %squeeze3A_909 : f32 to vector<16xf32>
        %mul3A_911 = arith.constant 16 : i32
        %mul3A_912 = arith.muli %add3A_209, %mul3A_911 : i32
        %add3A_913 = arith.addi %mul3A_138, %mul3A_912 : i32
        %add3A_914 = arith.constant 10 : i32
        %add3A_915 = arith.addi %add3A_913, %add3A_914 : i32
        %swap3A_916 = arith.index_cast %add3A_915 : i32 to index
        %swap3A_917 = arith.constant 0 : index
        %swap3A_918 = tpu.vector_load %arg13[%swap3A_916, %swap3A_917] {strides = array<i32>} : memref<160x16xf32, #tpu.memory_space<vmem>>, vector<16xf32>,
        tpu.vector_store %arg13[%swap3A_916, %swap3A_917], %broadcast_in_dim3A_910 {strides = array<i32>} : memref<160x16xf32, #tpu.memory_space<vmem>>, vector<16xf32>,
        %get3A_919 = arith.index_cast %add3A_915 : i32 to index
        %get3A_920 = arith.constant 0 : index
        %get3A_921 = tpu.vector_load %arg12[%get3A_919, %get3A_920] {strides = array<i32>} : memref<160x128xf32, #tpu.memory_space<vmem>>, vector<16xf32>,
        %mul3A_922 = arith.mulf %get3A_921, %broadcast_in_dim3A_910 : vector<16xf32>
        %swap3A_923 = arith.index_cast %add3A_915 : i32 to index
        %swap3A_924 = arith.constant 0 : index
        %swap3A_925 = tpu.vector_load %arg12[%swap3A_923, %swap3A_924] {strides = array<i32>} : memref<160x128xf32, #tpu.memory_space<vmem>>, vector<16xf32>,
        tpu.vector_store %arg12[%swap3A_923, %swap3A_924], %mul3A_922 {strides = array<i32>} : memref<160x128xf32, #tpu.memory_space<vmem>>, vector<16xf32>,
        %get3A_926 = arith.index_cast %add3A_915 : i32 to index
        %get3A_927 = arith.constant 16 : index
        %get3A_928 = tpu.vector_load %arg12[%get3A_926, %get3A_927] {strides = array<i32>} : memref<160x128xf32, #tpu.memory_space<vmem>>, vector<16xf32>,
        %mul3A_929 = arith.mulf %get3A_928, %broadcast_in_dim3A_910 : vector<16xf32>
        %swap3A_930 = arith.index_cast %add3A_915 : i32 to index
        %swap3A_931 = arith.constant 16 : index
        %swap3A_932 = tpu.vector_load %arg12[%swap3A_930, %swap3A_931] {strides = array<i32>} : memref<160x128xf32, #tpu.memory_space<vmem>>, vector<16xf32>,
        tpu.vector_store %arg12[%swap3A_930, %swap3A_931], %mul3A_929 {strides = array<i32>} : memref<160x128xf32, #tpu.memory_space<vmem>>, vector<16xf32>,
        %get3A_933 = arith.index_cast %add3A_915 : i32 to index
        %get3A_934 = arith.constant 32 : index
        %get3A_935 = tpu.vector_load %arg12[%get3A_933, %get3A_934] {strides = array<i32>} : memref<160x128xf32, #tpu.memory_space<vmem>>, vector<16xf32>,
        %mul3A_936 = arith.mulf %get3A_935, %broadcast_in_dim3A_910 : vector<16xf32>
        %swap3A_937 = arith.index_cast %add3A_915 : i32 to index
        %swap3A_938 = arith.constant 32 : index
        %swap3A_939 = tpu.vector_load %arg12[%swap3A_937, %swap3A_938] {strides = array<i32>} : memref<160x128xf32, #tpu.memory_space<vmem>>, vector<16xf32>,
        tpu.vector_store %arg12[%swap3A_937, %swap3A_938], %mul3A_936 {strides = array<i32>} : memref<160x128xf32, #tpu.memory_space<vmem>>, vector<16xf32>,
        %get3A_940 = arith.index_cast %add3A_915 : i32 to index
        %get3A_941 = arith.constant 48 : index
        %get3A_942 = tpu.vector_load %arg12[%get3A_940, %get3A_941] {strides = array<i32>} : memref<160x128xf32, #tpu.memory_space<vmem>>, vector<16xf32>,
        %mul3A_943 = arith.mulf %get3A_942, %broadcast_in_dim3A_910 : vector<16xf32>
        %swap3A_944 = arith.index_cast %add3A_915 : i32 to index
        %swap3A_945 = arith.constant 48 : index
        %swap3A_946 = tpu.vector_load %arg12[%swap3A_944, %swap3A_945] {strides = array<i32>} : memref<160x128xf32, #tpu.memory_space<vmem>>, vector<16xf32>,
        tpu.vector_store %arg12[%swap3A_944, %swap3A_945], %mul3A_943 {strides = array<i32>} : memref<160x128xf32, #tpu.memory_space<vmem>>, vector<16xf32>,
        %get3A_947 = arith.index_cast %add3A_915 : i32 to index
        %get3A_948 = arith.constant 64 : index
        %get3A_949 = tpu.vector_load %arg12[%get3A_947, %get3A_948] {strides = array<i32>} : memref<160x128xf32, #tpu.memory_space<vmem>>, vector<16xf32>,
        %mul3A_950 = arith.mulf %get3A_949, %broadcast_in_dim3A_910 : vector<16xf32>
        %swap3A_951 = arith.index_cast %add3A_915 : i32 to index
        %swap3A_952 = arith.constant 64 : index
        %swap3A_953 = tpu.vector_load %arg12[%swap3A_951, %swap3A_952] {strides = array<i32>} : memref<160x128xf32, #tpu.memory_space<vmem>>, vector<16xf32>,
        tpu.vector_store %arg12[%swap3A_951, %swap3A_952], %mul3A_950 {strides = array<i32>} : memref<160x128xf32, #tpu.memory_space<vmem>>, vector<16xf32>,
        %get3A_954 = arith.index_cast %add3A_915 : i32 to index
        %get3A_955 = arith.constant 80 : index
        %get3A_956 = tpu.vector_load %arg12[%get3A_954, %get3A_955] {strides = array<i32>} : memref<160x128xf32, #tpu.memory_space<vmem>>, vector<16xf32>,
        %mul3A_957 = arith.mulf %get3A_956, %broadcast_in_dim3A_910 : vector<16xf32>
        %swap3A_958 = arith.index_cast %add3A_915 : i32 to index
        %swap3A_959 = arith.constant 80 : index
        %swap3A_960 = tpu.vector_load %arg12[%swap3A_958, %swap3A_959] {strides = array<i32>} : memref<160x128xf32, #tpu.memory_space<vmem>>, vector<16xf32>,
        tpu.vector_store %arg12[%swap3A_958, %swap3A_959], %mul3A_957 {strides = array<i32>} : memref<160x128xf32, #tpu.memory_space<vmem>>, vector<16xf32>,
        %get3A_961 = arith.index_cast %add3A_915 : i32 to index
        %get3A_962 = arith.constant 96 : index
        %get3A_963 = tpu.vector_load %arg12[%get3A_961, %get3A_962] {strides = array<i32>} : memref<160x128xf32, #tpu.memory_space<vmem>>, vector<16xf32>,
        %mul3A_964 = arith.mulf %get3A_963, %broadcast_in_dim3A_910 : vector<16xf32>
        %swap3A_965 = arith.index_cast %add3A_915 : i32 to index
        %swap3A_966 = arith.constant 96 : index
        %swap3A_967 = tpu.vector_load %arg12[%swap3A_965, %swap3A_966] {strides = array<i32>} : memref<160x128xf32, #tpu.memory_space<vmem>>, vector<16xf32>,
        tpu.vector_store %arg12[%swap3A_965, %swap3A_966], %mul3A_964 {strides = array<i32>} : memref<160x128xf32, #tpu.memory_space<vmem>>, vector<16xf32>,
        %get3A_968 = arith.index_cast %add3A_915 : i32 to index
        %get3A_969 = arith.constant 112 : index
        %get3A_970 = tpu.vector_load %arg12[%get3A_968, %get3A_969] {strides = array<i32>} : memref<160x128xf32, #tpu.memory_space<vmem>>, vector<16xf32>,
        %mul3A_971 = arith.mulf %get3A_970, %broadcast_in_dim3A_910 : vector<16xf32>
        %swap3A_972 = arith.index_cast %add3A_915 : i32 to index
        %swap3A_973 = arith.constant 112 : index
        %swap3A_974 = tpu.vector_load %arg12[%swap3A_972, %swap3A_973] {strides = array<i32>} : memref<160x128xf32, #tpu.memory_space<vmem>>, vector<16xf32>,
        tpu.vector_store %arg12[%swap3A_972, %swap3A_973], %mul3A_971 {strides = array<i32>} : memref<160x128xf32, #tpu.memory_space<vmem>>, vector<16xf32>,
        %slice3A_975 = vector.extract_strided_slice %exp3A {offsets = [11], sizes = [1], strides = [1]} : vector<16xf32> to vector<1xf32>
        %squeeze3A_976 = vector.extract %slice3A_975[0] : f32 from vector<1xf32>
        %broadcast_in_dim3A_977 = vector.broadcast %squeeze3A_976 : f32 to vector<16xf32>
        %mul3A_978 = arith.constant 16 : i32
        %mul3A_979 = arith.muli %add3A_209, %mul3A_978 : i32
        %add3A_980 = arith.addi %mul3A_138, %mul3A_979 : i32
        %add3A_981 = arith.constant 11 : i32
        %add3A_982 = arith.addi %add3A_980, %add3A_981 : i32
        %swap3A_983 = arith.index_cast %add3A_982 : i32 to index
        %swap3A_984 = arith.constant 0 : index
        %swap3A_985 = tpu.vector_load %arg13[%swap3A_983, %swap3A_984] {strides = array<i32>} : memref<160x16xf32, #tpu.memory_space<vmem>>, vector<16xf32>,
        tpu.vector_store %arg13[%swap3A_983, %swap3A_984], %broadcast_in_dim3A_977 {strides = array<i32>} : memref<160x16xf32, #tpu.memory_space<vmem>>, vector<16xf32>,
        %get3A_986 = arith.index_cast %add3A_982 : i32 to index
        %get3A_987 = arith.constant 0 : index
        %get3A_988 = tpu.vector_load %arg12[%get3A_986, %get3A_987] {strides = array<i32>} : memref<160x128xf32, #tpu.memory_space<vmem>>, vector<16xf32>,
        %mul3A_989 = arith.mulf %get3A_988, %broadcast_in_dim3A_977 : vector<16xf32>
        %swap3A_990 = arith.index_cast %add3A_982 : i32 to index
        %swap3A_991 = arith.constant 0 : index
        %swap3A_992 = tpu.vector_load %arg12[%swap3A_990, %swap3A_991] {strides = array<i32>} : memref<160x128xf32, #tpu.memory_space<vmem>>, vector<16xf32>,
        tpu.vector_store %arg12[%swap3A_990, %swap3A_991], %mul3A_989 {strides = array<i32>} : memref<160x128xf32, #tpu.memory_space<vmem>>, vector<16xf32>,
        %get3A_993 = arith.index_cast %add3A_982 : i32 to index
        %get3A_994 = arith.constant 16 : index
        %get3A_995 = tpu.vector_load %arg12[%get3A_993, %get3A_994] {strides = array<i32>} : memref<160x128xf32, #tpu.memory_space<vmem>>, vector<16xf32>,
        %mul3A_996 = arith.mulf %get3A_995, %broadcast_in_dim3A_977 : vector<16xf32>
        %swap3A_997 = arith.index_cast %add3A_982 : i32 to index
        %swap3A_998 = arith.constant 16 : index
        %swap3A_999 = tpu.vector_load %arg12[%swap3A_997, %swap3A_998] {strides = array<i32>} : memref<160x128xf32, #tpu.memory_space<vmem>>, vector<16xf32>,
        tpu.vector_store %arg12[%swap3A_997, %swap3A_998], %mul3A_996 {strides = array<i32>} : memref<160x128xf32, #tpu.memory_space<vmem>>, vector<16xf32>,
        %get3A_1000 = arith.index_cast %add3A_982 : i32 to index
        %get3A_1001 = arith.constant 32 : index
        %get3A_1002 = tpu.vector_load %arg12[%get3A_1000, %get3A_1001] {strides = array<i32>} : memref<160x128xf32, #tpu.memory_space<vmem>>, vector<16xf32>,
        %mul3A_1003 = arith.mulf %get3A_1002, %broadcast_in_dim3A_977 : vector<16xf32>
        %swap3A_1004 = arith.index_cast %add3A_982 : i32 to index
        %swap3A_1005 = arith.constant 32 : index
        %swap3A_1006 = tpu.vector_load %arg12[%swap3A_1004, %swap3A_1005] {strides = array<i32>} : memref<160x128xf32, #tpu.memory_space<vmem>>, vector<16xf32>,
        tpu.vector_store %arg12[%swap3A_1004, %swap3A_1005], %mul3A_1003 {strides = array<i32>} : memref<160x128xf32, #tpu.memory_space<vmem>>, vector<16xf32>,
        %get3A_1007 = arith.index_cast %add3A_982 : i32 to index
        %get3A_1008 = arith.constant 48 : index
        %get3A_1009 = tpu.vector_load %arg12[%get3A_1007, %get3A_1008] {strides = array<i32>} : memref<160x128xf32, #tpu.memory_space<vmem>>, vector<16xf32>,
        %mul3A_1010 = arith.mulf %get3A_1009, %broadcast_in_dim3A_977 : vector<16xf32>
        %swap3A_1011 = arith.index_cast %add3A_982 : i32 to index
        %swap3A_1012 = arith.constant 48 : index
        %swap3A_1013 = tpu.vector_load %arg12[%swap3A_1011, %swap3A_1012] {strides = array<i32>} : memref<160x128xf32, #tpu.memory_space<vmem>>, vector<16xf32>,
        tpu.vector_store %arg12[%swap3A_1011, %swap3A_1012], %mul3A_1010 {strides = array<i32>} : memref<160x128xf32, #tpu.memory_space<vmem>>, vector<16xf32>,
        %get3A_1014 = arith.index_cast %add3A_982 : i32 to index
        %get3A_1015 = arith.constant 64 : index
        %get3A_1016 = tpu.vector_load %arg12[%get3A_1014, %get3A_1015] {strides = array<i32>} : memref<160x128xf32, #tpu.memory_space<vmem>>, vector<16xf32>,
        %mul3A_1017 = arith.mulf %get3A_1016, %broadcast_in_dim3A_977 : vector<16xf32>
        %swap3A_1018 = arith.index_cast %add3A_982 : i32 to index
        %swap3A_1019 = arith.constant 64 : index
        %swap3A_1020 = tpu.vector_load %arg12[%swap3A_1018, %swap3A_1019] {strides = array<i32>} : memref<160x128xf32, #tpu.memory_space<vmem>>, vector<16xf32>,
        tpu.vector_store %arg12[%swap3A_1018, %swap3A_1019], %mul3A_1017 {strides = array<i32>} : memref<160x128xf32, #tpu.memory_space<vmem>>, vector<16xf32>,
        %get3A_1021 = arith.index_cast %add3A_982 : i32 to index
        %get3A_1022 = arith.constant 80 : index
        %get3A_1023 = tpu.vector_load %arg12[%get3A_1021, %get3A_1022] {strides = array<i32>} : memref<160x128xf32, #tpu.memory_space<vmem>>, vector<16xf32>,
        %mul3A_1024 = arith.mulf %get3A_1023, %broadcast_in_dim3A_977 : vector<16xf32>
        %swap3A_1025 = arith.index_cast %add3A_982 : i32 to index
        %swap3A_1026 = arith.constant 80 : index
        %swap3A_1027 = tpu.vector_load %arg12[%swap3A_1025, %swap3A_1026] {strides = array<i32>} : memref<160x128xf32, #tpu.memory_space<vmem>>, vector<16xf32>,
        tpu.vector_store %arg12[%swap3A_1025, %swap3A_1026], %mul3A_1024 {strides = array<i32>} : memref<160x128xf32, #tpu.memory_space<vmem>>, vector<16xf32>,
        %get3A_1028 = arith.index_cast %add3A_982 : i32 to index
        %get3A_1029 = arith.constant 96 : index
        %get3A_1030 = tpu.vector_load %arg12[%get3A_1028, %get3A_1029] {strides = array<i32>} : memref<160x128xf32, #tpu.memory_space<vmem>>, vector<16xf32>,
        %mul3A_1031 = arith.mulf %get3A_1030, %broadcast_in_dim3A_977 : vector<16xf32>
        %swap3A_1032 = arith.index_cast %add3A_982 : i32 to index
        %swap3A_1033 = arith.constant 96 : index
        %swap3A_1034 = tpu.vector_load %arg12[%swap3A_1032, %swap3A_1033] {strides = array<i32>} : memref<160x128xf32, #tpu.memory_space<vmem>>, vector<16xf32>,
        tpu.vector_store %arg12[%swap3A_1032, %swap3A_1033], %mul3A_1031 {strides = array<i32>} : memref<160x128xf32, #tpu.memory_space<vmem>>, vector<16xf32>,
        %get3A_1035 = arith.index_cast %add3A_982 : i32 to index
        %get3A_1036 = arith.constant 112 : index
        %get3A_1037 = tpu.vector_load %arg12[%get3A_1035, %get3A_1036] {strides = array<i32>} : memref<160x128xf32, #tpu.memory_space<vmem>>, vector<16xf32>,
        %mul3A_1038 = arith.mulf %get3A_1037, %broadcast_in_dim3A_977 : vector<16xf32>
        %swap3A_1039 = arith.index_cast %add3A_982 : i32 to index
        %swap3A_1040 = arith.constant 112 : index
        %swap3A_1041 = tpu.vector_load %arg12[%swap3A_1039, %swap3A_1040] {strides = array<i32>} : memref<160x128xf32, #tpu.memory_space<vmem>>, vector<16xf32>,
        tpu.vector_store %arg12[%swap3A_1039, %swap3A_1040], %mul3A_1038 {strides = array<i32>} : memref<160x128xf32, #tpu.memory_space<vmem>>, vector<16xf32>,
        %slice3A_1042 = vector.extract_strided_slice %exp3A {offsets = [12], sizes = [1], strides = [1]} : vector<16xf32> to vector<1xf32>
        %squeeze3A_1043 = vector.extract %slice3A_1042[0] : f32 from vector<1xf32>
        %broadcast_in_dim3A_1044 = vector.broadcast %squeeze3A_1043 : f32 to vector<16xf32>
        %mul3A_1045 = arith.constant 16 : i32
        %mul3A_1046 = arith.muli %add3A_209, %mul3A_1045 : i32
        %add3A_1047 = arith.addi %mul3A_138, %mul3A_1046 : i32
        %add3A_1048 = arith.constant 12 : i32
        %add3A_1049 = arith.addi %add3A_1047, %add3A_1048 : i32
        %swap3A_1050 = arith.index_cast %add3A_1049 : i32 to index
        %swap3A_1051 = arith.constant 0 : index
        %swap3A_1052 = tpu.vector_load %arg13[%swap3A_1050, %swap3A_1051] {strides = array<i32>} : memref<160x16xf32, #tpu.memory_space<vmem>>, vector<16xf32>,
        tpu.vector_store %arg13[%swap3A_1050, %swap3A_1051], %broadcast_in_dim3A_1044 {strides = array<i32>} : memref<160x16xf32, #tpu.memory_space<vmem>>, vector<16xf32>,
        %get3A_1053 = arith.index_cast %add3A_1049 : i32 to index
        %get3A_1054 = arith.constant 0 : index
        %get3A_1055 = tpu.vector_load %arg12[%get3A_1053, %get3A_1054] {strides = array<i32>} : memref<160x128xf32, #tpu.memory_space<vmem>>, vector<16xf32>,
        %mul3A_1056 = arith.mulf %get3A_1055, %broadcast_in_dim3A_1044 : vector<16xf32>
        %swap3A_1057 = arith.index_cast %add3A_1049 : i32 to index
        %swap3A_1058 = arith.constant 0 : index
        %swap3A_1059 = tpu.vector_load %arg12[%swap3A_1057, %swap3A_1058] {strides = array<i32>} : memref<160x128xf32, #tpu.memory_space<vmem>>, vector<16xf32>,
        tpu.vector_store %arg12[%swap3A_1057, %swap3A_1058], %mul3A_1056 {strides = array<i32>} : memref<160x128xf32, #tpu.memory_space<vmem>>, vector<16xf32>,
        %get3A_1060 = arith.index_cast %add3A_1049 : i32 to index
        %get3A_1061 = arith.constant 16 : index
        %get3A_1062 = tpu.vector_load %arg12[%get3A_1060, %get3A_1061] {strides = array<i32>} : memref<160x128xf32, #tpu.memory_space<vmem>>, vector<16xf32>,
        %mul3A_1063 = arith.mulf %get3A_1062, %broadcast_in_dim3A_1044 : vector<16xf32>
        %swap3A_1064 = arith.index_cast %add3A_1049 : i32 to index
        %swap3A_1065 = arith.constant 16 : index
        %swap3A_1066 = tpu.vector_load %arg12[%swap3A_1064, %swap3A_1065] {strides = array<i32>} : memref<160x128xf32, #tpu.memory_space<vmem>>, vector<16xf32>,
        tpu.vector_store %arg12[%swap3A_1064, %swap3A_1065], %mul3A_1063 {strides = array<i32>} : memref<160x128xf32, #tpu.memory_space<vmem>>, vector<16xf32>,
        %get3A_1067 = arith.index_cast %add3A_1049 : i32 to index
        %get3A_1068 = arith.constant 32 : index
        %get3A_1069 = tpu.vector_load %arg12[%get3A_1067, %get3A_1068] {strides = array<i32>} : memref<160x128xf32, #tpu.memory_space<vmem>>, vector<16xf32>,
        %mul3A_1070 = arith.mulf %get3A_1069, %broadcast_in_dim3A_1044 : vector<16xf32>
        %swap3A_1071 = arith.index_cast %add3A_1049 : i32 to index
        %swap3A_1072 = arith.constant 32 : index
        %swap3A_1073 = tpu.vector_load %arg12[%swap3A_1071, %swap3A_1072] {strides = array<i32>} : memref<160x128xf32, #tpu.memory_space<vmem>>, vector<16xf32>,
        tpu.vector_store %arg12[%swap3A_1071, %swap3A_1072], %mul3A_1070 {strides = array<i32>} : memref<160x128xf32, #tpu.memory_space<vmem>>, vector<16xf32>,
        %get3A_1074 = arith.index_cast %add3A_1049 : i32 to index
        %get3A_1075 = arith.constant 48 : index
        %get3A_1076 = tpu.vector_load %arg12[%get3A_1074, %get3A_1075] {strides = array<i32>} : memref<160x128xf32, #tpu.memory_space<vmem>>, vector<16xf32>,
        %mul3A_1077 = arith.mulf %get3A_1076, %broadcast_in_dim3A_1044 : vector<16xf32>
        %swap3A_1078 = arith.index_cast %add3A_1049 : i32 to index
        %swap3A_1079 = arith.constant 48 : index
        %swap3A_1080 = tpu.vector_load %arg12[%swap3A_1078, %swap3A_1079] {strides = array<i32>} : memref<160x128xf32, #tpu.memory_space<vmem>>, vector<16xf32>,
        tpu.vector_store %arg12[%swap3A_1078, %swap3A_1079], %mul3A_1077 {strides = array<i32>} : memref<160x128xf32, #tpu.memory_space<vmem>>, vector<16xf32>,
        %get3A_1081 = arith.index_cast %add3A_1049 : i32 to index
        %get3A_1082 = arith.constant 64 : index
        %get3A_1083 = tpu.vector_load %arg12[%get3A_1081, %get3A_1082] {strides = array<i32>} : memref<160x128xf32, #tpu.memory_space<vmem>>, vector<16xf32>,
        %mul3A_1084 = arith.mulf %get3A_1083, %broadcast_in_dim3A_1044 : vector<16xf32>
        %swap3A_1085 = arith.index_cast %add3A_1049 : i32 to index
        %swap3A_1086 = arith.constant 64 : index
        %swap3A_1087 = tpu.vector_load %arg12[%swap3A_1085, %swap3A_1086] {strides = array<i32>} : memref<160x128xf32, #tpu.memory_space<vmem>>, vector<16xf32>,
        tpu.vector_store %arg12[%swap3A_1085, %swap3A_1086], %mul3A_1084 {strides = array<i32>} : memref<160x128xf32, #tpu.memory_space<vmem>>, vector<16xf32>,
        %get3A_1088 = arith.index_cast %add3A_1049 : i32 to index
        %get3A_1089 = arith.constant 80 : index
        %get3A_1090 = tpu.vector_load %arg12[%get3A_1088, %get3A_1089] {strides = array<i32>} : memref<160x128xf32, #tpu.memory_space<vmem>>, vector<16xf32>,
        %mul3A_1091 = arith.mulf %get3A_1090, %broadcast_in_dim3A_1044 : vector<16xf32>
        %swap3A_1092 = arith.index_cast %add3A_1049 : i32 to index
        %swap3A_1093 = arith.constant 80 : index
        %swap3A_1094 = tpu.vector_load %arg12[%swap3A_1092, %swap3A_1093] {strides = array<i32>} : memref<160x128xf32, #tpu.memory_space<vmem>>, vector<16xf32>,
        tpu.vector_store %arg12[%swap3A_1092, %swap3A_1093], %mul3A_1091 {strides = array<i32>} : memref<160x128xf32, #tpu.memory_space<vmem>>, vector<16xf32>,
        %get3A_1095 = arith.index_cast %add3A_1049 : i32 to index
        %get3A_1096 = arith.constant 96 : index
        %get3A_1097 = tpu.vector_load %arg12[%get3A_1095, %get3A_1096] {strides = array<i32>} : memref<160x128xf32, #tpu.memory_space<vmem>>, vector<16xf32>,
        %mul3A_1098 = arith.mulf %get3A_1097, %broadcast_in_dim3A_1044 : vector<16xf32>
        %swap3A_1099 = arith.index_cast %add3A_1049 : i32 to index
        %swap3A_1100 = arith.constant 96 : index
        %swap3A_1101 = tpu.vector_load %arg12[%swap3A_1099, %swap3A_1100] {strides = array<i32>} : memref<160x128xf32, #tpu.memory_space<vmem>>, vector<16xf32>,
        tpu.vector_store %arg12[%swap3A_1099, %swap3A_1100], %mul3A_1098 {strides = array<i32>} : memref<160x128xf32, #tpu.memory_space<vmem>>, vector<16xf32>,
        %get3A_1102 = arith.index_cast %add3A_1049 : i32 to index
        %get3A_1103 = arith.constant 112 : index
        %get3A_1104 = tpu.vector_load %arg12[%get3A_1102, %get3A_1103] {strides = array<i32>} : memref<160x128xf32, #tpu.memory_space<vmem>>, vector<16xf32>,
        %mul3A_1105 = arith.mulf %get3A_1104, %broadcast_in_dim3A_1044 : vector<16xf32>
        %swap3A_1106 = arith.index_cast %add3A_1049 : i32 to index
        %swap3A_1107 = arith.constant 112 : index
        %swap3A_1108 = tpu.vector_load %arg12[%swap3A_1106, %swap3A_1107] {strides = array<i32>} : memref<160x128xf32, #tpu.memory_space<vmem>>, vector<16xf32>,
        tpu.vector_store %arg12[%swap3A_1106, %swap3A_1107], %mul3A_1105 {strides = array<i32>} : memref<160x128xf32, #tpu.memory_space<vmem>>, vector<16xf32>,
        %slice3A_1109 = vector.extract_strided_slice %exp3A {offsets = [13], sizes = [1], strides = [1]} : vector<16xf32> to vector<1xf32>
        %squeeze3A_1110 = vector.extract %slice3A_1109[0] : f32 from vector<1xf32>
        %broadcast_in_dim3A_1111 = vector.broadcast %squeeze3A_1110 : f32 to vector<16xf32>
        %mul3A_1112 = arith.constant 16 : i32
        %mul3A_1113 = arith.muli %add3A_209, %mul3A_1112 : i32
        %add3A_1114 = arith.addi %mul3A_138, %mul3A_1113 : i32
        %add3A_1115 = arith.constant 13 : i32
        %add3A_1116 = arith.addi %add3A_1114, %add3A_1115 : i32
        %swap3A_1117 = arith.index_cast %add3A_1116 : i32 to index
        %swap3A_1118 = arith.constant 0 : index
        %swap3A_1119 = tpu.vector_load %arg13[%swap3A_1117, %swap3A_1118] {strides = array<i32>} : memref<160x16xf32, #tpu.memory_space<vmem>>, vector<16xf32>,
        tpu.vector_store %arg13[%swap3A_1117, %swap3A_1118], %broadcast_in_dim3A_1111 {strides = array<i32>} : memref<160x16xf32, #tpu.memory_space<vmem>>, vector<16xf32>,
        %get3A_1120 = arith.index_cast %add3A_1116 : i32 to index
        %get3A_1121 = arith.constant 0 : index
        %get3A_1122 = tpu.vector_load %arg12[%get3A_1120, %get3A_1121] {strides = array<i32>} : memref<160x128xf32, #tpu.memory_space<vmem>>, vector<16xf32>,
        %mul3A_1123 = arith.mulf %get3A_1122, %broadcast_in_dim3A_1111 : vector<16xf32>
        %swap3A_1124 = arith.index_cast %add3A_1116 : i32 to index
        %swap3A_1125 = arith.constant 0 : index
        %swap3A_1126 = tpu.vector_load %arg12[%swap3A_1124, %swap3A_1125] {strides = array<i32>} : memref<160x128xf32, #tpu.memory_space<vmem>>, vector<16xf32>,
        tpu.vector_store %arg12[%swap3A_1124, %swap3A_1125], %mul3A_1123 {strides = array<i32>} : memref<160x128xf32, #tpu.memory_space<vmem>>, vector<16xf32>,
        %get3A_1127 = arith.index_cast %add3A_1116 : i32 to index
        %get3A_1128 = arith.constant 16 : index
        %get3A_1129 = tpu.vector_load %arg12[%get3A_1127, %get3A_1128] {strides = array<i32>} : memref<160x128xf32, #tpu.memory_space<vmem>>, vector<16xf32>,
        %mul3A_1130 = arith.mulf %get3A_1129, %broadcast_in_dim3A_1111 : vector<16xf32>
        %swap3A_1131 = arith.index_cast %add3A_1116 : i32 to index
        %swap3A_1132 = arith.constant 16 : index
        %swap3A_1133 = tpu.vector_load %arg12[%swap3A_1131, %swap3A_1132] {strides = array<i32>} : memref<160x128xf32, #tpu.memory_space<vmem>>, vector<16xf32>,
        tpu.vector_store %arg12[%swap3A_1131, %swap3A_1132], %mul3A_1130 {strides = array<i32>} : memref<160x128xf32, #tpu.memory_space<vmem>>, vector<16xf32>,
        %get3A_1134 = arith.index_cast %add3A_1116 : i32 to index
        %get3A_1135 = arith.constant 32 : index
        %get3A_1136 = tpu.vector_load %arg12[%get3A_1134, %get3A_1135] {strides = array<i32>} : memref<160x128xf32, #tpu.memory_space<vmem>>, vector<16xf32>,
        %mul3A_1137 = arith.mulf %get3A_1136, %broadcast_in_dim3A_1111 : vector<16xf32>
        %swap3A_1138 = arith.index_cast %add3A_1116 : i32 to index
        %swap3A_1139 = arith.constant 32 : index
        %swap3A_1140 = tpu.vector_load %arg12[%swap3A_1138, %swap3A_1139] {strides = array<i32>} : memref<160x128xf32, #tpu.memory_space<vmem>>, vector<16xf32>,
        tpu.vector_store %arg12[%swap3A_1138, %swap3A_1139], %mul3A_1137 {strides = array<i32>} : memref<160x128xf32, #tpu.memory_space<vmem>>, vector<16xf32>,
        %get3A_1141 = arith.index_cast %add3A_1116 : i32 to index
        %get3A_1142 = arith.constant 48 : index
        %get3A_1143 = tpu.vector_load %arg12[%get3A_1141, %get3A_1142] {strides = array<i32>} : memref<160x128xf32, #tpu.memory_space<vmem>>, vector<16xf32>,
        %mul3A_1144 = arith.mulf %get3A_1143, %broadcast_in_dim3A_1111 : vector<16xf32>
        %swap3A_1145 = arith.index_cast %add3A_1116 : i32 to index
        %swap3A_1146 = arith.constant 48 : index
        %swap3A_1147 = tpu.vector_load %arg12[%swap3A_1145, %swap3A_1146] {strides = array<i32>} : memref<160x128xf32, #tpu.memory_space<vmem>>, vector<16xf32>,
        tpu.vector_store %arg12[%swap3A_1145, %swap3A_1146], %mul3A_1144 {strides = array<i32>} : memref<160x128xf32, #tpu.memory_space<vmem>>, vector<16xf32>,
        %get3A_1148 = arith.index_cast %add3A_1116 : i32 to index
        %get3A_1149 = arith.constant 64 : index
        %get3A_1150 = tpu.vector_load %arg12[%get3A_1148, %get3A_1149] {strides = array<i32>} : memref<160x128xf32, #tpu.memory_space<vmem>>, vector<16xf32>,
        %mul3A_1151 = arith.mulf %get3A_1150, %broadcast_in_dim3A_1111 : vector<16xf32>
        %swap3A_1152 = arith.index_cast %add3A_1116 : i32 to index
        %swap3A_1153 = arith.constant 64 : index
        %swap3A_1154 = tpu.vector_load %arg12[%swap3A_1152, %swap3A_1153] {strides = array<i32>} : memref<160x128xf32, #tpu.memory_space<vmem>>, vector<16xf32>,
        tpu.vector_store %arg12[%swap3A_1152, %swap3A_1153], %mul3A_1151 {strides = array<i32>} : memref<160x128xf32, #tpu.memory_space<vmem>>, vector<16xf32>,
        %get3A_1155 = arith.index_cast %add3A_1116 : i32 to index
        %get3A_1156 = arith.constant 80 : index
        %get3A_1157 = tpu.vector_load %arg12[%get3A_1155, %get3A_1156] {strides = array<i32>} : memref<160x128xf32, #tpu.memory_space<vmem>>, vector<16xf32>,
        %mul3A_1158 = arith.mulf %get3A_1157, %broadcast_in_dim3A_1111 : vector<16xf32>
        %swap3A_1159 = arith.index_cast %add3A_1116 : i32 to index
        %swap3A_1160 = arith.constant 80 : index
        %swap3A_1161 = tpu.vector_load %arg12[%swap3A_1159, %swap3A_1160] {strides = array<i32>} : memref<160x128xf32, #tpu.memory_space<vmem>>, vector<16xf32>,
        tpu.vector_store %arg12[%swap3A_1159, %swap3A_1160], %mul3A_1158 {strides = array<i32>} : memref<160x128xf32, #tpu.memory_space<vmem>>, vector<16xf32>,
        %get3A_1162 = arith.index_cast %add3A_1116 : i32 to index
        %get3A_1163 = arith.constant 96 : index
        %get3A_1164 = tpu.vector_load %arg12[%get3A_1162, %get3A_1163] {strides = array<i32>} : memref<160x128xf32, #tpu.memory_space<vmem>>, vector<16xf32>,
        %mul3A_1165 = arith.mulf %get3A_1164, %broadcast_in_dim3A_1111 : vector<16xf32>
        %swap3A_1166 = arith.index_cast %add3A_1116 : i32 to index
        %swap3A_1167 = arith.constant 96 : index
        %swap3A_1168 = tpu.vector_load %arg12[%swap3A_1166, %swap3A_1167] {strides = array<i32>} : memref<160x128xf32, #tpu.memory_space<vmem>>, vector<16xf32>,
        tpu.vector_store %arg12[%swap3A_1166, %swap3A_1167], %mul3A_1165 {strides = array<i32>} : memref<160x128xf32, #tpu.memory_space<vmem>>, vector<16xf32>,
        %get3A_1169 = arith.index_cast %add3A_1116 : i32 to index
        %get3A_1170 = arith.constant 112 : index
        %get3A_1171 = tpu.vector_load %arg12[%get3A_1169, %get3A_1170] {strides = array<i32>} : memref<160x128xf32, #tpu.memory_space<vmem>>, vector<16xf32>,
        %mul3A_1172 = arith.mulf %get3A_1171, %broadcast_in_dim3A_1111 : vector<16xf32>
        %swap3A_1173 = arith.index_cast %add3A_1116 : i32 to index
        %swap3A_1174 = arith.constant 112 : index
        %swap3A_1175 = tpu.vector_load %arg12[%swap3A_1173, %swap3A_1174] {strides = array<i32>} : memref<160x128xf32, #tpu.memory_space<vmem>>, vector<16xf32>,
        tpu.vector_store %arg12[%swap3A_1173, %swap3A_1174], %mul3A_1172 {strides = array<i32>} : memref<160x128xf32, #tpu.memory_space<vmem>>, vector<16xf32>,
        %slice3A_1176 = vector.extract_strided_slice %exp3A {offsets = [14], sizes = [1], strides = [1]} : vector<16xf32> to vector<1xf32>
        %squeeze3A_1177 = vector.extract %slice3A_1176[0] : f32 from vector<1xf32>
        %broadcast_in_dim3A_1178 = vector.broadcast %squeeze3A_1177 : f32 to vector<16xf32>
        %mul3A_1179 = arith.constant 16 : i32
        %mul3A_1180 = arith.muli %add3A_209, %mul3A_1179 : i32
        %add3A_1181 = arith.addi %mul3A_138, %mul3A_1180 : i32
        %add3A_1182 = arith.constant 14 : i32
        %add3A_1183 = arith.addi %add3A_1181, %add3A_1182 : i32
        %swap3A_1184 = arith.index_cast %add3A_1183 : i32 to index
        %swap3A_1185 = arith.constant 0 : index
        %swap3A_1186 = tpu.vector_load %arg13[%swap3A_1184, %swap3A_1185] {strides = array<i32>} : memref<160x16xf32, #tpu.memory_space<vmem>>, vector<16xf32>,
        tpu.vector_store %arg13[%swap3A_1184, %swap3A_1185], %broadcast_in_dim3A_1178 {strides = array<i32>} : memref<160x16xf32, #tpu.memory_space<vmem>>, vector<16xf32>,
        %get3A_1187 = arith.index_cast %add3A_1183 : i32 to index
        %get3A_1188 = arith.constant 0 : index
        %get3A_1189 = tpu.vector_load %arg12[%get3A_1187, %get3A_1188] {strides = array<i32>} : memref<160x128xf32, #tpu.memory_space<vmem>>, vector<16xf32>,
        %mul3A_1190 = arith.mulf %get3A_1189, %broadcast_in_dim3A_1178 : vector<16xf32>
        %swap3A_1191 = arith.index_cast %add3A_1183 : i32 to index
        %swap3A_1192 = arith.constant 0 : index
        %swap3A_1193 = tpu.vector_load %arg12[%swap3A_1191, %swap3A_1192] {strides = array<i32>} : memref<160x128xf32, #tpu.memory_space<vmem>>, vector<16xf32>,
        tpu.vector_store %arg12[%swap3A_1191, %swap3A_1192], %mul3A_1190 {strides = array<i32>} : memref<160x128xf32, #tpu.memory_space<vmem>>, vector<16xf32>,
        %get3A_1194 = arith.index_cast %add3A_1183 : i32 to index
        %get3A_1195 = arith.constant 16 : index
        %get3A_1196 = tpu.vector_load %arg12[%get3A_1194, %get3A_1195] {strides = array<i32>} : memref<160x128xf32, #tpu.memory_space<vmem>>, vector<16xf32>,
        %mul3A_1197 = arith.mulf %get3A_1196, %broadcast_in_dim3A_1178 : vector<16xf32>
        %swap3A_1198 = arith.index_cast %add3A_1183 : i32 to index
        %swap3A_1199 = arith.constant 16 : index
        %swap3A_1200 = tpu.vector_load %arg12[%swap3A_1198, %swap3A_1199] {strides = array<i32>} : memref<160x128xf32, #tpu.memory_space<vmem>>, vector<16xf32>,
        tpu.vector_store %arg12[%swap3A_1198, %swap3A_1199], %mul3A_1197 {strides = array<i32>} : memref<160x128xf32, #tpu.memory_space<vmem>>, vector<16xf32>,
        %get3A_1201 = arith.index_cast %add3A_1183 : i32 to index
        %get3A_1202 = arith.constant 32 : index
        %get3A_1203 = tpu.vector_load %arg12[%get3A_1201, %get3A_1202] {strides = array<i32>} : memref<160x128xf32, #tpu.memory_space<vmem>>, vector<16xf32>,
        %mul3A_1204 = arith.mulf %get3A_1203, %broadcast_in_dim3A_1178 : vector<16xf32>
        %swap3A_1205 = arith.index_cast %add3A_1183 : i32 to index
        %swap3A_1206 = arith.constant 32 : index
        %swap3A_1207 = tpu.vector_load %arg12[%swap3A_1205, %swap3A_1206] {strides = array<i32>} : memref<160x128xf32, #tpu.memory_space<vmem>>, vector<16xf32>,
        tpu.vector_store %arg12[%swap3A_1205, %swap3A_1206], %mul3A_1204 {strides = array<i32>} : memref<160x128xf32, #tpu.memory_space<vmem>>, vector<16xf32>,
        %get3A_1208 = arith.index_cast %add3A_1183 : i32 to index
        %get3A_1209 = arith.constant 48 : index
        %get3A_1210 = tpu.vector_load %arg12[%get3A_1208, %get3A_1209] {strides = array<i32>} : memref<160x128xf32, #tpu.memory_space<vmem>>, vector<16xf32>,
        %mul3A_1211 = arith.mulf %get3A_1210, %broadcast_in_dim3A_1178 : vector<16xf32>
        %swap3A_1212 = arith.index_cast %add3A_1183 : i32 to index
        %swap3A_1213 = arith.constant 48 : index
        %swap3A_1214 = tpu.vector_load %arg12[%swap3A_1212, %swap3A_1213] {strides = array<i32>} : memref<160x128xf32, #tpu.memory_space<vmem>>, vector<16xf32>,
        tpu.vector_store %arg12[%swap3A_1212, %swap3A_1213], %mul3A_1211 {strides = array<i32>} : memref<160x128xf32, #tpu.memory_space<vmem>>, vector<16xf32>,
        %get3A_1215 = arith.index_cast %add3A_1183 : i32 to index
        %get3A_1216 = arith.constant 64 : index
        %get3A_1217 = tpu.vector_load %arg12[%get3A_1215, %get3A_1216] {strides = array<i32>} : memref<160x128xf32, #tpu.memory_space<vmem>>, vector<16xf32>,
        %mul3A_1218 = arith.mulf %get3A_1217, %broadcast_in_dim3A_1178 : vector<16xf32>
        %swap3A_1219 = arith.index_cast %add3A_1183 : i32 to index
        %swap3A_1220 = arith.constant 64 : index
        %swap3A_1221 = tpu.vector_load %arg12[%swap3A_1219, %swap3A_1220] {strides = array<i32>} : memref<160x128xf32, #tpu.memory_space<vmem>>, vector<16xf32>,
        tpu.vector_store %arg12[%swap3A_1219, %swap3A_1220], %mul3A_1218 {strides = array<i32>} : memref<160x128xf32, #tpu.memory_space<vmem>>, vector<16xf32>,
        %get3A_1222 = arith.index_cast %add3A_1183 : i32 to index
        %get3A_1223 = arith.constant 80 : index
        %get3A_1224 = tpu.vector_load %arg12[%get3A_1222, %get3A_1223] {strides = array<i32>} : memref<160x128xf32, #tpu.memory_space<vmem>>, vector<16xf32>,
        %mul3A_1225 = arith.mulf %get3A_1224, %broadcast_in_dim3A_1178 : vector<16xf32>
        %swap3A_1226 = arith.index_cast %add3A_1183 : i32 to index
        %swap3A_1227 = arith.constant 80 : index
        %swap3A_1228 = tpu.vector_load %arg12[%swap3A_1226, %swap3A_1227] {strides = array<i32>} : memref<160x128xf32, #tpu.memory_space<vmem>>, vector<16xf32>,
        tpu.vector_store %arg12[%swap3A_1226, %swap3A_1227], %mul3A_1225 {strides = array<i32>} : memref<160x128xf32, #tpu.memory_space<vmem>>, vector<16xf32>,
        %get3A_1229 = arith.index_cast %add3A_1183 : i32 to index
        %get3A_1230 = arith.constant 96 : index
        %get3A_1231 = tpu.vector_load %arg12[%get3A_1229, %get3A_1230] {strides = array<i32>} : memref<160x128xf32, #tpu.memory_space<vmem>>, vector<16xf32>,
        %mul3A_1232 = arith.mulf %get3A_1231, %broadcast_in_dim3A_1178 : vector<16xf32>
        %swap3A_1233 = arith.index_cast %add3A_1183 : i32 to index
        %swap3A_1234 = arith.constant 96 : index
        %swap3A_1235 = tpu.vector_load %arg12[%swap3A_1233, %swap3A_1234] {strides = array<i32>} : memref<160x128xf32, #tpu.memory_space<vmem>>, vector<16xf32>,
        tpu.vector_store %arg12[%swap3A_1233, %swap3A_1234], %mul3A_1232 {strides = array<i32>} : memref<160x128xf32, #tpu.memory_space<vmem>>, vector<16xf32>,
        %get3A_1236 = arith.index_cast %add3A_1183 : i32 to index
        %get3A_1237 = arith.constant 112 : index
        %get3A_1238 = tpu.vector_load %arg12[%get3A_1236, %get3A_1237] {strides = array<i32>} : memref<160x128xf32, #tpu.memory_space<vmem>>, vector<16xf32>,
        %mul3A_1239 = arith.mulf %get3A_1238, %broadcast_in_dim3A_1178 : vector<16xf32>
        %swap3A_1240 = arith.index_cast %add3A_1183 : i32 to index
        %swap3A_1241 = arith.constant 112 : index
        %swap3A_1242 = tpu.vector_load %arg12[%swap3A_1240, %swap3A_1241] {strides = array<i32>} : memref<160x128xf32, #tpu.memory_space<vmem>>, vector<16xf32>,
        tpu.vector_store %arg12[%swap3A_1240, %swap3A_1241], %mul3A_1239 {strides = array<i32>} : memref<160x128xf32, #tpu.memory_space<vmem>>, vector<16xf32>,
        %slice3A_1243 = vector.extract_strided_slice %exp3A {offsets = [15], sizes = [1], strides = [1]} : vector<16xf32> to vector<1xf32>
        %squeeze3A_1244 = vector.extract %slice3A_1243[0] : f32 from vector<1xf32>
        %broadcast_in_dim3A_1245 = vector.broadcast %squeeze3A_1244 : f32 to vector<16xf32>
        %mul3A_1246 = arith.constant 16 : i32
        %mul3A_1247 = arith.muli %add3A_209, %mul3A_1246 : i32
        %add3A_1248 = arith.addi %mul3A_138, %mul3A_1247 : i32
        %add3A_1249 = arith.constant 15 : i32
        %add3A_1250 = arith.addi %add3A_1248, %add3A_1249 : i32
        %swap3A_1251 = arith.index_cast %add3A_1250 : i32 to index
        %swap3A_1252 = arith.constant 0 : index
        %swap3A_1253 = tpu.vector_load %arg13[%swap3A_1251, %swap3A_1252] {strides = array<i32>} : memref<160x16xf32, #tpu.memory_space<vmem>>, vector<16xf32>,
        tpu.vector_store %arg13[%swap3A_1251, %swap3A_1252], %broadcast_in_dim3A_1245 {strides = array<i32>} : memref<160x16xf32, #tpu.memory_space<vmem>>, vector<16xf32>,
        %get3A_1254 = arith.index_cast %add3A_1250 : i32 to index
        %get3A_1255 = arith.constant 0 : index
        %get3A_1256 = tpu.vector_load %arg12[%get3A_1254, %get3A_1255] {strides = array<i32>} : memref<160x128xf32, #tpu.memory_space<vmem>>, vector<16xf32>,
        %mul3A_1257 = arith.mulf %get3A_1256, %broadcast_in_dim3A_1245 : vector<16xf32>
        %swap3A_1258 = arith.index_cast %add3A_1250 : i32 to index
        %swap3A_1259 = arith.constant 0 : index
        %swap3A_1260 = tpu.vector_load %arg12[%swap3A_1258, %swap3A_1259] {strides = array<i32>} : memref<160x128xf32, #tpu.memory_space<vmem>>, vector<16xf32>,
        tpu.vector_store %arg12[%swap3A_1258, %swap3A_1259], %mul3A_1257 {strides = array<i32>} : memref<160x128xf32, #tpu.memory_space<vmem>>, vector<16xf32>,
        %get3A_1261 = arith.index_cast %add3A_1250 : i32 to index
        %get3A_1262 = arith.constant 16 : index
        %get3A_1263 = tpu.vector_load %arg12[%get3A_1261, %get3A_1262] {strides = array<i32>} : memref<160x128xf32, #tpu.memory_space<vmem>>, vector<16xf32>,
        %mul3A_1264 = arith.mulf %get3A_1263, %broadcast_in_dim3A_1245 : vector<16xf32>
        %swap3A_1265 = arith.index_cast %add3A_1250 : i32 to index
        %swap3A_1266 = arith.constant 16 : index
        %swap3A_1267 = tpu.vector_load %arg12[%swap3A_1265, %swap3A_1266] {strides = array<i32>} : memref<160x128xf32, #tpu.memory_space<vmem>>, vector<16xf32>,
        tpu.vector_store %arg12[%swap3A_1265, %swap3A_1266], %mul3A_1264 {strides = array<i32>} : memref<160x128xf32, #tpu.memory_space<vmem>>, vector<16xf32>,
        %get3A_1268 = arith.index_cast %add3A_1250 : i32 to index
        %get3A_1269 = arith.constant 32 : index
        %get3A_1270 = tpu.vector_load %arg12[%get3A_1268, %get3A_1269] {strides = array<i32>} : memref<160x128xf32, #tpu.memory_space<vmem>>, vector<16xf32>,
        %mul3A_1271 = arith.mulf %get3A_1270, %broadcast_in_dim3A_1245 : vector<16xf32>
        %swap3A_1272 = arith.index_cast %add3A_1250 : i32 to index
        %swap3A_1273 = arith.constant 32 : index
        %swap3A_1274 = tpu.vector_load %arg12[%swap3A_1272, %swap3A_1273] {strides = array<i32>} : memref<160x128xf32, #tpu.memory_space<vmem>>, vector<16xf32>,
        tpu.vector_store %arg12[%swap3A_1272, %swap3A_1273], %mul3A_1271 {strides = array<i32>} : memref<160x128xf32, #tpu.memory_space<vmem>>, vector<16xf32>,
        %get3A_1275 = arith.index_cast %add3A_1250 : i32 to index
        %get3A_1276 = arith.constant 48 : index
        %get3A_1277 = tpu.vector_load %arg12[%get3A_1275, %get3A_1276] {strides = array<i32>} : memref<160x128xf32, #tpu.memory_space<vmem>>, vector<16xf32>,
        %mul3A_1278 = arith.mulf %get3A_1277, %broadcast_in_dim3A_1245 : vector<16xf32>
        %swap3A_1279 = arith.index_cast %add3A_1250 : i32 to index
        %swap3A_1280 = arith.constant 48 : index
        %swap3A_1281 = tpu.vector_load %arg12[%swap3A_1279, %swap3A_1280] {strides = array<i32>} : memref<160x128xf32, #tpu.memory_space<vmem>>, vector<16xf32>,
        tpu.vector_store %arg12[%swap3A_1279, %swap3A_1280], %mul3A_1278 {strides = array<i32>} : memref<160x128xf32, #tpu.memory_space<vmem>>, vector<16xf32>,
        %get3A_1282 = arith.index_cast %add3A_1250 : i32 to index
        %get3A_1283 = arith.constant 64 : index
        %get3A_1284 = tpu.vector_load %arg12[%get3A_1282, %get3A_1283] {strides = array<i32>} : memref<160x128xf32, #tpu.memory_space<vmem>>, vector<16xf32>,
        %mul3A_1285 = arith.mulf %get3A_1284, %broadcast_in_dim3A_1245 : vector<16xf32>
        %swap3A_1286 = arith.index_cast %add3A_1250 : i32 to index
        %swap3A_1287 = arith.constant 64 : index
        %swap3A_1288 = tpu.vector_load %arg12[%swap3A_1286, %swap3A_1287] {strides = array<i32>} : memref<160x128xf32, #tpu.memory_space<vmem>>, vector<16xf32>,
        tpu.vector_store %arg12[%swap3A_1286, %swap3A_1287], %mul3A_1285 {strides = array<i32>} : memref<160x128xf32, #tpu.memory_space<vmem>>, vector<16xf32>,
        %get3A_1289 = arith.index_cast %add3A_1250 : i32 to index
        %get3A_1290 = arith.constant 80 : index
        %get3A_1291 = tpu.vector_load %arg12[%get3A_1289, %get3A_1290] {strides = array<i32>} : memref<160x128xf32, #tpu.memory_space<vmem>>, vector<16xf32>,
        %mul3A_1292 = arith.mulf %get3A_1291, %broadcast_in_dim3A_1245 : vector<16xf32>
        %swap3A_1293 = arith.index_cast %add3A_1250 : i32 to index
        %swap3A_1294 = arith.constant 80 : index
        %swap3A_1295 = tpu.vector_load %arg12[%swap3A_1293, %swap3A_1294] {strides = array<i32>} : memref<160x128xf32, #tpu.memory_space<vmem>>, vector<16xf32>,
        tpu.vector_store %arg12[%swap3A_1293, %swap3A_1294], %mul3A_1292 {strides = array<i32>} : memref<160x128xf32, #tpu.memory_space<vmem>>, vector<16xf32>,
        %get3A_1296 = arith.index_cast %add3A_1250 : i32 to index
        %get3A_1297 = arith.constant 96 : index
        %get3A_1298 = tpu.vector_load %arg12[%get3A_1296, %get3A_1297] {strides = array<i32>} : memref<160x128xf32, #tpu.memory_space<vmem>>, vector<16xf32>,
        %mul3A_1299 = arith.mulf %get3A_1298, %broadcast_in_dim3A_1245 : vector<16xf32>
        %swap3A_1300 = arith.index_cast %add3A_1250 : i32 to index
        %swap3A_1301 = arith.constant 96 : index
        %swap3A_1302 = tpu.vector_load %arg12[%swap3A_1300, %swap3A_1301] {strides = array<i32>} : memref<160x128xf32, #tpu.memory_space<vmem>>, vector<16xf32>,
        tpu.vector_store %arg12[%swap3A_1300, %swap3A_1301], %mul3A_1299 {strides = array<i32>} : memref<160x128xf32, #tpu.memory_space<vmem>>, vector<16xf32>,
        %get3A_1303 = arith.index_cast %add3A_1250 : i32 to index
        %get3A_1304 = arith.constant 112 : index
        %get3A_1305 = tpu.vector_load %arg12[%get3A_1303, %get3A_1304] {strides = array<i32>} : memref<160x128xf32, #tpu.memory_space<vmem>>, vector<16xf32>,
        %mul3A_1306 = arith.mulf %get3A_1305, %broadcast_in_dim3A_1245 : vector<16xf32>
        %swap3A_1307 = arith.index_cast %add3A_1250 : i32 to index
        %swap3A_1308 = arith.constant 112 : index
        %swap3A_1309 = tpu.vector_load %arg12[%swap3A_1307, %swap3A_1308] {strides = array<i32>} : memref<160x128xf32, #tpu.memory_space<vmem>>, vector<16xf32>,
        tpu.vector_store %arg12[%swap3A_1307, %swap3A_1308], %mul3A_1306 {strides = array<i32>} : memref<160x128xf32, #tpu.memory_space<vmem>>, vector<16xf32>,
      }
      %scan3A_181 = arith.constant 5 : i32
      %add3A_182 = arith.constant 2 : i32
      %add3A_183 = arith.addi %add3A_135, %add3A_182 : i32
      %lt3A_184 = arith.constant 125 : i32
      %lt3A_185 = arith.cmpi slt, %add3A_183, %lt3A_184 : i32
      %convert_element_type3A_186 = arith.extui %lt3A_185 : i1 to i32
      %cond3A_187 = arith.constant 0 : i32
      %cond3A_188 = arith.cmpi ne, %convert_element_type3A_186, %cond3A_187 : i32
      scf.if %cond3A_188 {
        %add3A_205 = arith.constant 2 : i32
        %add3A_206 = arith.addi %add3A_135, %add3A_205 : i32
        %mul3A_207 = arith.constant 80 : i32
        %mul3A_208 = arith.muli %add3A_206, %mul3A_207 : i32
        %add3A_209 = arith.addi %mul3A_2, %mul3A_208 : i32
        %multiple_of3A_210 = tpu.assume_multiple %add3A_209, 8 : i32
        %dma_start3A_211 = arith.constant 0 : i32
        %dma_start3A_212 = tpu.memref_slice %arg9[%rem3A_136, %dma_start3A_211] : memref<2x80xi32, #tpu.memory_space<vmem>> -> memref<1x80xi32, #tpu.memory_space<vmem>>
        %dma_start3A_213 = tpu.memref_squeeze %dma_start3A_212 : memref<1x80xi32, #tpu.memory_space<vmem>> -> memref<80xi32, #tpu.memory_space<vmem>>
        %dma_start3A_214 = tpu.memref_slice %arg5[%multiple_of3A_210] : memref<320000xi32, #tpu.memory_space<hbm>> -> memref<80xi32, #tpu.memory_space<hbm>>
        %dma_start3A_215 = arith.constant 0 : i32
        %dma_start3A_216 = tpu.memref_slice %arg9[%rem3A_136, %dma_start3A_215] : memref<2x80xi32, #tpu.memory_space<vmem>> -> memref<1x80xi32, #tpu.memory_space<vmem>>
        %dma_start3A_217 = tpu.memref_squeeze %dma_start3A_216 : memref<1x80xi32, #tpu.memory_space<vmem>> -> memref<80xi32, #tpu.memory_space<vmem>>
        %dma_start3A_218 = tpu.memref_slice %arg5[%multiple_of3A_210] : memref<320000xi32, #tpu.memory_space<hbm>> -> memref<80xi32, #tpu.memory_space<hbm>>
        tpu.enqueue_dma source(%dma_start3A_218 : memref<80xi32, #tpu.memory_space<hbm>>) target(%dma_start3A_217 : memref<80xi32, #tpu.memory_space<vmem>>) target_semaphore(%arg21 : memref<!tpu.dma_semaphore, #tpu.memory_space<semaphore_mem>>)
        %dma_start3A_219 = arith.constant 0 : i32
        %dma_start3A_220 = tpu.memref_slice %arg10[%rem3A_136, %dma_start3A_219] : memref<2x80xi32, #tpu.memory_space<vmem>> -> memref<1x80xi32, #tpu.memory_space<vmem>>
        %dma_start3A_221 = tpu.memref_squeeze %dma_start3A_220 : memref<1x80xi32, #tpu.memory_space<vmem>> -> memref<80xi32, #tpu.memory_space<vmem>>
        %dma_start3A_222 = tpu.memref_slice %arg6[%multiple_of3A_210] : memref<320000xi32, #tpu.memory_space<hbm>> -> memref<80xi32, #tpu.memory_space<hbm>>
        %dma_start3A_223 = arith.constant 0 : i32
        %dma_start3A_224 = tpu.memref_slice %arg10[%rem3A_136, %dma_start3A_223] : memref<2x80xi32, #tpu.memory_space<vmem>> -> memref<1x80xi32, #tpu.memory_space<vmem>>
        %dma_start3A_225 = tpu.memref_squeeze %dma_start3A_224 : memref<1x80xi32, #tpu.memory_space<vmem>> -> memref<80xi32, #tpu.memory_space<vmem>>
        %dma_start3A_226 = tpu.memref_slice %arg6[%multiple_of3A_210] : memref<320000xi32, #tpu.memory_space<hbm>> -> memref<80xi32, #tpu.memory_space<hbm>>
        tpu.enqueue_dma source(%dma_start3A_226 : memref<80xi32, #tpu.memory_space<hbm>>) target(%dma_start3A_225 : memref<80xi32, #tpu.memory_space<vmem>>) target_semaphore(%arg21 : memref<!tpu.dma_semaphore, #tpu.memory_space<semaphore_mem>>)
      } else {
      }
      %dma_start3A_189 = arith.constant 0 : i32
      %dma_start3A_190 = tpu.memref_slice %arg12[%mul3A_138, %dma_start3A_189] : memref<160x128xf32, #tpu.memory_space<vmem>> -> memref<80x128xf32, #tpu.memory_space<vmem>>
      %dma_start3A_191 = arith.constant 0 : i32
      %dma_start3A_192 = tpu.memref_slice %arg11[%rem3A_136, %dma_start3A_191] : memref<2x80xi32, #tpu.memory_space<vmem>> -> memref<1x80xi32, #tpu.memory_space<vmem>>
      %dma_start3A_193 = tpu.memref_squeeze %dma_start3A_192 : memref<1x80xi32, #tpu.memory_space<vmem>> -> memref<80xi32, #tpu.memory_space<vmem>>
      %dma_start3A_194 = arith.constant 0 : i32
      %dma_start3A_195 = arith.constant 0 : i32
      %dma_start3A_196 = tpu.memref_slice %arg17[%dma_start3A_194, %dma_start3A_195] : memref<10000x128xf32, #tpu.memory_space<vmem_shared>> -> memref<10000x128xf32, #tpu.memory_space<vmem_shared>>
      tpu.enqueue_indirect_dma source(%dma_start3A_190 : memref<80x128xf32, #tpu.memory_space<vmem>>) target(%dma_start3A_196 : memref<10000x128xf32, #tpu.memory_space<vmem_shared>>) offsets(%dma_start3A_193 : memref<80xi32, #tpu.memory_space<vmem>>) semaphore(%arg20 : memref<!tpu.dma_semaphore, #tpu.memory_space<semaphore_mem>>) {add = true}
      %dma_start3A_197 = arith.constant 0 : i32
      %dma_start3A_198 = tpu.memref_slice %arg13[%mul3A_138, %dma_start3A_197] : memref<160x16xf32, #tpu.memory_space<vmem>> -> memref<80x16xf32, #tpu.memory_space<vmem>>
      %dma_start3A_199 = arith.constant 0 : i32
      %dma_start3A_200 = tpu.memref_slice %arg11[%rem3A_136, %dma_start3A_199] : memref<2x80xi32, #tpu.memory_space<vmem>> -> memref<1x80xi32, #tpu.memory_space<vmem>>
      %dma_start3A_201 = tpu.memref_squeeze %dma_start3A_200 : memref<1x80xi32, #tpu.memory_space<vmem>> -> memref<80xi32, #tpu.memory_space<vmem>>
      %dma_start3A_202 = arith.constant 0 : i32
      %dma_start3A_203 = arith.constant 0 : i32
      %dma_start3A_204 = tpu.memref_slice %arg18[%dma_start3A_202, %dma_start3A_203] : memref<10000x16xf32, #tpu.memory_space<vmem_shared>> -> memref<10000x16xf32, #tpu.memory_space<vmem_shared>>
      tpu.enqueue_indirect_dma source(%dma_start3A_198 : memref<80x16xf32, #tpu.memory_space<vmem>>) target(%dma_start3A_204 : memref<10000x16xf32, #tpu.memory_space<vmem_shared>>) offsets(%dma_start3A_201 : memref<80xi32, #tpu.memory_space<vmem>>) semaphore(%arg20 : memref<!tpu.dma_semaphore, #tpu.memory_space<semaphore_mem>>) {add = true}
    }
    %scan3A_109 = arith.constant 125 : i32
    %dma_wait3A_110 = arith.constant 0 : i32
    %dma_wait3A_111 = arith.constant 0 : i32
    %dma_wait3A_112 = arith.constant 0 : i32
    %dma_wait3A_113 = tpu.memref_slice %arg12[%dma_wait3A_111, %dma_wait3A_112] : memref<160x128xf32, #tpu.memory_space<vmem>> -> memref<80x128xf32, #tpu.memory_space<vmem>>
    %dma_wait3A_114 = arith.constant 0 : i32
    %dma_wait3A_115 = tpu.memref_slice %arg11[%dma_wait3A_110, %dma_wait3A_114] : memref<2x80xi32, #tpu.memory_space<vmem>> -> memref<1x80xi32, #tpu.memory_space<vmem>>
    %dma_wait3A_116 = tpu.memref_squeeze %dma_wait3A_115 : memref<1x80xi32, #tpu.memory_space<vmem>> -> memref<80xi32, #tpu.memory_space<vmem>>
    %dma_wait3A_117 = arith.constant 0 : i32
    %dma_wait3A_118 = arith.constant 0 : i32
    %dma_wait3A_119 = tpu.memref_slice %arg17[%dma_wait3A_117, %dma_wait3A_118] : memref<10000x128xf32, #tpu.memory_space<vmem_shared>> -> memref<10000x128xf32, #tpu.memory_space<vmem_shared>>
    tpu.wait_indirect_dma semaphore(%arg20 : memref<!tpu.dma_semaphore, #tpu.memory_space<semaphore_mem>>) src(%dma_wait3A_113 : memref<80x128xf32, #tpu.memory_space<vmem>>) dst(%dma_wait3A_119 : memref<10000x128xf32, #tpu.memory_space<vmem_shared>>)
    %dma_wait3A_120 = arith.constant 0 : i32
    %dma_wait3A_121 = arith.constant 0 : i32
    %dma_wait3A_122 = arith.constant 0 : i32
    %dma_wait3A_123 = tpu.memref_slice %arg13[%dma_wait3A_121, %dma_wait3A_122] : memref<160x16xf32, #tpu.memory_space<vmem>> -> memref<80x16xf32, #tpu.memory_space<vmem>>
    %dma_wait3A_124 = arith.constant 0 : i32
    %dma_wait3A_125 = tpu.memref_slice %arg11[%dma_wait3A_120, %dma_wait3A_124] : memref<2x80xi32, #tpu.memory_space<vmem>> -> memref<1x80xi32, #tpu.memory_space<vmem>>
    %dma_wait3A_126 = tpu.memref_squeeze %dma_wait3A_125 : memref<1x80xi32, #tpu.memory_space<vmem>> -> memref<80xi32, #tpu.memory_space<vmem>>
    %dma_wait3A_127 = arith.constant 0 : i32
    %dma_wait3A_128 = arith.constant 0 : i32
    %dma_wait3A_129 = tpu.memref_slice %arg18[%dma_wait3A_127, %dma_wait3A_128] : memref<10000x16xf32, #tpu.memory_space<vmem_shared>> -> memref<10000x16xf32, #tpu.memory_space<vmem_shared>>
    tpu.wait_indirect_dma semaphore(%arg20 : memref<!tpu.dma_semaphore, #tpu.memory_space<semaphore_mem>>) src(%dma_wait3A_123 : memref<80x16xf32, #tpu.memory_space<vmem>>) dst(%dma_wait3A_129 : memref<10000x16xf32, #tpu.memory_space<vmem_shared>>)
    %barrier3A_130 = arith.constant 0 : index
    tpu.barrier barrier_id(%barrier3A_130)
    "tpu.region"() ({
      %run_scoped3A = tpu.sem_alloc : memref<!tpu.dma_semaphore, #tpu.memory_space<semaphore_mem>>
      %dma_start3A_131 = arith.constant 0 : i32
      %dma_start3A_132 = arith.constant 0 : i32
      %dma_start3A_133 = tpu.memref_slice %arg7[%arg0, %dma_start3A_131, %dma_start3A_132] : memref<2x10000x128xf32, #tpu.memory_space<hbm>> -> memref<1x10000x128xf32, #tpu.memory_space<hbm>>
      %dma_start3A_134 = tpu.memref_squeeze %dma_start3A_133 : memref<1x10000x128xf32, #tpu.memory_space<hbm>> -> memref<10000x128xf32, #tpu.memory_space<hbm>>
      %dma_start3A_135 = arith.constant 0 : i32
      %dma_start3A_136 = tpu.memref_slice %dma_start3A_134[%mul3A_8, %dma_start3A_135] : memref<10000x128xf32, #tpu.memory_space<hbm>> -> memref<625x128xf32, #tpu.memory_space<hbm>>
      %dma_start3A_137 = arith.constant 0 : i32
      %dma_start3A_138 = tpu.memref_slice %arg17[%mul3A_8, %dma_start3A_137] : memref<10000x128xf32, #tpu.memory_space<vmem_shared>> -> memref<625x128xf32, #tpu.memory_space<vmem_shared>>
      tpu.enqueue_dma source(%dma_start3A_138 : memref<625x128xf32, #tpu.memory_space<vmem_shared>>) target(%dma_start3A_136 : memref<625x128xf32, #tpu.memory_space<hbm>>) target_semaphore(%run_scoped3A : memref<!tpu.dma_semaphore, #tpu.memory_space<semaphore_mem>>)
      %dma_wait3A_139 = arith.constant 0 : i32
      %dma_wait3A_140 = arith.constant 0 : i32
      %dma_wait3A_141 = tpu.memref_slice %arg7[%arg0, %dma_wait3A_139, %dma_wait3A_140] : memref<2x10000x128xf32, #tpu.memory_space<hbm>> -> memref<1x10000x128xf32, #tpu.memory_space<hbm>>
      %dma_wait3A_142 = tpu.memref_squeeze %dma_wait3A_141 : memref<1x10000x128xf32, #tpu.memory_space<hbm>> -> memref<10000x128xf32, #tpu.memory_space<hbm>>
      %dma_wait3A_143 = arith.constant 0 : i32
      %dma_wait3A_144 = tpu.memref_slice %dma_wait3A_142[%mul3A_8, %dma_wait3A_143] : memref<10000x128xf32, #tpu.memory_space<hbm>> -> memref<625x128xf32, #tpu.memory_space<hbm>>
      %dma_wait3A_145 = arith.constant 0 : i32
      %dma_wait3A_146 = tpu.memref_slice %arg17[%mul3A_8, %dma_wait3A_145] : memref<10000x128xf32, #tpu.memory_space<vmem_shared>> -> memref<625x128xf32, #tpu.memory_space<vmem_shared>>
      tpu.wait_dma2 semaphore(%run_scoped3A : memref<!tpu.dma_semaphore, #tpu.memory_space<semaphore_mem>>) src(%dma_wait3A_146 : memref<625x128xf32, #tpu.memory_space<vmem_shared>>) dst(%dma_wait3A_144 : memref<625x128xf32, #tpu.memory_space<hbm>>)
      tpu.yield
    }) : () -> ()
    "tpu.region"() ({
      %run_scoped3A = tpu.sem_alloc : memref<!tpu.dma_semaphore, #tpu.memory_space<semaphore_mem>>
      %dma_start3A_131 = arith.constant 0 : i32
      %dma_start3A_132 = arith.constant 0 : i32
      %dma_start3A_133 = tpu.memref_slice %arg8[%arg0, %dma_start3A_131, %dma_start3A_132] : memref<2x10000x16xf32, #tpu.memory_space<hbm>> -> memref<1x10000x16xf32, #tpu.memory_space<hbm>>
      %dma_start3A_134 = tpu.memref_squeeze %dma_start3A_133 : memref<1x10000x16xf32, #tpu.memory_space<hbm>> -> memref<10000x16xf32, #tpu.memory_space<hbm>>
      %dma_start3A_135 = arith.constant 0 : i32
      %dma_start3A_136 = tpu.memref_slice %dma_start3A_134[%mul3A_8, %dma_start3A_135] : memref<10000x16xf32, #tpu.memory_space<hbm>> -> memref<625x16xf32, #tpu.memory_space<hbm>>
      %dma_start3A_137 = arith.constant 0 : i32
      %dma_start3A_138 = tpu.memref_slice %arg18[%mul3A_8, %dma_start3A_137] : memref<10000x16xf32, #tpu.memory_space<vmem_shared>> -> memref<625x16xf32, #tpu.memory_space<vmem_shared>>
      tpu.enqueue_dma source(%dma_start3A_138 : memref<625x16xf32, #tpu.memory_space<vmem_shared>>) target(%dma_start3A_136 : memref<625x16xf32, #tpu.memory_space<hbm>>) target_semaphore(%run_scoped3A : memref<!tpu.dma_semaphore, #tpu.memory_space<semaphore_mem>>)
      %dma_wait3A_139 = arith.constant 0 : i32
      %dma_wait3A_140 = arith.constant 0 : i32
      %dma_wait3A_141 = tpu.memref_slice %arg8[%arg0, %dma_wait3A_139, %dma_wait3A_140] : memref<2x10000x16xf32, #tpu.memory_space<hbm>> -> memref<1x10000x16xf32, #tpu.memory_space<hbm>>
      %dma_wait3A_142 = tpu.memref_squeeze %dma_wait3A_141 : memref<1x10000x16xf32, #tpu.memory_space<hbm>> -> memref<10000x16xf32, #tpu.memory_space<hbm>>
      %dma_wait3A_143 = arith.constant 0 : i32
      %dma_wait3A_144 = tpu.memref_slice %dma_wait3A_142[%mul3A_8, %dma_wait3A_143] : memref<10000x16xf32, #tpu.memory_space<hbm>> -> memref<625x16xf32, #tpu.memory_space<hbm>>
      %dma_wait3A_145 = arith.constant 0 : i32
      %dma_wait3A_146 = tpu.memref_slice %arg18[%mul3A_8, %dma_wait3A_145] : memref<10000x16xf32, #tpu.memory_space<vmem_shared>> -> memref<625x16xf32, #tpu.memory_space<vmem_shared>>
      tpu.wait_dma2 semaphore(%run_scoped3A : memref<!tpu.dma_semaphore, #tpu.memory_space<semaphore_mem>>) src(%dma_wait3A_146 : memref<625x16xf32, #tpu.memory_space<vmem_shared>>) dst(%dma_wait3A_144 : memref<625x16xf32, #tpu.memory_space<hbm>>)
      tpu.yield
    }) : () -> ()
    return
  }
}

module attributes {stable_mosaic.version = 14 : i64} {
  func.func @_prep_body(%arg0: i32, %arg1: memref<1000x128xf32, #tpu.memory_space<vmem>>, %arg2: memref<128x128xf32, #tpu.memory_space<vmem>>, %arg3: memref<128x2xf32, #tpu.memory_space<vmem>>, %arg4: memref<1000x128xf32, #tpu.memory_space<vmem>>, %arg5: memref<1000x16xf32, #tpu.memory_space<vmem>>, %arg6: memref<1x128xf32, #tpu.memory_space<vmem>>) attributes {dimension_semantics = [#tpu.dimension_semantics<arbitrary>], iteration_bounds = array<i64: 10>, scalar_prefetch = 0 : i64, scratch_operands = 0 : i64, tpu.core_type = #tpu.core_type<tc>, window_params = [{transform_indices = @transform_0, window_bounds = array<i64: 1000, 128>}, {pipeline_mode = #tpu.pipeline_mode<synchronous>, transform_indices = @transform_1, window_bounds = array<i64: 128, 128>}, {pipeline_mode = #tpu.pipeline_mode<synchronous>, transform_indices = @transform_2, window_bounds = array<i64: 128, 2>}, {transform_indices = @transform_3, window_bounds = array<i64: 1000, 128>}, {transform_indices = @transform_4, window_bounds = array<i64: 1000, 16>}, {pipeline_mode = #tpu.pipeline_mode<synchronous>, transform_indices = @transform_5, window_bounds = array<i64: 1, 128>}]} {
    %get3A = arith.constant 0 : index
    %get3A_0 = arith.constant 0 : index
    %get3A_1 = vector.load %arg1[%get3A, %get3A_0] : memref<1000x128xf32, #tpu.memory_space<vmem>>, vector<1000x128xf32>
    %get3A_2 = arith.constant 0 : index
    %get3A_3 = arith.constant 0 : index
    %get3A_4 = vector.load %arg2[%get3A_2, %get3A_3] : memref<128x128xf32, #tpu.memory_space<vmem>>, vector<128x128xf32>
    %dot_general3A = arith.constant dense<0.000000e+00> : vector<1000x128xf32>
    %dot_general3A_5 = tpu.matmul %get3A_1, %get3A_4, %dot_general3A {dimension_numbers = #tpu.dot_dimension_numbers<[1], [0], [0], [1], [0, 0, 1, 1], [], []>, transpose_lhs_hint = false} : vector<1000x128xf32>, vector<128x128xf32>, vector<1000x128xf32> -> vector<1000x128xf32>
    %get3A_6 = arith.constant 0 : index
    %get3A_7 = arith.constant 0 : index
    %get3A_8 = vector.load %arg3[%get3A_6, %get3A_7] : memref<128x2xf32, #tpu.memory_space<vmem>>, vector<128x2xf32>
    %dot_general3A_9 = arith.constant dense<0.000000e+00> : vector<1000x2xf32>
    %dot_general3A_10 = tpu.matmul %dot_general3A_5, %get3A_8, %dot_general3A_9 {dimension_numbers = #tpu.dot_dimension_numbers<[1], [0], [0], [1], [0, 0, 1, 1], [], []>, precision = #tpu.contract_precision<fp32>, transpose_lhs_hint = false} : vector<1000x128xf32>, vector<128x2xf32>, vector<1000x2xf32> -> vector<1000x2xf32>
    %swap3A = arith.constant 0 : index
    %swap3A_11 = arith.constant 0 : index
    %swap3A_12 = vector.load %arg4[%swap3A, %swap3A_11] : memref<1000x128xf32, #tpu.memory_space<vmem>>, vector<1000x128xf32>
    tpu.vector_store %arg4[%swap3A, %swap3A_11], %dot_general3A_5 {strides = array<i32>} : memref<1000x128xf32, #tpu.memory_space<vmem>>, vector<1000x128xf32>,
    %broadcast_in_dim3A = arith.constant 0.000000e+00 : f32
    %broadcast_in_dim3A_13 = vector.broadcast %broadcast_in_dim3A : f32 to vector<1000x14xf32>
    %concatenate3A = tpu.concatenate %dot_general3A_10, %broadcast_in_dim3A_13 in 1 : vector<1000x2xf32>, vector<1000x14xf32> -> vector<1000x16xf32>
    %swap3A_14 = arith.constant 0 : index
    %swap3A_15 = arith.constant 0 : index
    %swap3A_16 = vector.load %arg5[%swap3A_14, %swap3A_15] : memref<1000x16xf32, #tpu.memory_space<vmem>>, vector<1000x16xf32>
    tpu.vector_store %arg5[%swap3A_14, %swap3A_15], %concatenate3A {strides = array<i32>} : memref<1000x16xf32, #tpu.memory_space<vmem>>, vector<1000x16xf32>,
    %slice3A = vector.extract_strided_slice %dot_general3A_10 {offsets = [0, 0], sizes = [1000, 1], strides = [1, 1]} : vector<1000x2xf32> to vector<1000x1xf32>
    %squeeze3A = vector.shape_cast %slice3A : vector<1000x1xf32> to vector<1000xf32>
    %reduce_max3A = vector.shape_cast %squeeze3A : vector<1000xf32> to vector<1x1000xf32>
    %reduce_max3A_17 = arith.constant dense<0xFF800000> : vector<1xf32>
    %reduce_max3A_18 = vector.multi_reduction <maximumf>, %reduce_max3A, %reduce_max3A_17 [1] : vector<1x1000xf32> to vector<1xf32>
    %reduce_max3A_19 = vector.shape_cast %reduce_max3A_18 : vector<1xf32> to vector<1x1xf32>
    %reduce_max3A_20 = vector.extract %reduce_max3A_19[0, 0] : f32 from vector<1x1xf32>
    %broadcast_in_dim3A_21 = vector.broadcast %reduce_max3A_20 : f32 to vector<1x128xf32>
    %eq3A = arith.constant 0 : i32
    %eq3A_22 = arith.cmpi eq, %arg0, %eq3A : i32
    %convert_element_type3A = arith.extui %eq3A_22 : i1 to i32
    %cond3A = arith.constant 0 : i32
    %cond3A_23 = arith.cmpi ne, %convert_element_type3A, %cond3A : i32
    scf.if %cond3A_23 {
      %swap3A_28 = arith.constant 0 : index
      %swap3A_29 = arith.constant 0 : index
      %swap3A_30 = vector.load %arg6[%swap3A_28, %swap3A_29] : memref<1x128xf32, #tpu.memory_space<vmem>>, vector<1x128xf32>
      tpu.vector_store %arg6[%swap3A_28, %swap3A_29], %broadcast_in_dim3A_21 {strides = array<i32>} : memref<1x128xf32, #tpu.memory_space<vmem>>, vector<1x128xf32>,
    } else {
    }
    %gt3A = arith.constant 0 : i32
    %gt3A_24 = arith.cmpi sgt, %arg0, %gt3A : i32
    %convert_element_type3A_25 = arith.extui %gt3A_24 : i1 to i32
    %cond3A_26 = arith.constant 0 : i32
    %cond3A_27 = arith.cmpi ne, %convert_element_type3A_25, %cond3A_26 : i32
    scf.if %cond3A_27 {
      %get3A_28 = arith.constant 0 : index
      %get3A_29 = arith.constant 0 : index
      %get3A_30 = vector.load %arg6[%get3A_28, %get3A_29] : memref<1x128xf32, #tpu.memory_space<vmem>>, vector<1x128xf32>
      %max3A = arith.maximumf %get3A_30, %broadcast_in_dim3A_21 : vector<1x128xf32>
      %swap3A_31 = arith.constant 0 : index
      %swap3A_32 = arith.constant 0 : index
      %swap3A_33 = vector.load %arg6[%swap3A_31, %swap3A_32] : memref<1x128xf32, #tpu.memory_space<vmem>>, vector<1x128xf32>
      tpu.vector_store %arg6[%swap3A_31, %swap3A_32], %max3A {strides = array<i32>} : memref<1x128xf32, #tpu.memory_space<vmem>>, vector<1x128xf32>,
    } else {
    }
    return
  }
  func.func @transform_0(%arg0: i32) -> (i32, i32) {
    %c0_i32 = arith.constant 0 : i32
    %c0_i32_0 = arith.constant 0 : i32
    return %arg0, %c0_i32 : i32, i32
  }
  func.func @transform_1(%arg0: i32) -> (i32, i32) {
    %c0_i32 = arith.constant 0 : i32
    %c0_i32_0 = arith.constant 0 : i32
    %c0_i32_1 = arith.constant 0 : i32
    return %c0_i32, %c0_i32_0 : i32, i32
  }
  func.func @transform_2(%arg0: i32) -> (i32, i32) {
    %c0_i32 = arith.constant 0 : i32
    %c0_i32_0 = arith.constant 0 : i32
    %c0_i32_1 = arith.constant 0 : i32
    return %c0_i32, %c0_i32_0 : i32, i32
  }
  func.func @transform_3(%arg0: i32) -> (i32, i32) {
    %c0_i32 = arith.constant 0 : i32
    %c0_i32_0 = arith.constant 0 : i32
    return %arg0, %c0_i32 : i32, i32
  }
  func.func @transform_4(%arg0: i32) -> (i32, i32) {
    %c0_i32 = arith.constant 0 : i32
    %c0_i32_0 = arith.constant 0 : i32
    return %arg0, %c0_i32 : i32, i32
  }
  func.func @transform_5(%arg0: i32) -> (i32, i32) {
    %c0_i32 = arith.constant 0 : i32
    %c0_i32_0 = arith.constant 0 : i32
    %c0_i32_1 = arith.constant 0 : i32
    return %c0_i32, %c0_i32_0 : i32, i32
  }
}

module attributes {stable_mosaic.version = 14 : i64} {
  func.func @_fin_body(%arg0: i32, %arg1: memref<1x1000x128xf32, #tpu.memory_space<vmem>>, %arg2: memref<1x1000x128xf32, #tpu.memory_space<vmem>>, %arg3: memref<1x1000x16xf32, #tpu.memory_space<vmem>>, %arg4: memref<1x1000x16xf32, #tpu.memory_space<vmem>>, %arg5: memref<1x128xf32, #tpu.memory_space<vmem>>, %arg6: memref<1000x128xf32, #tpu.memory_space<vmem>>) attributes {dimension_semantics = [#tpu.dimension_semantics<arbitrary>], iteration_bounds = array<i64: 10>, scalar_prefetch = 0 : i64, scratch_operands = 0 : i64, tpu.core_type = #tpu.core_type<tc>, window_params = [{transform_indices = @transform_0, window_bounds = array<i64: 1, 1000, 128>}, {transform_indices = @transform_1, window_bounds = array<i64: 1, 1000, 128>}, {transform_indices = @transform_2, window_bounds = array<i64: 1, 1000, 16>}, {transform_indices = @transform_3, window_bounds = array<i64: 1, 1000, 16>}, {pipeline_mode = #tpu.pipeline_mode<synchronous>, transform_indices = @transform_4, window_bounds = array<i64: 1, 128>}, {transform_indices = @transform_5, window_bounds = array<i64: 1000, 128>}]} {
    %get3A = arith.constant 0 : index
    %get3A_0 = arith.constant 0 : index
    %get3A_1 = arith.constant 0 : index
    %get3A_2 = vector.load %arg1[%get3A, %get3A_0, %get3A_1] : memref<1x1000x128xf32, #tpu.memory_space<vmem>>, vector<1x1000x128xf32>
    %get3A_3 = vector.shape_cast %get3A_2 : vector<1x1000x128xf32> to vector<1000x128xf32>
    %get3A_4 = arith.constant 0 : index
    %get3A_5 = arith.constant 0 : index
    %get3A_6 = arith.constant 0 : index
    %get3A_7 = vector.load %arg2[%get3A_4, %get3A_5, %get3A_6] : memref<1x1000x128xf32, #tpu.memory_space<vmem>>, vector<1x1000x128xf32>
    %get3A_8 = vector.shape_cast %get3A_7 : vector<1x1000x128xf32> to vector<1000x128xf32>
    %add3A = arith.addf %get3A_3, %get3A_8 : vector<1000x128xf32>
    %get3A_9 = arith.constant 0 : index
    %get3A_10 = arith.constant 0 : index
    %get3A_11 = arith.constant 0 : index
    %get3A_12 = vector.load %arg3[%get3A_9, %get3A_10, %get3A_11] : memref<1x1000x16xf32, #tpu.memory_space<vmem>>, vector<1x1000x1xf32>
    %get3A_13 = vector.shape_cast %get3A_12 : vector<1x1000x1xf32> to vector<1000x1xf32>
    %get3A_14 = arith.constant 0 : index
    %get3A_15 = arith.constant 0 : index
    %get3A_16 = arith.constant 0 : index
    %get3A_17 = vector.load %arg4[%get3A_14, %get3A_15, %get3A_16] : memref<1x1000x16xf32, #tpu.memory_space<vmem>>, vector<1x1000x1xf32>
    %get3A_18 = vector.shape_cast %get3A_17 : vector<1x1000x1xf32> to vector<1000x1xf32>
    %add3A_19 = arith.addf %get3A_13, %get3A_18 : vector<1000x1xf32>
    %add3A_20 = arith.constant 9.99999971E-10 : f32
    %add3A_21 = vector.broadcast %add3A_20 : f32 to vector<1000x1xf32>
    %add3A_22 = arith.addf %add3A_19, %add3A_21 : vector<1000x1xf32>
    %div3A = vector.broadcast %add3A_22 : vector<1000x1xf32> to vector<1000x128xf32>
    %div3A_23 = arith.divf %add3A, %div3A : vector<1000x128xf32>
    %get3A_24 = arith.constant 0 : index
    %get3A_25 = arith.constant 0 : index
    %get3A_26 = vector.load %arg5[%get3A_24, %get3A_25] : memref<1x128xf32, #tpu.memory_space<vmem>>, vector<1x128xf32>
    %add3A_27 = vector.broadcast %get3A_26 : vector<1x128xf32> to vector<1000x128xf32>
    %add3A_28 = arith.addf %div3A_23, %add3A_27 : vector<1000x128xf32>
    %mul3A = arith.constant 3.000000e-01 : f32
    %mul3A_29 = vector.broadcast %mul3A : f32 to vector<1000x128xf32>
    %mul3A_30 = arith.mulf %mul3A_29, %add3A_28 : vector<1000x128xf32>
    %max3A = arith.maximumf %add3A_28, %mul3A_30 : vector<1000x128xf32>
    %swap3A = arith.constant 0 : index
    %swap3A_31 = arith.constant 0 : index
    %swap3A_32 = vector.load %arg6[%swap3A, %swap3A_31] : memref<1000x128xf32, #tpu.memory_space<vmem>>, vector<1000x128xf32>
    tpu.vector_store %arg6[%swap3A, %swap3A_31], %max3A {strides = array<i32>} : memref<1000x128xf32, #tpu.memory_space<vmem>>, vector<1000x128xf32>,
    return
  }
  func.func @transform_0(%arg0: i32) -> (i32, i32, i32) {
    %c0_i32 = arith.constant 0 : i32
    %c0_i32_0 = arith.constant 0 : i32
    %c0_i32_1 = arith.constant 0 : i32
    return %c0_i32, %arg0, %c0_i32_0 : i32, i32, i32
  }
  func.func @transform_1(%arg0: i32) -> (i32, i32, i32) {
    %c1_i32 = arith.constant 1 : i32
    %c0_i32 = arith.constant 0 : i32
    %c0_i32_0 = arith.constant 0 : i32
    return %c1_i32, %arg0, %c0_i32 : i32, i32, i32
  }
  func.func @transform_2(%arg0: i32) -> (i32, i32, i32) {
    %c0_i32 = arith.constant 0 : i32
    %c0_i32_0 = arith.constant 0 : i32
    %c0_i32_1 = arith.constant 0 : i32
    return %c0_i32, %arg0, %c0_i32_0 : i32, i32, i32
  }
  func.func @transform_3(%arg0: i32) -> (i32, i32, i32) {
    %c1_i32 = arith.constant 1 : i32
    %c0_i32 = arith.constant 0 : i32
    %c0_i32_0 = arith.constant 0 : i32
    return %c1_i32, %arg0, %c0_i32 : i32, i32, i32
  }
  func.func @transform_4(%arg0: i32) -> (i32, i32) {
    %c0_i32 = arith.constant 0 : i32
    %c0_i32_0 = arith.constant 0 : i32
    %c0_i32_1 = arith.constant 0 : i32
    return %c0_i32, %c0_i32_0 : i32, i32
  }
  func.func @transform_5(%arg0: i32) -> (i32, i32) {
    %c0_i32 = arith.constant 0 : i32
    %c0_i32_0 = arith.constant 0 : i32
    return %arg0, %c0_i32 : i32, i32
  }
}

</mosaic_0001>

<sc_bundles>
// kernel: kernel.5.cloned.1.call-start
scs
__scs_entry_jumppad:
0x0: {  	(pc) =	sbr.rel $0x88, $3  }
0x1: {  	(tag) =	ssettag $0x0;
	lr =	simm.s32 $0x1  }
0x2: {  	[smem:$0x3F9B] =	sst lr;
	_ =	strace $0xD0000000  }
0x3: {  	_ = 	snop  }
0x4: {  	_ = 	snop  }
0x5: {  	_ = 	snop  }
0x6: {  	_ = 	snop  }
0x7: {  	_ = 	snop  }
__scs_overlays_trampoline_lowered:
0x8: {  	[smem:$0x3FAA] =	sst s0  }
0x9: {  	[smem:$0x3FAB] =	sst s1  }
0xa: {  	[smem:$0x3FAC] =	sst s2  }
0xb: {  	[smem:$0x3FAD] =	sst s3  }
0xc: {  	[smem:$0x3FAE] =	sst s4  }
0xd: {  	[smem:$0x3FAF] =	sst s5  }
0xe: {  	[smem:$0x3FB0] =	sst s6  }
0xf: {  	[smem:$0x3FB1] =	sst s7  }
0x10: {  	[smem:$0x3FB2] =	sst s8  }
0x11: {  	[smem:$0x3FB3] =	sst s9;
	s0 =	simm.s32 @!p0 $0x0  }
0x12: {  	s1 =	sld [smem:$0x3F99];
	s0 =	simm.s32 @p0 $0x1  }
0x13: {  	[smem:$0x3FB4] =	sst s0;
	s0 =	simm.s32 @!p1 $0x0  }
0x14: {  	s2 =	sld [smem:$0x3F98];
	s0 =	simm.s32 @p1 $0x1  }
0x15: {  	[smem:$0x3FB5] =	sst s0;
	s0 =	simm.s32 @!p2 $0x0  }
0x16: {  	s3 =	sld [smem:$0x3FDB];
	s0 =	simm.s32 @p2 $0x1  }
0x17: {  	s4 =	simm.s32 $0x1BF5;
	[smem:$0x3FB7] =	sst s0  }
0x18: {  	s0 =	sld [smem:$0x3F9A];
	_ =	swait.ge [sflag:s4], $0x0  }
0x19: {  	s7 =	sld [smem:$0x3F9B]  }
0x1a: {  	s8 =	sadd.s32 $0xFFFFE003, lr  }
0x1b: {  	s9 =	sadd.s32 $0xFFFFFEF7, lr;
	s5 =	simm.s32 $0xFFFFFFFF;
	p2 =	slt.u32 s8, $0xFFFFF086  }
0x1c: {  	p1 =	slt.u32 s9, $0xF7A;
	s5 =	simm.s32 @!p2 $0x0  }
0x1d: {  	s5 =	simm.s32 @p1 $0x1;
	p0 =	seq.s32 s7, s2  }
0x1e: {  	s7 =	smul.u32 @!p0 $0xF7A, s2;
	p2 =	seq.s32 @!p0 s5, $0x0  }
0x1f: {  	s9 =	smul.u32 $0xF7A, s1;
	s8 =	simm.s32 @!p0 $0x1BF5;
	p2 =	por !p2, p0  }
0x20: {  	[sflag:s8] =	ssyncset.s32 @!p0 $0xFFFFF086;
	s6 =	sadd.s32 @!p0 s3, s7;
	s7 =	simm.s32 @!p0 $0x108  }
0x21: {  	s3 =	sadd.s32 s3, s9;
	s6 =	sadd.s32 @!p0 $0x88, s6;
	s7 =	simm.s32 @p2 $0x1082  }
0x22: {  	[simem:s7], [sflag:s8] =	dma.local @!p0 [hbm:s6], $0xF7A  }
0x23: {  	s9 =	sor.u32 $0xD0000000, s2;
	s6 =	simm.s32 $0x108;
	_ =	swait.ge @!p0 [sflag:s8], $0x0  }
0x24: {  	s3 =	sadd.s32 $0x88, s3;
	s6 =	simm.s32 @!p1 $0x1082;
	[sflag:s4] =	ssyncset.s32 $0xFFFFF086  }
0x25: {  	[simem:s6], [sflag:s4] =	dma.local [hbm:s3], $0xF7A  }
0x26: {  	[smem:$0x3F9B] =	sst s1;
	(tag) =	ssettag s2;
	_ =	strace s9  }
0x27: {  	s1 =	sld [smem:$0x3FAB]  }
0x28: {  	s2 =	sld [smem:$0x3FAC]  }
0x29: {  	s4 =	sld [smem:$0x3FAE]  }
0x2a: {  	p0 =	seq.s32 s5, $0x0;
	s5 =	sld [smem:$0x3FAF]  }
0x2b: {  	s6 =	sld [smem:$0x3FB0]  }
0x2c: {  	s7 =	sld [smem:$0x3FB1]  }
0x2d: {  	s3 =	simm.s32 $0x108;
	s8 =	sld [smem:$0x3FB2]  }
0x2e: {  	s3 =	simm.s32 @!p0 $0x1082;
	s9 =	sld [smem:$0x3FB3]  }
0x2f: {  	lr =	sadd.s32 s0, s3;
	s0 =	sld [smem:$0x3FAA]  }
0x30: {  	s3 =	sld [smem:$0x3FAD]  }
0x31: {  	[smem:$0x3FB6] =	sst s10  }
0x32: {  	s10 =	sld [smem:$0x3FB4];
	_ =	sdelay $0x3  }
0x33: {  	p0 =	seq.s32 s10, $0x1;
	s10 =	sld [smem:$0x3FB6];
	_ =	sdelay $0x3  }
0x34: {  	[smem:$0x3FB6] =	sst s10  }
0x35: {  	s10 =	sld [smem:$0x3FB5];
	_ =	sdelay $0x3  }
0x36: {  	p1 =	seq.s32 s10, $0x1;
	s10 =	sld [smem:$0x3FB6];
	_ =	sdelay $0x3  }
0x37: {  	[smem:$0x3FB6] =	sst s10  }
0x38: {  	s10 =	sld [smem:$0x3FB7]  }
0x39: {  	_ = 	snop;
	(pc) =	sbr.ind lr, $3  }
0x3a: {  	_ = 	snop  }
0x3b: {  	_ = 	snop  }
0x3c: {  	p2 =	seq.s32 s10, $0x1;
	s10 =	sld [smem:$0x3FB6]  }
0x3d: {  	_ =	shalt  }
0x3e: {  	_ =	shalt  }
0x3f: {  	_ =	shalt  }
0x40: {  	_ =	shalt  }
0x41: {  	_ =	shalt  }
0x42: {  	_ =	shalt  }
0x43: {  	_ =	shalt  }
0x44: {  	_ =	shalt  }
0x45: {  	_ =	shalt  }
0x46: {  	_ =	shalt  }
0x47: {  	_ =	shalt  }
0x48: {  	_ =	shalt  }
0x49: {  	_ =	shalt  }
0x4a: {  	_ =	shalt  }
0x4b: {  	_ =	shalt  }
0x4c: {  	_ =	shalt  }
0x4d: {  	_ =	shalt  }
0x4e: {  	_ =	shalt  }
0x4f: {  	_ =	shalt  }
0x50: {  	_ =	shalt  }
0x51: {  	_ =	shalt  }
0x52: {  	_ =	shalt  }
0x53: {  	_ =	shalt  }
0x54: {  	_ =	shalt  }
0x55: {  	_ =	shalt  }
0x56: {  	_ =	shalt  }
0x57: {  	_ =	shalt  }
0x58: {  	_ =	shalt  }
0x59: {  	_ =	shalt  }
0x5a: {  	_ =	shalt  }
0x5b: {  	_ =	shalt  }
0x5c: {  	_ =	shalt  }
0x5d: {  	_ =	shalt  }
0x5e: {  	_ =	shalt  }
0x5f: {  	_ =	shalt  }
0x60: {  	_ =	shalt  }
0x61: {  	_ =	shalt  }
0x62: {  	_ =	shalt  }
0x63: {  	_ =	shalt  }
0x64: {  	_ =	shalt  }
0x65: {  	_ =	shalt  }
0x66: {  	_ =	shalt  }
0x67: {  	_ =	shalt  }
0x68: {  	_ =	shalt  }
0x69: {  	_ =	shalt  }
0x6a: {  	_ =	shalt  }
0x6b: {  	_ =	shalt  }
0x6c: {  	_ =	shalt  }
0x6d: {  	_ =	shalt  }
0x6e: {  	_ =	shalt  }
0x6f: {  	_ =	shalt  }
0x70: {  	_ =	shalt  }
0x71: {  	_ =	shalt  }
0x72: {  	_ =	shalt  }
0x73: {  	_ =	shalt  }
0x74: {  	_ =	shalt  }
0x75: {  	_ =	shalt  }
0x76: {  	_ =	shalt  }
0x77: {  	_ =	shalt  }
0x78: {  	_ =	shalt  }
0x79: {  	_ =	shalt  }
0x7a: {  	_ =	shalt  }
0x7b: {  	_ =	shalt  }
0x7c: {  	_ =	shalt  }
0x7d: {  	_ =	shalt  }
0x7e: {  	_ =	shalt  }
0x7f: {  	_ =	shalt  }
0x80: {  	_ =	shalt  }
0x81: {  	_ =	shalt  }
0x82: {  	_ =	shalt  }
0x83: {  	_ =	shalt  }
0x84: {  	_ =	shalt  }
0x85: {  	_ =	shalt  }
0x86: {  	_ =	shalt  }
0x87: {  	_ =	shalt  }
.Lfunc_end0:
.L_simem_size_0:
called_computation_lowered:
.L_overlay_start_0:
0x88: {  	s2 =	sld [smem:$0x3FD9]  }
0x89: {  	s3 =	sld [smem:$0x3FFE];
	_ =	sdelay $0x1  }
0x8a: {  	s1 =	srdreg.scid  }
0x8b: {  	s0 =	sand.u32 $0x1, s1  }
0x8c: {  	s17 =	sshll.u32 s0, $0xA;
	s2 =	sadd.s32 s3, s2  }
0x8d: {  	s2 =	sadd.s32 s2, s17  }
0x8e: {  	[smem:$0x3FC2] =	sst s2  }
0x8f: {  	_ = 	snop  }
0x90: {  	s2 =	sld [smem:$0x3FD0];
	(tm) =	ssettm $0x1  }
0x91: {  	s18 =	sld [smem:$0x3FFB];
	_ =	sdelay $0x3  }
0x92: {  	_ =	strace s18  }
0x93: {  	s3 =	sld [smem:$0x3FFC];
	_ =	sdelay $0x3  }
0x94: {  	_ =	strace s3  }
0x95: {  	s3 =	sld [smem:$0x3FFD];
	_ =	sdelay $0x3  }
0x96: {  	_ =	strace s3  }
0x97: {  	_ =	strace $0x8FFFFFFF  }
0x98: {  	s19 =	sld [smem:$0x3FDB];
	_ =	sdelay $0x1  }
0x99: {  	s4 =	simm.s32 $_scs_section_size  }
0x9a: {  	s5 =	simm.s32 $_size__tile_overlayer_lowered;
	s6 =	simm.s32 $_tile_overlayer_lowered  }
0x9b: {  	s22 =	simm.s32 $0x1BFF;
	s21 =	sshll.u32 s6, $0x1;
	s3 =	sadd.s32 s4, s19  }
0x9c: {  	s7 =	simm.s32 $0x0;
	s20 =	sshll.u32 s5, $0x1;
	s5 =	sadd.s32 s21, s3  }
0x9d: {  	[timem:s7], [sflag:s22] =	dma.local [hbm:s5], s20  }
0x9e: {  	_ =	swait.ge [sflag:s22], s20  }
0x9f: {  	s4 =	ssub.s32 $0x0, s20;
	[sflag:s22] =	ssyncset.done $0x0  }
0xa0: {  	[sflag:s22] =	ssyncadd.s32 s4;
	_ =	sdelay $0x1  }
0xa1: {  	s23 =	simm.s32 $0x1B8B  }
0xa2: {  	_ =	swait.ge [sflag:s23], $0x1  }
0xa3: {  	[sflag:s23] =	ssyncset.done $0x0  }
0xa4: {  	s25 =	simm.s32 $0x1B8E;
	s24 =	sld [smem:$0x3FFE];
	[sflag:s23] =	ssyncadd.s32 $0xFFFFFFFF  }
0xa5: {  	s26 =	simm.s32 $execute0_lowered;
	[smem:$0x3FD2] =	sst s25  }
0xa6: {  	s5 =	sshll.u32 s26, $0x1;
	_ =	strace $0x80000046;
	[dreg:$0x1] =	wrdreg $0xFFFFFFFF  }
0xa7: {  	s28 =	simm.s32 $_size_execute0_lowered;
	s3 =	sadd.s32 s3, s5;
	[dreg:$0x0] =	wrdreg $0x0  }
0xa8: {  	s5 =	sshll.u32 s28, $0x1;
	[dreg:$0x2] =	wrdreg s3  }
0xa9: {  	[dreg:$0x3] =	wrdreg s5  }
0xaa: {  	[dreg:$0x4] =	wrdreg $0xC0  }
0xab: {  	_ =	task [dreg:s7], $0x5FFFF  }
0xac: {  	[dreg:$0x1] =	wrdreg $0xFFFFFFFF  }
0xad: {  	[dreg:$0x0] =	wrdreg $0x60  }
0xae: {  	[dreg:$0x2] =	wrdreg s2  }
0xaf: {  	[dreg:$0x3] =	wrdreg s24  }
0xb0: {  	[dreg:$0x4] =	wrdreg $0x6FF00  }
0xb1: {  	[dreg:$0x5] =	wrdreg $0x1A8700  }
0xb2: {  	[dreg:$0x6] =	wrdreg $0x9  }
0xb3: {  	_ =	task.clear_ibuf [dreg:s7], $0x7FFFF;
	_ =	strace $0x90000046  }
0xb4: {  	s29 =	simm.s32 $0x9;
	_ =	strace $0x80000048  }
0xb5: {  	_ =	swait.ge [sflag:s29], $0x1  }
0xb6: {  	[sflag:s29] =	ssyncadd.s32 $0xFFFFFFFF  }
0xb7: {  	_ =	strace $0x90000048  }
0xb8: {  	_ =	sfence  }
0xb9: {  	s30 =	sld [smem:$0x0];
	_ =	sdelay $0x2  }
0xba: {  	s31 =	sshll.u32 s1, $0xD;
	s1 =	sshrl.u32 s1, $0x2  }
0xbb: {  	s3 =	sand.u32 $0x4000, s31;
	s1 =	sadd.s32 s1, s30  }
0xbc: {  	s0 =	sor.u32 s3, s0;
	s1 =	sshll.u32 s1, $0x11  }
0xbd: {  	s0 =	sor.u32 s1, s0  }
0xbe: {  	s0 =	sadd.s32 $0x8F2B, s0  }
0xbf: {  	[sflag:s0] =	ssyncadd.remote.s32 $0x1  }
0xc0: {  	_ =	sfence.sel $0xFFFF  }
0xc1: {  	[dreg:$0x0] =	wrdreg $0xFFFFFFFF;
	(pc) =	sbr.abs _section_cstart, $3  }
0xc2: {  	[dreg:$0x1] =	wrdreg $0xFFFFFFFF  }
0xc3: {  	_ =	task.clear_ibuf [dreg:s7], $0x2FFFF;
	_ =	strace $0x9FFFFFFF  }
0xc4: {  	(tm) =	ssettm $0x7FFFFFFF  }
0xc5: {  	_ =	shalt  }
tec
execute0_lowered:
.L_overlay_start_1:
0x0: {  	(tag) =	ssettag $0x1  }
0x1: {  	s1 =	rddreg [dreg:$0x0]  }
0x2: {  	s0 =	rddreg [dreg:$0x1]  }
0x3: {  	s2 =	rddreg [dreg:$0x2];
	s15 =	stileid.u32  }
0x4: {  	s3 =	rddreg [dreg:$0x3];
	s10 =	smul.u32 $0x271, s15  }
0x5: {  	s4 =	simm.s32 $0x0;
	s17 =	srdreg.scid;
	s25 =	smul.u32 $0x13880, s15  }
0x6: {  	[smem:$0x7FF] =	sst s4;
	s4 =	sand.u32 $0x1, s17;
	s26 =	smul.u32 $0x2710, s15  }
0x7: {  	s5 =	sadd.s32 $0x14C00, s0;
	s6 =	sadd.s32 $0x14A00, s0;
	s29 =	smul.u32 $0x4E200, s15  }
0x8: {  	s8 =	sadd.s32 $0xAC00, s0;
	s9 =	sadd.s32 $0xE00, s0;
	s30 =	smul.u32 $0x9C40, s15  }
0x9: {  	_ =	strace $0x80000047;
	[dreg:$0x5] =	wrdreg s6;
	s18 =	smul.u32 $0x27100, s4  }
0xa: {  	s7 =	sshll.u32 s4, $0x4;
	s11 =	smul.u32 $0x4E20, s4;
	s4 =	ssub.s32 $0x2, s4  }
0xb: {  	s7 =	sor.u32 s15, s7;
	s12 =	sshrl.u32 s4, $0x1;
	s13 =	sadd.s32 $0x230, s10  }
0xc: {  	s28 =	sshrl.u32 s25, $0x3;
	s14 =	sshrl.u32 s26, $0x3;
	s15 =	sadd.s32 $0xA0, s10  }
0xd: {  	s6 =	sadd.s32 s18, s0;
	s7 =	smul.u32 $0x2710, s7;
	s0 =	sadd.s32 s11, s0  }
0xe: {  	s4 =	ssub.s32 s4, s12;
	s19 =	sshll.u32 s13, $0x7;
	s20 =	sshll.u32 s13, $0x4  }
0xf: {  	s13 =	sshrl.u32 s29, $0x2;
	s17 =	sshll.u32 s15, $0x7;
	s18 =	sadd.s32 $0xF0, s10  }
0x10: {  	s11 =	sadd.s32 s19, s2;
	s6 =	sadd.s32 $0x23A00, s6;
	s0 =	sadd.s32 $0x19C00, s0  }
0x11: {  	s4 =	smax.u32 s4, $0x1;
	s31 =	sadd.s32 s13, s2;
	s13 =	sadd.s32 $0x50, s10  }
0x12: {  	s19 =	sshll.u32 s18, $0x7;
	[dreg:$0x6] =	wrdreg s11;
	s21 =	sshrl.u32 s7, $0x3  }
0x13: {  	s11 =	sadd.s32 s20, s3;
	s16 =	sadd.s32 $0xA0, s7;
	[dreg:$0xd] =	wrdreg s4  }
0x14: {  	s6 =	sadd.s32 s28, s6;
	[dreg:$0xe] =	wrdreg s31;
	s7 =	sshrl.u32 s30, $0x2  }
0x15: {  	s0 =	sadd.s32 s14, s0;
	s14 =	sshll.u32 s13, $0x7;
	s20 =	sshll.u32 s18, $0x4  }
0x16: {  	s28 =	sadd.s32 $0x1E0, s10;
	s18 =	simm.s32 $0x5BE0;
	[dreg:$0x7] =	wrdreg s11  }
0x17: {  	s22 =	sadd.s32 s8, s21;
	s23 =	sadd.s32 $0xA, s21;
	[dreg:$0xc] =	wrdreg s6  }
0x18: {  	s12 =	sadd.s32 s9, s21;
	[dreg:$0xf] =	wrdreg s0;
	s4 =	sadd.s32 s7, s3  }
0x19: {  	s0 =	sshll.u32 s13, $0x4;
	s21 =	sadd.s32 $0x140, s10;
	[dreg:$0x8] =	wrdreg s22  }
0x1a: {  	s30 =	sshll.u32 s28, $0x7;
	s31 =	sshll.u32 s28, $0x4;
	[dreg:$0x9] =	wrdreg s12  }
0x1b: {  	s13 =	simm.s32 $0x51E0;
	s24 =	sadd.s32 s8, s23;
	[dreg:$0x10] =	wrdreg s4  }
0x1c: {  	s11 =	sadd.s32 s9, s23;
	s12 =	sadd.s32 s25, s2;
	[dreg:$0xa] =	wrdreg s24  }
0x1d: {  	s4 =	sadd.s32 s14, s2;
	s0 =	sadd.s32 s0, s3;
	[dreg:$0xb] =	wrdreg s11  }
0x1e: {  	s22 =	sshll.u32 s21, $0x7;
	s23 =	sadd.s32 $0x190, s10;
	[dreg:$0x11] =	wrdreg s4  }
0x1f: {  	s6 =	sadd.s32 s31, s3;
	s11 =	sadd.s32 s26, s3;
	[dreg:$0x12] =	wrdreg s0  }
0x20: {  	s0 =	sshll.u32 s15, $0x4;
	s4 =	sadd.s32 s17, s2;
	s24 =	sshll.u32 s21, $0x4  }
0x21: {  	s25 =	sshll.u32 s23, $0x7;
	s29 =	sshll.u32 s23, $0x4;
	s7 =	sshrl.u32 s12, $0x3  }
0x22: {  	s12 =	simm.s32 $0x1E0;
	s15 =	simm.s32 $0x3;
	s17 =	simm.s32 $0x50  }
0x23: {  	s21 =	simm.s32 $0x2;
	[dreg:$0x13] =	wrdreg s4;
	s0 =	sadd.s32 s0, s3  }
0x24: {  	s26 =	sadd.s32 s25, s2;
	s4 =	sadd.s32 s30, s2;
	[dreg:$0x14] =	wrdreg s0  }
0x25: {  	s10 =	sshrl.u32 s11, $0x3;
	s0 =	sadd.s32 s19, s2;
	[dreg:$0x19] =	wrdreg s26  }
0x26: {  	s11 =	simm.s32 $0x4;
	[dreg:$0x15] =	wrdreg s0;
	s0 =	sadd.s32 s20, s3  }
0x27: {  	s19 =	simm.s32 $0x65E0;
	[dreg:$0x16] =	wrdreg s0;
	s0 =	sadd.s32 s22, s2  }
0x28: {  	v1 =	vlaneseq.u32;
	s20 =	simm.s32 $0x1;
	[dreg:$0x17] =	wrdreg s0;
	s0 =	sadd.s32 s24, s3  }
0x29: {  	v0 =	vimm.f32 $0.0e+00;
	v1 =	vmul.u32 $0x10, v1;
	s22 =	simm.s32 $0x0;
	[dreg:$0x18] =	wrdreg s0;
	s0 =	sadd.s32 s29, s3  }
.LBB2_1:
0x2a: {  	s14 =	simm.s32 $0x0;
	s23 =	rddreg [dreg:$0x5];
	s24 =	simm.s32 $0x6FE0  }
0x2b: {  	[tilespmem:s24], [sflag:$0x4] =	stream.linear.gather [hbm4b:s23+s14], $0x10, $0x38;
	[tilespmem:$0x1CF80] =	vst v63  }
0x2c: {  	_ =	swait.ge [sflag:s11], $0x10  }
0x2d: {  	[sflag:s11] =	ssyncset.done $0x0  }
0x2e: {  	s23 =	simm.s32 $0x220;
	[sflag:s11] =	ssyncadd.s32 $0xFFFFFFF0  }
0x2f: {  	[tilespmem:s23+$0xFFFFFFD0] =	vst v0  }
0x30: {  	[tilespmem:s23+$0xFFFFFFE0] =	vst v0  }
0x31: {  	[tilespmem:s23+$0xFFFFFFF0] =	vst v0  }
0x32: {  	[tilespmem:s23+$0x0] =	vst v0  }
0x33: {  	[tilespmem:s23+$0x10] =	vst v0  }
0x34: {  	[tilespmem:s23+$0x20] =	vst v0  }
0x35: {  	[tilespmem:s23+$0x30] =	vst v0  }
0x36: {  	s25 =	simm.s32 $0x0;
	s24 =	simm.s32 $0x40;
	[tilespmem:s23+$0xFFFFFFC0] =	vst v0  }
.LBB2_2:
0x37: {  	p0 =	sne.s32 s24, $0x13C0;
	[tilespmem:s25+$0x51E0] =	vst v0;
	s23 =	sadd.s32 $0x80, s23  }
0x38: {  	[tilespmem:s23+$0xFFFFFFD0] =	vst v0  }
0x39: {  	[tilespmem:s23+$0xFFFFFFE0] =	vst v0  }
0x3a: {  	[tilespmem:s23+$0xFFFFFFF0] =	vst v0  }
.Ltmp0:
0x3b: {  	[tilespmem:s23+$0x0] =	vst v0;
	(pc) =	sbr.rel @p0 .LBB2_2-.Ltmp0, $4  }
0x3c: {  	[tilespmem:s23+$0x10] =	vst v0  }
0x3d: {  	[tilespmem:s23+$0x20] =	vst v0  }
0x3e: {  	[tilespmem:s23+$0x30] =	vst v0  }
0x3f: {  	s25 =	sshra.s32 s24, $0x2;
	s24 =	sadd.s32 $0x40, s24;
	[tilespmem:s23+$0xFFFFFFC0] =	vst v0  }
0x40: {  	[tilespmem:s25+$0x51E0] =	vst v0;
	s14 =	rddreg [dreg:$0xe]  }
0x41: {  	[spmem:s14] =	stream.linear.scatter [tilespmem:s12], [sflag:$0x4], $0x2800, $0x38;
	[tilespmem:$0x1CF80] =	vst v63  }
0x42: {  	_ =	swait.ge [sflag:s11], $0x2800  }
0x43: {  	[sflag:s11] =	ssyncset.done $0x0  }
0x44: {  	s31 =	rddreg [dreg:$0x10];
	[sflag:s11] =	ssyncadd.s32 $0xFFFFD800  }
0x45: {  	[spmem:s31] =	stream.linear.scatter [tilespmem:s13], [sflag:$0x4], $0x500, $0x38;
	[tilespmem:$0x1CF80] =	vst v63  }
0x46: {  	_ =	swait.ge [sflag:s11], $0x500  }
0x47: {  	[sflag:s11] =	ssyncset.done $0x0  }
0x48: {  	s23 =	rddreg [dreg:$0x11];
	[sflag:s11] =	ssyncadd.s32 $0xFFFFFB00  }
0x49: {  	[spmem:s23] =	stream.linear.scatter [tilespmem:s12], [sflag:$0x4], $0x2800, $0x38;
	[tilespmem:$0x1CF80] =	vst v63  }
0x4a: {  	_ =	swait.ge [sflag:s11], $0x2800  }
0x4b: {  	[sflag:s11] =	ssyncset.done $0x0  }
0x4c: {  	s24 =	rddreg [dreg:$0x12];
	[sflag:s11] =	ssyncadd.s32 $0xFFFFD800  }
0x4d: {  	[spmem:s24] =	stream.linear.scatter [tilespmem:s13], [sflag:$0x4], $0x500, $0x38;
	[tilespmem:$0x1CF80] =	vst v63  }
0x4e: {  	_ =	swait.ge [sflag:s11], $0x500  }
0x4f: {  	[sflag:s11] =	ssyncset.done $0x0  }
0x50: {  	s25 =	rddreg [dreg:$0x13];
	[sflag:s11] =	ssyncadd.s32 $0xFFFFFB00  }
0x51: {  	[spmem:s25] =	stream.linear.scatter [tilespmem:s12], [sflag:$0x4], $0x2800, $0x38;
	[tilespmem:$0x1CF80] =	vst v63  }
0x52: {  	_ =	swait.ge [sflag:s11], $0x2800  }
0x53: {  	[sflag:s11] =	ssyncset.done $0x0  }
0x54: {  	s26 =	rddreg [dreg:$0x14];
	[sflag:s11] =	ssyncadd.s32 $0xFFFFD800  }
0x55: {  	[spmem:s26] =	stream.linear.scatter [tilespmem:s13], [sflag:$0x4], $0x500, $0x38;
	[tilespmem:$0x1CF80] =	vst v63  }
0x56: {  	_ =	swait.ge [sflag:s11], $0x500  }
0x57: {  	[sflag:s11] =	ssyncset.done $0x0  }
0x58: {  	s28 =	rddreg [dreg:$0x15];
	[sflag:s11] =	ssyncadd.s32 $0xFFFFFB00  }
0x59: {  	[spmem:s28] =	stream.linear.scatter [tilespmem:s12], [sflag:$0x4], $0x2800, $0x38;
	[tilespmem:$0x1CF80] =	vst v63  }
0x5a: {  	_ =	swait.ge [sflag:s11], $0x2800  }
0x5b: {  	[sflag:s11] =	ssyncset.done $0x0  }
0x5c: {  	s29 =	rddreg [dreg:$0x16];
	[sflag:s11] =	ssyncadd.s32 $0xFFFFD800  }
0x5d: {  	[spmem:s29] =	stream.linear.scatter [tilespmem:s13], [sflag:$0x4], $0x500, $0x38;
	[tilespmem:$0x1CF80] =	vst v63  }
0x5e: {  	_ =	swait.ge [sflag:s11], $0x500  }
0x5f: {  	[sflag:s11] =	ssyncset.done $0x0  }
0x60: {  	s30 =	rddreg [dreg:$0x17];
	[sflag:s11] =	ssyncadd.s32 $0xFFFFFB00  }
0x61: {  	[spmem:s30] =	stream.linear.scatter [tilespmem:s12], [sflag:$0x4], $0x2800, $0x38;
	[tilespmem:$0x1CF80] =	vst v63  }
0x62: {  	_ =	swait.ge [sflag:s11], $0x2800  }
0x63: {  	[sflag:s11] =	ssyncset.done $0x0  }
0x64: {  	s31 =	rddreg [dreg:$0x18];
	[sflag:s11] =	ssyncadd.s32 $0xFFFFD800  }
0x65: {  	[spmem:s31] =	stream.linear.scatter [tilespmem:s13], [sflag:$0x4], $0x500, $0x38;
	[tilespmem:$0x1CF80] =	vst v63  }
0x66: {  	_ =	swait.ge [sflag:s11], $0x500  }
0x67: {  	[sflag:s11] =	ssyncset.done $0x0  }
0x68: {  	s23 =	rddreg [dreg:$0x19];
	[sflag:s11] =	ssyncadd.s32 $0xFFFFFB00  }
0x69: {  	[spmem:s23] =	stream.linear.scatter [tilespmem:s12], [sflag:$0x4], $0x2800, $0x38;
	[tilespmem:$0x1CF80] =	vst v63  }
0x6a: {  	_ =	swait.ge [sflag:s11], $0x2800  }
0x6b: {  	[sflag:s11] =	ssyncset.done $0x0  }
0x6c: {  	[sflag:s11] =	ssyncadd.s32 $0xFFFFD800  }
0x6d: {  	[spmem:s0] =	stream.linear.scatter [tilespmem:s13], [sflag:$0x4], $0x500, $0x38;
	[tilespmem:$0x1CF80] =	vst v63  }
0x6e: {  	_ =	swait.ge [sflag:s11], $0x500  }
0x6f: {  	[sflag:s11] =	ssyncset.done $0x0  }
0x70: {  	[sflag:s11] =	ssyncadd.s32 $0xFFFFFB00  }
0x71: {  	[spmem:s4] =	stream.linear.scatter [tilespmem:s12], [sflag:$0x4], $0x2800, $0x38;
	[tilespmem:$0x1CF80] =	vst v63  }
0x72: {  	_ =	swait.ge [sflag:s11], $0x2800  }
0x73: {  	[sflag:s11] =	ssyncset.done $0x0  }
0x74: {  	[sflag:s11] =	ssyncadd.s32 $0xFFFFD800  }
0x75: {  	[spmem:s6] =	stream.linear.scatter [tilespmem:s13], [sflag:$0x4], $0x500, $0x38;
	[tilespmem:$0x1CF80] =	vst v63  }
0x76: {  	_ =	swait.ge [sflag:s11], $0x500  }
0x77: {  	[sflag:s11] =	ssyncset.done $0x0  }
0x78: {  	s24 =	rddreg [dreg:$0x6];
	[sflag:s11] =	ssyncadd.s32 $0xFFFFFB00  }
0x79: {  	[spmem:s24] =	stream.linear.scatter [tilespmem:s12], [sflag:$0x4], $0x2080, $0x38;
	[tilespmem:$0x1CF80] =	vst v63  }
0x7a: {  	_ =	swait.ge [sflag:s11], $0x2080  }
0x7b: {  	[sflag:s11] =	ssyncset.done $0x0  }
0x7c: {  	s25 =	rddreg [dreg:$0x7];
	[sflag:s11] =	ssyncadd.s32 $0xFFFFDF80  }
0x7d: {  	[spmem:s25] =	stream.linear.scatter [tilespmem:s13], [sflag:$0x4], $0x410, $0x38;
	[tilespmem:$0x1CF80] =	vst v63  }
0x7e: {  	_ =	swait.ge [sflag:s11], $0x410  }
0x7f: {  	[sflag:s11] =	ssyncset.done $0x0  }
0x80: {  	[sflag:s11] =	ssyncadd.s32 $0xFFFFFBF0  }
0x81: {  	[bflag:$0x0] =	sbarrier.arrive $0xFFFF  }
0x82: {  	s23 =	simm.s32 $0x0;
	s26 =	rddreg [dreg:$0x8]  }
0x83: {  	v2 =	vld [tilespmem:$0x6FE0];
	[tilespmem:s23], [sflag:$0x3] =	stream.linear.gather [hbm4b:s26+s23], $0x50, $0x38  }
0x84: {  	s24 =	simm.s32 $0xA0;
	s28 =	rddreg [dreg:$0x9]  }
0x85: {  	[tilespmem:s24], [sflag:$0x3] =	stream.linear.gather [hbm4b:s28+s23], $0x50, $0x38;
	[tilespmem:$0x1CF80] =	vst v63  }
0x86: {  	_ =	swait.ge [sflag:s15], $0x50  }
0x87: {  	[sflag:s15] =	ssyncset.done $0x0  }
0x88: {  	[sflag:s15] =	ssyncadd.s32 $0xFFFFFFB0  }
0x89: {  	_ =	swait.ge [sflag:s15], $0x50  }
0x8a: {  	[sflag:s15] =	ssyncset.done $0x0  }
0x8b: {  	[sflag:s15] =	ssyncadd.s32 $0xFFFFFFB0  }
0x8c: {  	[tilespmem:s12], [sflag:$0x1] =	stream.indirect.gather [hbm4b:s1+s17], $0x80, s23, s17, $0xb8;
	[tilespmem:$0x1CF80] =	vst v63  }
0x8d: {  	_ = 	snop  }
0x8e: {  	[tilespmem:s18], [sflag:$0x1] =	stream.indirect.gather [hbm4b:s5+s17], $0x10, s23, s17, $0xb8;
	[tilespmem:$0x1CF80] =	vst v63  }
0x8f: {  	_ = 	snop  }
0x90: {  	[tilespmem:s19], [sflag:$0x1] =	stream.indirect.gather [hbm4b:s5+s17], $0x10, s24, s17, $0xb8;
	[tilespmem:$0x1CF80] =	vst v63  }
0x91: {  	s29 =	rddreg [dreg:$0xa]  }
0x92: {  	[tilespmem:s17], [sflag:$0x3] =	stream.linear.gather [hbm4b:s29+s23], $0x50, $0x38;
	[tilespmem:$0x1CF80] =	vst v63  }
0x93: {  	s31 =	simm.s32 $0xF0;
	s30 =	rddreg [dreg:$0xb]  }
0x94: {  	[tilespmem:s31], [sflag:$0x3] =	stream.linear.gather [hbm4b:s30+s23], $0x50, $0x38;
	[tilespmem:$0x1CF80] =	vst v63  }
.LBB2_4:
0x95: {  	_ =	swait.ge [sflag:s20], $0x2800  }
0x96: {  	[sflag:s20] =	ssyncset.done $0x0  }
0x97: {  	[sflag:s20] =	ssyncadd.s32 $0xFFFFD800  }
0x98: {  	_ =	swait.ge [sflag:s20], $0x500  }
0x99: {  	[sflag:s20] =	ssyncset.done $0x0  }
0x9a: {  	[sflag:s20] =	ssyncadd.s32 $0xFFFFFB00  }
0x9b: {  	_ =	swait.ge [sflag:s20], $0x500  }
0x9c: {  	p0 =	seq.s32 s23, $0x0;
	[sflag:s20] =	ssyncset.done $0x0  }
0x9d: {  	s25 =	simm.s32 @!p0 $0x2;
	p1 =	seq.s32 @!p0 s23, $0x7C;
	[sflag:s20] =	ssyncadd.s32 $0xFFFFFB00  }
0x9e: {  	p1 =	por p0, !p1;
	_ =	swait.ge @!p0 [sflag:s25], $0x2800  }
.Ltmp1:
0x9f: {  	[sflag:s25] =	ssyncset.done @!p0 $0x0;
	(pc) =	sbr.rel @!p1 .LBB2_6-.Ltmp1, $4  }
0xa0: {  	[sflag:s25] =	ssyncadd.s32 @!p0 $0xFFFFD800  }
0xa1: {  	_ =	swait.ge @!p0 [sflag:s25], $0x500  }
0xa2: {  	[sflag:s25] =	ssyncset.done @!p0 $0x0  }
0xa3: {  	s24 =	sand.u32 $0x1, s23;
	[sflag:s25] =	ssyncadd.s32 @!p0 $0xFFFFFB00;
	s25 =	simm.s32 @!p0 $0x7D  }
0xa4: {  	_ =	swait.ge [sflag:s15], $0x50  }
0xa5: {  	s25 =	sxor.u32 $0x1, s24;
	[sflag:s15] =	ssyncset.done $0x0  }
0xa6: {  	s26 =	smul.u32 $0xA000, s25;
	[sflag:s15] =	ssyncadd.s32 $0xFFFFFFB0  }
0xa7: {  	_ =	swait.ge [sflag:s15], $0x50  }
0xa8: {  	s28 =	smul.u32 $0x50, s25;
	s26 =	sshrl.u32 s26, $0x2;
	[sflag:s15] =	ssyncset.done $0x0  }
0xa9: {  	s25 =	smul.u32 $0x500, s25;
	s26 =	sor.u32 $0x1E0, s26;
	[sflag:s15] =	ssyncadd.s32 $0xFFFFFFB0  }
0xaa: {  	[tilespmem:s26], [sflag:$0x1] =	stream.indirect.gather [hbm4b:s1+s17], $0x80, s28, s17, $0xb8;
	[tilespmem:$0x1CF80] =	vst v63  }
0xab: {  	s30 =	sadd.s32 $0x5BE0, s25  }
0xac: {  	[tilespmem:s30], [sflag:$0x1] =	stream.indirect.gather [hbm4b:s5+s17], $0x10, s28, s17, $0xb8;
	[tilespmem:$0x1CF80] =	vst v63  }
0xad: {  	s31 =	sadd.s32 $0xA0, s28;
	s25 =	sadd.s32 $0x65E0, s25  }
0xae: {  	[tilespmem:s25], [sflag:$0x1] =	stream.indirect.gather [hbm4b:s5+s17], $0x10, s31, s17, $0xb8;
	[tilespmem:$0x1CF80] =	vst v63  }
0xaf: {  	s25 =	sadd.s32 @!p0 $0x1, s23  }
0xb0: {  	s25 =	simm.s32 @p0 $0x1  }
.LBB2_6:
0xb1: {  	s26 =	smul.u32 $0x50, s24;
	_ =	sdelay $0x1  }
0xb2: {  	v3 =	vmov s26  }
0xb3: {  	s28 =	simm.s32 $0x0  }
.LBB2_7:
0xb4: {  	s30 =	sshll.u32 s28, $0x4  }
0xb5: {  	s29 =	sadd.s32 s26, s30  }
0xb6: {  	v4 =	vmov s29  }
0xb7: {  	v5 =	vld.idx.msk [tilespmem:v3+s30+$0xA0 ss:$0x1], $0xffff;
	v4 =	vshll.u32 v4, $0x4  }
0xb8: {  	v4 =	vor.u32 v1, v4  }
0xb9: {  	v6 =	vor.u32 $0x1, v4;
	_ =	sdelay $0x2  }
0xba: {  	[tilespmem:v3+s30+$0x140 ss:$0x1] =	vst.idx.msk $0xffff, v5  }
0xbb: {  	v4 =	vld.idx.msk [tilespmem:v4+s18+$0x0], $0xffff  }
0xbc: {  	v5 =	vld.idx.msk [tilespmem:v6+s19+$0x0], $0xffff;
	_ =	sdelay $0x4  }
0xbd: {  	v4 =	vadd.f32 v5, v4;
	v5 =	vadd.f32 v5, v2;
	_ =	sdelay $0x1  }
0xbe: {  	v60 =	vmul.f32 $2.000000030e-01, v4;
	v7 =	vmul.f32 $2.000000030e-01, v5;
	_ =	sdelay $0x1  }
0xbf: {  	v4 =	vmax.f32 v4, v60;
	v5 =	vmax.f32 v5, v7  }
0xc0: {  	v4 =	vsub.f32 v4, v5;
	_ =	sdelay $0x1  }
0xc1: {  	v4 =	vmul.f32 $1.442695020e+00, v4;
	_ =	sdelay $0x1  }
0xc2: {  	(erf) = vpow2.f32 v4;
	_ =	sdelay $0x8  }
0xc3: {  	v4 =	vpop (erf)  }
0xc4: {  	s14 =	sshll.u32 s29, $0x4;
	v5 =	vbroadcast v4, $0x0  }
0xc5: {  	s31 =	sshll.u32 s29, $0x7;
	s30 =	sand.u32 $0x3FFFFFF0, s14  }
0xc6: {  	[tilespmem:s30+$0x51E0] =	vst v5;
	s30 =	sand.u32 $0x3FFFFF80, s31  }
0xc7: {  	v61 =	vld [tilespmem:s30+$0x1E0]  }
0xc8: {  	v62 =	vld [tilespmem:s30+$0x1F0]  }
0xc9: {  	v8 =	vld [tilespmem:s30+$0x200]  }
0xca: {  	v9 =	vld [tilespmem:s30+$0x210]  }
0xcb: {  	v10 =	vld [tilespmem:s30+$0x220]  }
0xcc: {  	v11 =	vld [tilespmem:s30+$0x230];
	v6 =	vmul.f32 v5, v61  }
0xcd: {  	v12 =	vld [tilespmem:s30+$0x240];
	v7 =	vmul.f32 v5, v62  }
0xce: {  	v13 =	vld [tilespmem:s30+$0x250];
	v63 =	vmul.f32 v5, v8;
	[tilespmem:s30+$0x1E0] =	vst v6  }
0xcf: {  	v14 =	vmul.f32 v9, v5;
	[tilespmem:s30+$0x1F0] =	vst v7  }
0xd0: {  	v15 =	vmul.f32 v10, v5;
	[tilespmem:s30+$0x200] =	vst v63  }
0xd1: {  	v16 =	vmul.f32 v11, v5;
	[tilespmem:s30+$0x210] =	vst v14  }
0xd2: {  	v17 =	vmul.f32 v12, v5;
	[tilespmem:s30+$0x220] =	vst v15  }
0xd3: {  	s31 =	sor.u32 $0x1, s29;
	v5 =	vmul.f32 v13, v5;
	[tilespmem:s30+$0x230] =	vst v16  }
0xd4: {  	v18 =	vbroadcast v4, $0x1;
	s14 =	sshll.u32 s31, $0x4;
	[tilespmem:s30+$0x240] =	vst v17  }
0xd5: {  	s31 =	sshll.u32 s31, $0x7;
	s14 =	sand.u32 $0x3FFFFFF0, s14;
	[tilespmem:s30+$0x250] =	vst v5  }
0xd6: {  	[tilespmem:s14+$0x51E0] =	vst v18;
	s14 =	sand.u32 $0x3FFFFF80, s31  }
0xd7: {  	v5 =	vld [tilespmem:s14+$0x1E0]  }
0xd8: {  	v7 =	vld [tilespmem:s14+$0x1F0]  }
0xd9: {  	v19 =	vld [tilespmem:s14+$0x200]  }
0xda: {  	v20 =	vld [tilespmem:s14+$0x210]  }
0xdb: {  	v21 =	vld [tilespmem:s14+$0x220]  }
0xdc: {  	v22 =	vld [tilespmem:s14+$0x230];
	v5 =	vmul.f32 v5, v18  }
0xdd: {  	v23 =	vld [tilespmem:s14+$0x240];
	v7 =	vmul.f32 v7, v18  }
0xde: {  	v24 =	vld [tilespmem:s14+$0x250];
	[tilespmem:s14+$0x1E0] =	vst v5;
	v5 =	vmul.f32 v19, v18  }
0xdf: {  	v25 =	vmul.f32 v20, v18;
	[tilespmem:s14+$0x1F0] =	vst v7  }
0xe0: {  	[tilespmem:s14+$0x200] =	vst v5;
	v5 =	vmul.f32 v21, v18  }
0xe1: {  	v26 =	vmul.f32 v22, v18;
	[tilespmem:s14+$0x210] =	vst v25  }
0xe2: {  	[tilespmem:s14+$0x220] =	vst v5;
	v5 =	vmul.f32 v23, v18  }
0xe3: {  	s30 =	sor.u32 $0x2, s29;
	v6 =	vmul.f32 v24, v18;
	[tilespmem:s14+$0x230] =	vst v26  }
0xe4: {  	s31 =	sshll.u32 s30, $0x4;
	[tilespmem:s14+$0x240] =	vst v5;
	v5 =	vbroadcast v4, $0x2  }
0xe5: {  	s30 =	sshll.u32 s30, $0x7;
	s31 =	sand.u32 $0x3FFFFFF0, s31;
	[tilespmem:s14+$0x250] =	vst v6  }
0xe6: {  	s14 =	sand.u32 $0x3FFFFF80, s30;
	[tilespmem:s31+$0x51E0] =	vst v5  }
0xe7: {  	v6 =	vld [tilespmem:s14+$0x1E0]  }
0xe8: {  	v7 =	vld [tilespmem:s14+$0x1F0]  }
0xe9: {  	v27 =	vld [tilespmem:s14+$0x200]  }
0xea: {  	v28 =	vld [tilespmem:s14+$0x210]  }
0xeb: {  	v29 =	vld [tilespmem:s14+$0x220]  }
0xec: {  	v30 =	vld [tilespmem:s14+$0x230];
	v6 =	vmul.f32 v6, v5  }
0xed: {  	v31 =	vld [tilespmem:s14+$0x240];
	v7 =	vmul.f32 v7, v5  }
0xee: {  	v33 =	vld [tilespmem:s14+$0x250];
	v32 =	vmul.f32 v27, v5;
	[tilespmem:s14+$0x1E0] =	vst v6  }
0xef: {  	v34 =	vmul.f32 v28, v5;
	[tilespmem:s14+$0x1F0] =	vst v7  }
0xf0: {  	v35 =	vmul.f32 v29, v5;
	[tilespmem:s14+$0x200] =	vst v32  }
0xf1: {  	v36 =	vmul.f32 v30, v5;
	[tilespmem:s14+$0x210] =	vst v34  }
0xf2: {  	v37 =	vmul.f32 v31, v5;
	[tilespmem:s14+$0x220] =	vst v35  }
0xf3: {  	s30 =	sor.u32 $0x3, s29;
	v5 =	vmul.f32 v33, v5;
	[tilespmem:s14+$0x230] =	vst v36  }
0xf4: {  	v38 =	vbroadcast v4, $0x3;
	s31 =	sshll.u32 s30, $0x4;
	[tilespmem:s14+$0x240] =	vst v37  }
0xf5: {  	s30 =	sshll.u32 s30, $0x7;
	s31 =	sand.u32 $0x3FFFFFF0, s31;
	[tilespmem:s14+$0x250] =	vst v5  }
0xf6: {  	s14 =	sand.u32 $0x3FFFFF80, s30;
	[tilespmem:s31+$0x51E0] =	vst v38  }
0xf7: {  	v5 =	vld [tilespmem:s14+$0x1E0]  }
0xf8: {  	v7 =	vld [tilespmem:s14+$0x1F0]  }
0xf9: {  	v39 =	vld [tilespmem:s14+$0x200]  }
0xfa: {  	v40 =	vld [tilespmem:s14+$0x210]  }
0xfb: {  	v41 =	vld [tilespmem:s14+$0x220]  }
0xfc: {  	v42 =	vld [tilespmem:s14+$0x230];
	v5 =	vmul.f32 v5, v38  }
0xfd: {  	v43 =	vld [tilespmem:s14+$0x240];
	v7 =	vmul.f32 v7, v38  }
0xfe: {  	v44 =	vld [tilespmem:s14+$0x250];
	[tilespmem:s14+$0x1E0] =	vst v5;
	v5 =	vmul.f32 v39, v38  }
0xff: {  	v45 =	vmul.f32 v40, v38;
	[tilespmem:s14+$0x1F0] =	vst v7  }
0x100: {  	[tilespmem:s14+$0x200] =	vst v5;
	v5 =	vmul.f32 v41, v38  }
0x101: {  	v46 =	vmul.f32 v42, v38;
	[tilespmem:s14+$0x210] =	vst v45  }
0x102: {  	[tilespmem:s14+$0x220] =	vst v5;
	v5 =	vmul.f32 v43, v38  }
0x103: {  	s30 =	sor.u32 $0x4, s29;
	v6 =	vmul.f32 v44, v38;
	[tilespmem:s14+$0x230] =	vst v46  }
0x104: {  	s31 =	sshll.u32 s30, $0x4;
	[tilespmem:s14+$0x240] =	vst v5;
	v5 =	vbroadcast v4, $0x4  }
0x105: {  	s30 =	sshll.u32 s30, $0x7;
	s31 =	sand.u32 $0x3FFFFFF0, s31;
	[tilespmem:s14+$0x250] =	vst v6  }
0x106: {  	s14 =	sand.u32 $0x3FFFFF80, s30;
	[tilespmem:s31+$0x51E0] =	vst v5  }
0x107: {  	v6 =	vld [tilespmem:s14+$0x1E0]  }
0x108: {  	v7 =	vld [tilespmem:s14+$0x1F0]  }
0x109: {  	v47 =	vld [tilespmem:s14+$0x200]  }
0x10a: {  	v48 =	vld [tilespmem:s14+$0x210]  }
0x10b: {  	v49 =	vld [tilespmem:s14+$0x220]  }
0x10c: {  	v50 =	vld [tilespmem:s14+$0x230];
	v6 =	vmul.f32 v6, v5  }
0x10d: {  	v51 =	vld [tilespmem:s14+$0x240];
	v7 =	vmul.f32 v7, v5  }
0x10e: {  	v53 =	vld [tilespmem:s14+$0x250];
	v52 =	vmul.f32 v47, v5;
	[tilespmem:s14+$0x1E0] =	vst v6  }
0x10f: {  	v54 =	vmul.f32 v48, v5;
	[tilespmem:s14+$0x1F0] =	vst v7  }
0x110: {  	v55 =	vmul.f32 v49, v5;
	[tilespmem:s14+$0x200] =	vst v52  }
0x111: {  	v56 =	vmul.f32 v50, v5;
	[tilespmem:s14+$0x210] =	vst v54  }
0x112: {  	v57 =	vmul.f32 v51, v5;
	[tilespmem:s14+$0x220] =	vst v55  }
0x113: {  	s30 =	sor.u32 $0x5, s29;
	v5 =	vmul.f32 v53, v5;
	[tilespmem:s14+$0x230] =	vst v56  }
0x114: {  	v58 =	vbroadcast v4, $0x5;
	s31 =	sshll.u32 s30, $0x4;
	[tilespmem:s14+$0x240] =	vst v57  }
0x115: {  	s30 =	sshll.u32 s30, $0x7;
	s31 =	sand.u32 $0x3FFFFFF0, s31;
	[tilespmem:s14+$0x250] =	vst v5  }
0x116: {  	s14 =	sand.u32 $0x3FFFFF80, s30;
	[tilespmem:s31+$0x51E0] =	vst v58  }
0x117: {  	v5 =	vld [tilespmem:s14+$0x1E0]  }
0x118: {  	v7 =	vld [tilespmem:s14+$0x1F0]  }
0x119: {  	v59 =	vld [tilespmem:s14+$0x200]  }
0x11a: {  	v60 =	vld [tilespmem:s14+$0x210]  }
0x11b: {  	v61 =	vld [tilespmem:s14+$0x220]  }
0x11c: {  	v62 =	vld [tilespmem:s14+$0x230];
	v5 =	vmul.f32 v5, v58  }
0x11d: {  	v63 =	vld [tilespmem:s14+$0x240];
	v7 =	vmul.f32 v7, v58  }
0x11e: {  	v14 =	vld [tilespmem:s14+$0x250];
	[tilespmem:s14+$0x1E0] =	vst v5;
	v5 =	vmul.f32 v59, v58  }
0x11f: {  	v15 =	vmul.f32 v60, v58;
	[tilespmem:s14+$0x1F0] =	vst v7  }
0x120: {  	[tilespmem:s14+$0x200] =	vst v5;
	v5 =	vmul.f32 v61, v58  }
0x121: {  	v16 =	vmul.f32 v62, v58;
	[tilespmem:s14+$0x210] =	vst v15  }
0x122: {  	[tilespmem:s14+$0x220] =	vst v5;
	v5 =	vmul.f32 v63, v58  }
0x123: {  	s30 =	sor.u32 $0x6, s29;
	v6 =	vmul.f32 v14, v58;
	[tilespmem:s14+$0x230] =	vst v16  }
0x124: {  	s31 =	sshll.u32 s30, $0x4;
	[tilespmem:s14+$0x240] =	vst v5;
	v5 =	vbroadcast v4, $0x6  }
0x125: {  	s30 =	sshll.u32 s30, $0x7;
	s31 =	sand.u32 $0x3FFFFFF0, s31;
	[tilespmem:s14+$0x250] =	vst v6  }
0x126: {  	s14 =	sand.u32 $0x3FFFFF80, s30;
	[tilespmem:s31+$0x51E0] =	vst v5  }
0x127: {  	v6 =	vld [tilespmem:s14+$0x1E0]  }
0x128: {  	v7 =	vld [tilespmem:s14+$0x1F0]  }
0x129: {  	v17 =	vld [tilespmem:s14+$0x200]  }
0x12a: {  	v18 =	vld [tilespmem:s14+$0x210]  }
0x12b: {  	v19 =	vld [tilespmem:s14+$0x220]  }
0x12c: {  	v20 =	vld [tilespmem:s14+$0x230];
	v6 =	vmul.f32 v6, v5  }
0x12d: {  	v21 =	vld [tilespmem:s14+$0x240];
	v7 =	vmul.f32 v7, v5  }
0x12e: {  	v23 =	vld [tilespmem:s14+$0x250];
	v22 =	vmul.f32 v17, v5;
	[tilespmem:s14+$0x1E0] =	vst v6  }
0x12f: {  	v24 =	vmul.f32 v18, v5;
	[tilespmem:s14+$0x1F0] =	vst v7  }
0x130: {  	v25 =	vmul.f32 v19, v5;
	[tilespmem:s14+$0x200] =	vst v22  }
0x131: {  	v26 =	vmul.f32 v20, v5;
	[tilespmem:s14+$0x210] =	vst v24  }
0x132: {  	v27 =	vmul.f32 v21, v5;
	[tilespmem:s14+$0x220] =	vst v25  }
0x133: {  	s30 =	sor.u32 $0x7, s29;
	v5 =	vmul.f32 v23, v5;
	[tilespmem:s14+$0x230] =	vst v26  }
0x134: {  	v28 =	vbroadcast v4, $0x7;
	s31 =	sshll.u32 s30, $0x4;
	[tilespmem:s14+$0x240] =	vst v27  }
0x135: {  	s30 =	sshll.u32 s30, $0x7;
	s31 =	sand.u32 $0x3FFFFFF0, s31;
	[tilespmem:s14+$0x250] =	vst v5  }
0x136: {  	s14 =	sand.u32 $0x3FFFFF80, s30;
	[tilespmem:s31+$0x51E0] =	vst v28  }
0x137: {  	v5 =	vld [tilespmem:s14+$0x1E0]  }
0x138: {  	v7 =	vld [tilespmem:s14+$0x1F0]  }
0x139: {  	v29 =	vld [tilespmem:s14+$0x200]  }
0x13a: {  	v30 =	vld [tilespmem:s14+$0x210]  }
0x13b: {  	v31 =	vld [tilespmem:s14+$0x220]  }
0x13c: {  	v32 =	vld [tilespmem:s14+$0x230];
	v5 =	vmul.f32 v5, v28  }
0x13d: {  	v33 =	vld [tilespmem:s14+$0x240];
	v7 =	vmul.f32 v7, v28  }
0x13e: {  	v34 =	vld [tilespmem:s14+$0x250];
	[tilespmem:s14+$0x1E0] =	vst v5;
	v5 =	vmul.f32 v29, v28  }
0x13f: {  	v35 =	vmul.f32 v30, v28;
	[tilespmem:s14+$0x1F0] =	vst v7  }
0x140: {  	[tilespmem:s14+$0x200] =	vst v5;
	v5 =	vmul.f32 v31, v28  }
0x141: {  	v36 =	vmul.f32 v32, v28;
	[tilespmem:s14+$0x210] =	vst v35  }
0x142: {  	[tilespmem:s14+$0x220] =	vst v5;
	v5 =	vmul.f32 v33, v28  }
0x143: {  	s30 =	sor.u32 $0x8, s29;
	v6 =	vmul.f32 v34, v28;
	[tilespmem:s14+$0x230] =	vst v36  }
0x144: {  	s31 =	sshll.u32 s30, $0x4;
	[tilespmem:s14+$0x240] =	vst v5;
	v5 =	vbroadcast v4, $0x8  }
0x145: {  	s30 =	sshll.u32 s30, $0x7;
	s31 =	sand.u32 $0x3FFFFFF0, s31;
	[tilespmem:s14+$0x250] =	vst v6  }
0x146: {  	s14 =	sand.u32 $0x3FFFFF80, s30;
	[tilespmem:s31+$0x51E0] =	vst v5  }
0x147: {  	v6 =	vld [tilespmem:s14+$0x1E0]  }
0x148: {  	v7 =	vld [tilespmem:s14+$0x1F0]  }
0x149: {  	v37 =	vld [tilespmem:s14+$0x200]  }
0x14a: {  	v38 =	vld [tilespmem:s14+$0x210]  }
0x14b: {  	v39 =	vld [tilespmem:s14+$0x220]  }
0x14c: {  	v40 =	vld [tilespmem:s14+$0x230];
	v6 =	vmul.f32 v6, v5  }
0x14d: {  	v41 =	vld [tilespmem:s14+$0x240];
	v7 =	vmul.f32 v7, v5  }
0x14e: {  	v43 =	vld [tilespmem:s14+$0x250];
	v42 =	vmul.f32 v37, v5;
	[tilespmem:s14+$0x1E0] =	vst v6  }
0x14f: {  	v44 =	vmul.f32 v38, v5;
	[tilespmem:s14+$0x1F0] =	vst v7  }
0x150: {  	v45 =	vmul.f32 v39, v5;
	[tilespmem:s14+$0x200] =	vst v42  }
0x151: {  	v46 =	vmul.f32 v40, v5;
	[tilespmem:s14+$0x210] =	vst v44  }
0x152: {  	v47 =	vmul.f32 v41, v5;
	[tilespmem:s14+$0x220] =	vst v45  }
0x153: {  	s30 =	sor.u32 $0x9, s29;
	v5 =	vmul.f32 v43, v5;
	[tilespmem:s14+$0x230] =	vst v46  }
0x154: {  	v48 =	vbroadcast v4, $0x9;
	s31 =	sshll.u32 s30, $0x4;
	[tilespmem:s14+$0x240] =	vst v47  }
0x155: {  	s30 =	sshll.u32 s30, $0x7;
	s31 =	sand.u32 $0x3FFFFFF0, s31;
	[tilespmem:s14+$0x250] =	vst v5  }
0x156: {  	s14 =	sand.u32 $0x3FFFFF80, s30;
	[tilespmem:s31+$0x51E0] =	vst v48  }
0x157: {  	v5 =	vld [tilespmem:s14+$0x1E0]  }
0x158: {  	v7 =	vld [tilespmem:s14+$0x1F0]  }
0x159: {  	v49 =	vld [tilespmem:s14+$0x200]  }
0x15a: {  	v50 =	vld [tilespmem:s14+$0x210]  }
0x15b: {  	v51 =	vld [tilespmem:s14+$0x220]  }
0x15c: {  	v52 =	vld [tilespmem:s14+$0x230];
	v5 =	vmul.f32 v5, v48  }
0x15d: {  	v53 =	vld [tilespmem:s14+$0x240];
	v7 =	vmul.f32 v7, v48  }
0x15e: {  	v54 =	vld [tilespmem:s14+$0x250];
	[tilespmem:s14+$0x1E0] =	vst v5;
	v5 =	vmul.f32 v49, v48  }
0x15f: {  	v55 =	vmul.f32 v50, v48;
	[tilespmem:s14+$0x1F0] =	vst v7  }
0x160: {  	[tilespmem:s14+$0x200] =	vst v5;
	v5 =	vmul.f32 v51, v48  }
0x161: {  	v56 =	vmul.f32 v52, v48;
	[tilespmem:s14+$0x210] =	vst v55  }
0x162: {  	[tilespmem:s14+$0x220] =	vst v5;
	v5 =	vmul.f32 v53, v48  }
0x163: {  	s30 =	sor.u32 $0xA, s29;
	v6 =	vmul.f32 v54, v48;
	[tilespmem:s14+$0x230] =	vst v56  }
0x164: {  	s31 =	sshll.u32 s30, $0x4;
	[tilespmem:s14+$0x240] =	vst v5;
	v5 =	vbroadcast v4, $0xA  }
0x165: {  	s30 =	sshll.u32 s30, $0x7;
	s31 =	sand.u32 $0x3FFFFFF0, s31;
	[tilespmem:s14+$0x250] =	vst v6  }
0x166: {  	s14 =	sand.u32 $0x3FFFFF80, s30;
	[tilespmem:s31+$0x51E0] =	vst v5  }
0x167: {  	v6 =	vld [tilespmem:s14+$0x1E0]  }
0x168: {  	v7 =	vld [tilespmem:s14+$0x1F0]  }
0x169: {  	v57 =	vld [tilespmem:s14+$0x200]  }
0x16a: {  	v58 =	vld [tilespmem:s14+$0x210]  }
0x16b: {  	v59 =	vld [tilespmem:s14+$0x220]  }
0x16c: {  	v60 =	vld [tilespmem:s14+$0x230];
	v6 =	vmul.f32 v6, v5  }
0x16d: {  	v61 =	vld [tilespmem:s14+$0x240];
	v7 =	vmul.f32 v7, v5  }
0x16e: {  	v63 =	vld [tilespmem:s14+$0x250];
	v62 =	vmul.f32 v57, v5;
	[tilespmem:s14+$0x1E0] =	vst v6  }
0x16f: {  	v13 =	vmul.f32 v58, v5;
	[tilespmem:s14+$0x1F0] =	vst v7  }
0x170: {  	v14 =	vmul.f32 v59, v5;
	[tilespmem:s14+$0x200] =	vst v62  }
0x171: {  	v15 =	vmul.f32 v60, v5;
	[tilespmem:s14+$0x210] =	vst v13  }
0x172: {  	v16 =	vmul.f32 v61, v5;
	[tilespmem:s14+$0x220] =	vst v14  }
0x173: {  	s30 =	sor.u32 $0xB, s29;
	v5 =	vmul.f32 v63, v5;
	[tilespmem:s14+$0x230] =	vst v15  }
0x174: {  	v17 =	vbroadcast v4, $0xB;
	s31 =	sshll.u32 s30, $0x4;
	[tilespmem:s14+$0x240] =	vst v16  }
0x175: {  	s30 =	sshll.u32 s30, $0x7;
	s31 =	sand.u32 $0x3FFFFFF0, s31;
	[tilespmem:s14+$0x250] =	vst v5  }
0x176: {  	s14 =	sand.u32 $0x3FFFFF80, s30;
	[tilespmem:s31+$0x51E0] =	vst v17  }
0x177: {  	v5 =	vld [tilespmem:s14+$0x1E0]  }
0x178: {  	v7 =	vld [tilespmem:s14+$0x1F0]  }
0x179: {  	v18 =	vld [tilespmem:s14+$0x200]  }
0x17a: {  	v19 =	vld [tilespmem:s14+$0x210]  }
0x17b: {  	v20 =	vld [tilespmem:s14+$0x220]  }
0x17c: {  	v21 =	vld [tilespmem:s14+$0x230];
	v5 =	vmul.f32 v5, v17  }
0x17d: {  	v22 =	vld [tilespmem:s14+$0x240];
	v7 =	vmul.f32 v7, v17  }
0x17e: {  	v23 =	vld [tilespmem:s14+$0x250];
	[tilespmem:s14+$0x1E0] =	vst v5;
	v5 =	vmul.f32 v18, v17  }
0x17f: {  	v24 =	vmul.f32 v19, v17;
	[tilespmem:s14+$0x1F0] =	vst v7  }
0x180: {  	[tilespmem:s14+$0x200] =	vst v5;
	v5 =	vmul.f32 v20, v17  }
0x181: {  	v25 =	vmul.f32 v21, v17;
	[tilespmem:s14+$0x210] =	vst v24  }
0x182: {  	[tilespmem:s14+$0x220] =	vst v5;
	v5 =	vmul.f32 v22, v17  }
0x183: {  	s30 =	sor.u32 $0xC, s29;
	v6 =	vmul.f32 v23, v17;
	[tilespmem:s14+$0x230] =	vst v25  }
0x184: {  	s31 =	sshll.u32 s30, $0x4;
	[tilespmem:s14+$0x240] =	vst v5;
	v5 =	vbroadcast v4, $0xC  }
0x185: {  	s30 =	sshll.u32 s30, $0x7;
	s31 =	sand.u32 $0x3FFFFFF0, s31;
	[tilespmem:s14+$0x250] =	vst v6  }
0x186: {  	s14 =	sand.u32 $0x3FFFFF80, s30;
	[tilespmem:s31+$0x51E0] =	vst v5  }
0x187: {  	v6 =	vld [tilespmem:s14+$0x1E0]  }
0x188: {  	v7 =	vld [tilespmem:s14+$0x1F0]  }
0x189: {  	v26 =	vld [tilespmem:s14+$0x200]  }
0x18a: {  	v27 =	vld [tilespmem:s14+$0x210]  }
0x18b: {  	v28 =	vld [tilespmem:s14+$0x220]  }
0x18c: {  	v29 =	vld [tilespmem:s14+$0x230];
	v6 =	vmul.f32 v6, v5  }
0x18d: {  	v30 =	vld [tilespmem:s14+$0x240];
	v7 =	vmul.f32 v7, v5  }
0x18e: {  	v32 =	vld [tilespmem:s14+$0x250];
	v31 =	vmul.f32 v26, v5;
	[tilespmem:s14+$0x1E0] =	vst v6  }
0x18f: {  	v33 =	vmul.f32 v27, v5;
	[tilespmem:s14+$0x1F0] =	vst v7  }
0x190: {  	v34 =	vmul.f32 v28, v5;
	[tilespmem:s14+$0x200] =	vst v31  }
0x191: {  	v35 =	vmul.f32 v29, v5;
	[tilespmem:s14+$0x210] =	vst v33  }
0x192: {  	v36 =	vmul.f32 v30, v5;
	[tilespmem:s14+$0x220] =	vst v34  }
0x193: {  	s30 =	sor.u32 $0xD, s29;
	v5 =	vmul.f32 v32, v5;
	[tilespmem:s14+$0x230] =	vst v35  }
0x194: {  	v37 =	vbroadcast v4, $0xD;
	s31 =	sshll.u32 s30, $0x4;
	[tilespmem:s14+$0x240] =	vst v36  }
0x195: {  	s30 =	sshll.u32 s30, $0x7;
	s31 =	sand.u32 $0x3FFFFFF0, s31;
	[tilespmem:s14+$0x250] =	vst v5  }
0x196: {  	s14 =	sand.u32 $0x3FFFFF80, s30;
	[tilespmem:s31+$0x51E0] =	vst v37  }
0x197: {  	v5 =	vld [tilespmem:s14+$0x1E0]  }
0x198: {  	v7 =	vld [tilespmem:s14+$0x1F0]  }
0x199: {  	v38 =	vld [tilespmem:s14+$0x200]  }
0x19a: {  	v39 =	vld [tilespmem:s14+$0x210]  }
0x19b: {  	v40 =	vld [tilespmem:s14+$0x220]  }
0x19c: {  	v41 =	vld [tilespmem:s14+$0x230];
	v5 =	vmul.f32 v5, v37  }
0x19d: {  	v42 =	vld [tilespmem:s14+$0x240];
	v7 =	vmul.f32 v7, v37  }
0x19e: {  	v43 =	vld [tilespmem:s14+$0x250];
	[tilespmem:s14+$0x1E0] =	vst v5;
	v5 =	vmul.f32 v38, v37  }
0x19f: {  	v44 =	vmul.f32 v39, v37;
	[tilespmem:s14+$0x1F0] =	vst v7  }
0x1a0: {  	[tilespmem:s14+$0x200] =	vst v5;
	v5 =	vmul.f32 v40, v37  }
0x1a1: {  	v45 =	vmul.f32 v41, v37;
	[tilespmem:s14+$0x210] =	vst v44  }
0x1a2: {  	[tilespmem:s14+$0x220] =	vst v5;
	v5 =	vmul.f32 v42, v37  }
0x1a3: {  	s30 =	sor.u32 $0xE, s29;
	v6 =	vmul.f32 v43, v37;
	[tilespmem:s14+$0x230] =	vst v45  }
0x1a4: {  	s31 =	sshll.u32 s30, $0x4;
	[tilespmem:s14+$0x240] =	vst v5;
	v5 =	vbroadcast v4, $0xE  }
0x1a5: {  	s30 =	sshll.u32 s30, $0x7;
	s31 =	sand.u32 $0x3FFFFFF0, s31;
	[tilespmem:s14+$0x250] =	vst v6  }
0x1a6: {  	s14 =	sand.u32 $0x3FFFFF80, s30;
	[tilespmem:s31+$0x51E0] =	vst v5  }
0x1a7: {  	v6 =	vld [tilespmem:s14+$0x1E0]  }
0x1a8: {  	v7 =	vld [tilespmem:s14+$0x1F0]  }
0x1a9: {  	v46 =	vld [tilespmem:s14+$0x200]  }
0x1aa: {  	v47 =	vld [tilespmem:s14+$0x210]  }
0x1ab: {  	v48 =	vld [tilespmem:s14+$0x220]  }
0x1ac: {  	v49 =	vld [tilespmem:s14+$0x230];
	v6 =	vmul.f32 v6, v5  }
0x1ad: {  	v50 =	vld [tilespmem:s14+$0x240];
	v7 =	vmul.f32 v7, v5  }
0x1ae: {  	v52 =	vld [tilespmem:s14+$0x250];
	v51 =	vmul.f32 v46, v5;
	[tilespmem:s14+$0x1E0] =	vst v6  }
0x1af: {  	v53 =	vmul.f32 v47, v5;
	[tilespmem:s14+$0x1F0] =	vst v7  }
0x1b0: {  	v54 =	vmul.f32 v48, v5;
	[tilespmem:s14+$0x200] =	vst v51  }
0x1b1: {  	v55 =	vmul.f32 v49, v5;
	[tilespmem:s14+$0x210] =	vst v53  }
0x1b2: {  	v56 =	vmul.f32 v50, v5;
	[tilespmem:s14+$0x220] =	vst v54  }
0x1b3: {  	s29 =	sor.u32 $0xF, s29;
	v5 =	vmul.f32 v52, v5;
	[tilespmem:s14+$0x230] =	vst v55  }
0x1b4: {  	v4 =	vbroadcast v4, $0xF;
	s31 =	sshll.u32 s29, $0x4;
	[tilespmem:s14+$0x240] =	vst v56  }
0x1b5: {  	s29 =	sshll.u32 s29, $0x7;
	s30 =	sand.u32 $0x3FFFFFF0, s31;
	[tilespmem:s14+$0x250] =	vst v5  }
0x1b6: {  	s31 =	sand.u32 $0x3FFFFF80, s29;
	[tilespmem:s30+$0x51E0] =	vst v4  }
0x1b7: {  	v5 =	vld [tilespmem:s31+$0x1E0]  }
0x1b8: {  	v6 =	vld [tilespmem:s31+$0x1F0]  }
0x1b9: {  	v7 =	vld [tilespmem:s31+$0x200]  }
0x1ba: {  	v57 =	vld [tilespmem:s31+$0x210]  }
0x1bb: {  	v58 =	vld [tilespmem:s31+$0x220]  }
0x1bc: {  	v59 =	vld [tilespmem:s31+$0x230];
	v5 =	vmul.f32 v5, v4  }
0x1bd: {  	v60 =	vld [tilespmem:s31+$0x240];
	v6 =	vmul.f32 v6, v4  }
0x1be: {  	v61 =	vld [tilespmem:s31+$0x250];
	[tilespmem:s31+$0x1E0] =	vst v5;
	v5 =	vmul.f32 v7, v4  }
0x1bf: {  	v62 =	vmul.f32 v57, v4;
	[tilespmem:s31+$0x1F0] =	vst v6  }
0x1c0: {  	p0 =	sne.s32 s28, $0x4;
	[tilespmem:s31+$0x200] =	vst v5;
	v5 =	vmul.f32 v58, v4  }
.Ltmp2:
0x1c1: {  	v63 =	vmul.f32 v59, v4;
	[tilespmem:s31+$0x210] =	vst v62;
	(pc) =	sbr.rel @p0 .LBB2_7-.Ltmp2, $4  }
0x1c2: {  	[tilespmem:s31+$0x220] =	vst v5;
	v5 =	vmul.f32 v60, v4  }
0x1c3: {  	[tilespmem:s31+$0x230] =	vst v63;
	v4 =	vmul.f32 v61, v4  }
0x1c4: {  	[tilespmem:s31+$0x240] =	vst v5  }
0x1c5: {  	s28 =	sadd.s32 $0x1, s28;
	[tilespmem:s31+$0x250] =	vst v4  }
0x1c6: {  	p0 =	sgt.u32 s23, $0x7A  }
0x1c7: {  	s14 =	smul.u32 @!p0 $0x50, s23;
	_ =	sdelay $0x1  }
0x1c8: {  	s14 =	sadd.s32 @!p0 s14, s16  }
0x1c9: {  	s14 =	sshrl.u32 @!p0 s14, $0x3  }
0x1ca: {  	s28 =	simm.s32 @!p0 $0x0;
	s23 =	sadd.s32 @!p0 s8, s14  }
0x1cb: {  	[tilespmem:s26], [sflag:$0x3] =	stream.linear.gather @!p0 [hbm4b:s23+s28], $0x50, $0x38;
	[tilespmem:$0x1CF80] =	vst v63  }
0x1cc: {  	s29 =	smul.u32 $0xA000, s24;
	s14 =	sadd.s32 @!p0 s9, s14;
	s23 =	sadd.s32 @!p0 $0xA0, s26  }
0x1cd: {  	[tilespmem:s23], [sflag:$0x3] =	stream.linear.gather @!p0 [hbm4b:s14+s28], $0x50, $0x38;
	[tilespmem:$0x1CF80] =	vst v63  }
0x1ce: {  	s30 =	smul.u32 $0x1400, s24;
	p0 =	slt.u32 s25, $0x7D  }
.Ltmp3:
0x1cf: {  	s28 =	sshrl.u32 s29, $0x2;
	(pc) =	sbr.rel @p0 .LBB2_4-.Ltmp3, $4  }
0x1d0: {  	s31 =	sshrl.u32 s30, $0x2;
	s29 =	sadd.s32 $0x140, s26;
	s14 =	sor.u32 $0x1E0, s28  }
0x1d1: {  	[spmem:s2] =	stream.indirect.scatter.add.f32 [tilespmem:s14], [sflag:$0x2], $0x80, s29, s17, $0xb8;
	[tilespmem:$0x1CF80] =	vst v63  }
0x1d2: {  	s23 =	smov.u32 s25;
	s14 =	sadd.s32 $0x51E0, s31  }
0x1d3: {  	[spmem:s3] =	stream.indirect.scatter.add.f32 [tilespmem:s14], [sflag:$0x2], $0x10, s29, s17, $0xb8;
	[tilespmem:$0x1CF80] =	vst v63  }
0x1d4: {  	_ =	swait.ge [sflag:s21], $0x2800  }
0x1d5: {  	[sflag:s21] =	ssyncset.done $0x0  }
0x1d6: {  	[sflag:s21] =	ssyncadd.s32 $0xFFFFD800  }
0x1d7: {  	_ =	swait.ge [sflag:s21], $0x500  }
0x1d8: {  	[sflag:s21] =	ssyncset.done $0x0  }
0x1d9: {  	s14 =	stileid.u32;
	[sflag:s21] =	ssyncadd.s32 $0xFFFFFB00  }
0x1da: {  	s14 =	sshll.u32 s14, $0x6;
	[bflag:$0x0] =	sbarrier.arrive $0xFFFF  }
0x1db: {  	s14 =	sor.u32 $0x1C04, s14;
	s23 =	rddreg [dreg:$0xc]  }
0x1dc: {  	[hbm:s23], [sflag:s14] =	dma.local [spmem:s7], $0x2710  }
0x1dd: {  	_ =	swait.ge [sflag:s11], $0x2710  }
0x1de: {  	[sflag:s11] =	ssyncset.done $0x0  }
0x1df: {  	s30 =	rddreg [dreg:$0xf];
	[sflag:s11] =	ssyncadd.s32 $0xFFFFD8F0  }
0x1e0: {  	[hbm:s30], [sflag:s14] =	dma.local [spmem:s10], $0x4E2  }
0x1e1: {  	_ =	swait.ge [sflag:s11], $0x4E2  }
0x1e2: {  	s22 =	sadd.s32 $0x1, s22;
	s31 =	rddreg [dreg:$0xd]  }
0x1e3: {  	p0 =	sne.s32 s22, s31  }
.Ltmp4:
0x1e4: {  	_ = 	snop;
	(pc) =	sbr.rel @p0 .LBB2_1-.Ltmp4, $3  }
0x1e5: {  	_ =	sdelay $0x1  }
0x1e6: {  	[sflag:s11] =	ssyncset.done $0x0  }
0x1e7: {  	[sflag:s11] =	ssyncadd.s32 $0xFFFFFB1E  }
0x1e8: {  	_ =	sfence.sel $0x180000  }
0x1e9: {  	[bflag:$0x0] =	sbarrier.arrive $0xFFFF  }
0x1ea: {  	_ =	strace $0x90000047  }
0x1eb: {  	s0 =	stileid.u32;
	[bflag:$0x2] =	sbarrier.arrive $0xFFFF  }
0x1ec: {  	p0 =	sne.s32 s0, $0x0;
	s0 =	rddreg [dreg:$0x4]  }
0x1ed: {  	s0 =	sadd.s32 @!p0 $0x100000, s0  }
0x1ee: {  	[sflag:s0] =	ssyncadd.tile.s32 @!p0 $0x1;
	_ =	shalt  }
.Lfunc_end2:
_tile_overlayer_lowered:
.L_overlay_start_2:
0x1ef: {  	(tag) =	ssettag $0x2  }
0x1f0: {  	s0 =	rddreg [dreg:$0x0];
	s2 =	stileid.u32  }
0x1f1: {  	s1 =	rddreg [dreg:$0x1];
	p0 =	sne.s32 s2, $0x0  }
0x1f2: {  	s3 =	rddreg [dreg:$0x2];
	[bflag:$0x3] =	sbarrier.arrive $0xFFFF;
	s2 =	simm.s32 @!p0 $0x1C04  }
0x1f3: {  	[timem:s3], [sflag:s2] =	dma.local @!p0 [hbm:s0], s1  }
0x1f4: {  	s0 =	simm.s32 @!p0 $0x4  }
0x1f5: {  	_ =	swait.ge @!p0 [sflag:s0], s1  }
0x1f6: {  	s1 =	ssub.s32 @!p0 $0x0, s1;
	[sflag:s0] =	ssyncset.done @!p0 $0x0  }
0x1f7: {  	[sflag:s0] =	ssyncadd.s32 @!p0 s1  }
0x1f8: {  	[bflag:$0x3] =	sbarrier.arrive $0xFFFF  }
0x1f9: {  	_ =	shalt  }

</sc_bundles>
